<compile_context>
chip_gen: v7x
topology: tpu7x:2x2x1
jax: 0.10.2.dev20260603
libtpu: 0.0.44.dev20260713+nightly
codegen_flags: <defaults>
</compile_context>

<pallas_src>
import functools

import jax
import jax.numpy as jnp
from jax import lax
from jax.experimental import pallas as pl
from jax.experimental.pallas import tpu as pltpu
from jax.experimental.pallas import tpu_sc as plsc

N_NODES = 100000
N_EDGES = 6400000
IN_DIM = 8
HIDDEN = 128
XCOLS = 16

NUM_WORKERS = 32
ROW = 128
ROWS_PER_ITER = 5
EDGE_ROWS = N_EDGES // ROW
N_CHUNKS = EDGE_ROWS // ROWS_PER_ITER
CHUNKS_MAIN = -(-N_CHUNKS // NUM_WORKERS)
CHUNKS_LAST = N_CHUNKS - 31 * CHUNKS_MAIN
AGG_ROWS = 102400
ZROWS = AGG_ROWS // 16


def _sc_body(xaug_hbm, ei_hbm, zeros_hbm, out_hbm,
             idx_v0, idx_v1, rows_v0, rows_v1, agg_sh,
             gsem0, gsem1, ssem0, ssem1, isem0, isem1):
    c = lax.axis_index("c")
    s = lax.axis_index("s")
    w = c * 16 + s

    pltpu.sync_copy(zeros_hbm, agg_sh.at[pl.ds(s * ZROWS, ZROWS)])
    plsc.subcore_barrier()

    base_chunk = w * CHUNKS_MAIN
    n = jnp.where(w == NUM_WORKERS - 1, CHUNKS_LAST, CHUNKS_MAIN)

    def fire_idx(i, idx_v, isem):
        r0 = (base_chunk + i) * ROWS_PER_ITER
        pltpu.async_copy(ei_hbm.at[:, pl.ds(r0, ROWS_PER_ITER)], idx_v, isem)

    def wait_idx(i, idx_v, isem):
        r0 = (base_chunk + i) * ROWS_PER_ITER
        pltpu.make_async_copy(ei_hbm.at[:, pl.ds(r0, ROWS_PER_ITER)],
                              idx_v, isem).wait()

    def fire_gathers(idx_v, rows_v, gsem):
        for j in range(ROWS_PER_ITER):
            pltpu.async_copy(xaug_hbm.at[idx_v.at[1].at[j]],
                             rows_v.at[j], gsem)

    def drain_gathers(idx_v, rows_v, gsem):
        for j in range(ROWS_PER_ITER):
            pltpu.make_async_copy(xaug_hbm.at[idx_v.at[1].at[j]],
                                  rows_v.at[j], gsem).wait()

    def fire_scatters(idx_v, rows_v, ssem):
        for j in range(ROWS_PER_ITER):
            pltpu.async_copy(rows_v.at[j],
                             agg_sh.at[idx_v.at[0].at[j]], ssem, add=True)

    def drain_scatters(idx_v, rows_v, ssem):
        for j in range(ROWS_PER_ITER):
            pltpu.make_async_copy(rows_v.at[j],
                                  agg_sh.at[idx_v.at[0].at[j]], ssem).wait()

    bufs = ((idx_v0, rows_v0, gsem0, ssem0, isem0),
            (idx_v1, rows_v1, gsem1, ssem1, isem1))

    fire_idx(0, idx_v0, isem0)
    wait_idx(0, idx_v0, isem0)
    fire_gathers(idx_v0, rows_v0, gsem0)

    def stage(i, cur, nxt):
        idx_c, rows_c, gsem_c, ssem_c, isem_c = cur
        idx_n, rows_n, gsem_n, ssem_n, isem_n = nxt

        @pl.when(i >= 1)
        def _():
            drain_scatters(idx_n, rows_n, ssem_n)

        @pl.when(i + 1 < n)
        def _():
            fire_idx(i + 1, idx_n, isem_n)

        drain_gathers(idx_c, rows_c, gsem_c)

        @pl.when(i + 1 < n)
        def _():
            wait_idx(i + 1, idx_n, isem_n)
            fire_gathers(idx_n, rows_n, gsem_n)

        fire_scatters(idx_c, rows_c, ssem_c)

    @pl.loop(0, n)
    def _edge_iter(i):
        even = (i % 2) == 0

        @pl.when(even)
        def _():
            stage(i, bufs[0], bufs[1])

        @pl.when(jnp.logical_not(even))
        def _():
            stage(i, bufs[1], bufs[0])

    last_even = ((n - 1) % 2) == 0

    @pl.when(last_even)
    def _():
        drain_scatters(idx_v0, rows_v0, ssem0)

    @pl.when(jnp.logical_not(last_even))
    def _():
        drain_scatters(idx_v1, rows_v1, ssem1)

    plsc.subcore_barrier()
    pltpu.sync_copy(agg_sh.at[pl.ds(s * ZROWS, ZROWS)],
                    out_hbm.at[c].at[pl.ds(s * ZROWS, ZROWS)])


def _scatter_parts(xaug, ei3, zeros_hbm):
    mesh = plsc.VectorSubcoreMesh(core_axis_name="c", subcore_axis_name="s")
    f = pl.kernel(
        _sc_body,
        out_type=jax.ShapeDtypeStruct((2, AGG_ROWS, XCOLS), jnp.float32),
        mesh=mesh,
        scratch_types=[
            pltpu.VMEM((2, ROWS_PER_ITER, ROW), jnp.int32),
            pltpu.VMEM((2, ROWS_PER_ITER, ROW), jnp.int32),
            pltpu.VMEM((ROWS_PER_ITER, ROW, XCOLS), jnp.float32),
            pltpu.VMEM((ROWS_PER_ITER, ROW, XCOLS), jnp.float32),
            pltpu.VMEM_SHARED((AGG_ROWS, XCOLS), jnp.float32),
            pltpu.SemaphoreType.DMA,
            pltpu.SemaphoreType.DMA,
            pltpu.SemaphoreType.DMA,
            pltpu.SemaphoreType.DMA,
            pltpu.SemaphoreType.DMA,
            pltpu.SemaphoreType.DMA,
        ],
        compiler_params=pltpu.CompilerParams(use_tc_tiling_on_sc=False),
    )
    return f(xaug, ei3, zeros_hbm)


PACK = 128 // XCOLS
PROWS = AGG_ROWS // PACK
NBLK = 50
PBLK = PROWS // NBLK
BLK = PBLK * PACK
PWIDE = PACK * HIDDEN


def _mlp_body(parts_ref, xa_ref, w1pp_ref, e8s_ref, b1p_ref, w2t_ref,
              b2_ref, w3t_ref, b3_ref, wv_ref, bv_ref, out_ref, acc_ref):
    i = pl.program_id(0)
    p2 = parts_ref[0] + parts_ref[1]
    dims = (((1,), (0,)), ((), ()))
    degp = jnp.maximum(lax.dot_general(p2, e8s_ref[...], dims), 1.0)
    q = xa_ref[...] + p2 / degp
    h1p = jnp.maximum(lax.dot_general(q, w1pp_ref[...], dims)
                      + b1p_ref[...], 0.0)
    h = h1p.reshape(BLK, HIDDEN)
    h = jnp.maximum(lax.dot_general(h, w2t_ref[...], dims)
                    + b2_ref[...], 0.0)
    h = jnp.maximum(lax.dot_general(h, w3t_ref[...], dims)
                    + b3_ref[...], 0.0)
    node = lax.broadcasted_iota(jnp.int32, (BLK, HIDDEN), 0) + i * BLK
    h = jnp.where(node < N_NODES, h, 0.0)
    part_sum = jnp.sum(h, axis=0, keepdims=True)

    @pl.when(i == 0)
    def _():
        acc_ref[...] = part_sum

    @pl.when(i > 0)
    def _():
        acc_ref[...] = acc_ref[...] + part_sum

    @pl.when(i == NBLK - 1)
    def _():
        m = acc_ref[...] / jnp.float32(N_NODES)
        v = jnp.sum(m * wv_ref[...], axis=1, keepdims=True) + bv_ref[...]
        out_ref[...] = jnp.tanh(v)


def _mlp(parts_p, xa_p, w1pp, e8s, b1p, w2t, b2, w3t, b3, wv, bv):
    return pl.pallas_call(
        _mlp_body,
        grid=(NBLK,),
        in_specs=[
            pl.BlockSpec((2, PBLK, 128), lambda i: (0, i, 0)),
            pl.BlockSpec((PBLK, 128), lambda i: (i, 0)),
            pl.BlockSpec((128, PWIDE), lambda i: (0, 0)),
            pl.BlockSpec((128, 128), lambda i: (0, 0)),
            pl.BlockSpec((1, PWIDE), lambda i: (0, 0)),
            pl.BlockSpec((HIDDEN, HIDDEN), lambda i: (0, 0)),
            pl.BlockSpec((1, HIDDEN), lambda i: (0, 0)),
            pl.BlockSpec((HIDDEN, HIDDEN), lambda i: (0, 0)),
            pl.BlockSpec((1, HIDDEN), lambda i: (0, 0)),
            pl.BlockSpec((1, HIDDEN), lambda i: (0, 0)),
            pl.BlockSpec((1, 1), lambda i: (0, 0)),
        ],
        out_specs=pl.BlockSpec((1, 1), lambda i: (0, 0)),
        out_shape=jax.ShapeDtypeStruct((1, 1), jnp.float32),
        scratch_shapes=[pltpu.VMEM((1, HIDDEN), jnp.float32)],
        compiler_params=pltpu.CompilerParams(
            dimension_semantics=("arbitrary",)),
    )(parts_p, xa_p, w1pp, e8s, b1p, w2t, b2, w3t, b3, wv, bv)


def kernel(x, edge_index, W1, b1, W2, b2, W3, b3, Wv, bv):
    ei3 = edge_index.reshape(2, EDGE_ROWS, ROW)
    x3 = x.reshape(N_NODES // PACK, PACK, IN_DIM)
    x3 = jnp.concatenate(
        [x3,
         jnp.ones((N_NODES // PACK, PACK, 1), jnp.float32),
         jnp.zeros((N_NODES // PACK, PACK, XCOLS - IN_DIM - 1), jnp.float32)],
        axis=2)
    x3 = jnp.pad(x3, ((0, PROWS - N_NODES // PACK), (0, 0), (0, 0)))
    xa_p = x3.reshape(PROWS, 128)
    xaug = xa_p.reshape(AGG_ROWS, XCOLS)
    zeros_hbm = jnp.zeros((ZROWS, XCOLS), dtype=jnp.float32)

    parts = _scatter_parts(xaug, ei3, zeros_hbm)
    parts_p = parts.reshape(2, PROWS, 128)

    w1p = jnp.zeros((XCOLS, HIDDEN), dtype=jnp.float32).at[0:IN_DIM].set(W1.T)
    w1pp = jnp.zeros((128, PWIDE), dtype=jnp.float32)
    e8s = jnp.zeros((128, 128), dtype=jnp.float32)
    for j in range(PACK):
        w1pp = lax.dynamic_update_slice(w1pp, w1p, (j * XCOLS, j * HIDDEN))
        e8s = lax.dynamic_update_slice(
            e8s, jnp.ones((1, XCOLS), jnp.float32),
            (j * XCOLS + IN_DIM, j * XCOLS))
    b1p = jnp.tile(b1.reshape(1, -1), (1, PACK))

    out = _mlp(parts_p, xa_p, w1pp, e8s, b1p, W2.T,
               b2.reshape(1, -1), W3.T, b3.reshape(1, -1), Wv.reshape(1, -1),
               bv.reshape(1, 1))
    return jnp.squeeze(out)

# --- scband reference (transcript-rebuilt; emitter-appended) ---
"""Pipeline reference for scband-simple-gnn-22591527977361 (READ-ONLY COPY).

The authoritative reference and input builder live on the scoring server;
editing this copy changes nothing except your own understanding.
"""

import jax, jax.numpy as jnp
import numpy as np

N_NODES = 100000
N_EDGES = 6400000
IN_DIM = 8
HIDDEN = 128


def _linear_params(key, out_f, in_f):
    k1, k2 = jax.random.split(key)
    bound = 1.0 / np.sqrt(in_f)
    W = jax.random.uniform(k1, (out_f, in_f), minval=-bound, maxval=bound, dtype=jnp.float32)
    b = jax.random.uniform(k2, (out_f,), minval=-bound, maxval=bound, dtype=jnp.float32)
    return W, b


def setup_inputs(seed: int = 0) -> dict:
    key = jax.random.key(seed)
    ks = jax.random.split(key, 8)
    x = jax.random.normal(ks[0], (N_NODES, IN_DIM), dtype=jnp.float32)
    edge_index = jax.random.randint(ks[1], (2, N_EDGES), 0, N_NODES, dtype=jnp.int32)
    W1, b1 = _linear_params(ks[2], HIDDEN, IN_DIM)
    W2, b2 = _linear_params(ks[3], HIDDEN, HIDDEN)
    W3, b3 = _linear_params(ks[4], HIDDEN, HIDDEN)
    Wv, bv = _linear_params(ks[5], 1, HIDDEN)
    return {"x": x, "edge_index": edge_index, "W1": W1, "b1": b1, "W2": W2, "b2": b2, "W3": W3, "b3": b3, "Wv": Wv, "bv": bv}


def reference(x, edge_index, W1, b1, W2, b2, W3, b3, Wv, bv):
    src = edge_index[0]
    dst = edge_index[1]
    n = x.shape[0]
    deg = jnp.zeros((n,), dtype=x.dtype).at[src].add(jnp.ones_like(src, dtype=x.dtype))
    deg = jnp.maximum(deg, 1.0)
    agg = jnp.zeros_like(x).at[src].add(x[dst])
    agg = agg / deg[:, None]
    h = jax.nn.relu((x + agg) @ W1.T + b1)
    h = jax.nn.relu(h @ W2.T + b2)
    h = jax.nn.relu(h @ W3.T + b3)
    h = jnp.mean(h, axis=0, keepdims=True)
    out = jnp.tanh(h @ Wv.T + bv)
    return jnp.squeeze(out)

if __name__ == "__main__":
    import jax
    _d = setup_inputs()
    print(jax.jit(kernel)(*tuple(_d.values())))

</pallas_src>

<mosaic_0001>
#map = affine_map<(d0, d1) -> (0, 0)>
#map1 = affine_map<(d0, d1) -> (0, 0, 0)>
module attributes {stable_mosaic.version = 14 : i64} {
  func.func @_sc_body(%arg0: i32, %arg1: i32, %arg2: memref<102400x16xf32, #tpu.memory_space<hbm>>, %arg3: memref<2x50000x128xi32, #tpu.memory_space<hbm>>, %arg4: memref<6400x16xf32, #tpu.memory_space<hbm>>, %arg5: memref<2x102400x16xf32, #tpu.memory_space<hbm>>, %arg6: memref<2x5x128xi32, #tpu.memory_space<vmem>>, %arg7: memref<2x5x128xi32, #tpu.memory_space<vmem>>, %arg8: memref<5x128x16xf32, #tpu.memory_space<vmem>>, %arg9: memref<5x128x16xf32, #tpu.memory_space<vmem>>, %arg10: memref<102400x16xf32, #tpu.memory_space<vmem_shared>>, %arg11: memref<!tpu.dma_semaphore, #tpu.memory_space<semaphore_mem>>, %arg12: memref<!tpu.dma_semaphore, #tpu.memory_space<semaphore_mem>>, %arg13: memref<!tpu.dma_semaphore, #tpu.memory_space<semaphore_mem>>, %arg14: memref<!tpu.dma_semaphore, #tpu.memory_space<semaphore_mem>>, %arg15: memref<!tpu.dma_semaphore, #tpu.memory_space<semaphore_mem>>, %arg16: memref<!tpu.dma_semaphore, #tpu.memory_space<semaphore_mem>>) attributes {dimension_semantics = [#tpu.dimension_semantics<core_parallel>, #tpu.dimension_semantics<subcore_parallel>], iteration_bounds = array<i64: 2, 16>, scalar_prefetch = 0 : i64, scratch_operands = 11 : i64, tpu.core_type = #tpu.core_type<sc_vector_subcore>, window_params = [{transform_indices = #map}, {transform_indices = #map1}, {transform_indices = #map}, {transform_indices = #map1}]} {
    %mul3A = arith.constant 16 : i32
    %mul3A_0 = arith.muli %arg0, %mul3A : i32
    %add3A = arith.addi %mul3A_0, %arg1 : i32
    %mul3A_1 = arith.constant 6400 : i32
    %mul3A_2 = arith.muli %arg1, %mul3A_1 : i32
    "tpu.region"() ({
      %run_scoped3A = tpu.sem_alloc : memref<!tpu.dma_semaphore, #tpu.memory_space<semaphore_mem>>
      %dma_start3A_152 = arith.constant 0 : i32
      %dma_start3A_153 = tpu.memref_slice %arg10[%mul3A_2, %dma_start3A_152] : memref<102400x16xf32, #tpu.memory_space<vmem_shared>> -> memref<6400x16xf32, #tpu.memory_space<vmem_shared>>
      tpu.enqueue_dma source(%arg4 : memref<6400x16xf32, #tpu.memory_space<hbm>>) target(%dma_start3A_153 : memref<6400x16xf32, #tpu.memory_space<vmem_shared>>) target_semaphore(%run_scoped3A : memref<!tpu.dma_semaphore, #tpu.memory_space<semaphore_mem>>)
      %dma_wait3A_154 = arith.constant 0 : i32
      %dma_wait3A_155 = tpu.memref_slice %arg10[%mul3A_2, %dma_wait3A_154] : memref<102400x16xf32, #tpu.memory_space<vmem_shared>> -> memref<6400x16xf32, #tpu.memory_space<vmem_shared>>
      tpu.wait_dma2 semaphore(%run_scoped3A : memref<!tpu.dma_semaphore, #tpu.memory_space<semaphore_mem>>) src(%arg4 : memref<6400x16xf32, #tpu.memory_space<hbm>>) dst(%dma_wait3A_155 : memref<6400x16xf32, #tpu.memory_space<vmem_shared>>)
      tpu.yield
    }) : () -> ()
    %barrier3A = arith.constant 0 : index
    tpu.barrier barrier_id(%barrier3A)
    %mul3A_3 = arith.constant 313 : i32
    %mul3A_4 = arith.muli %add3A, %mul3A_3 : i32
    %eq3A = arith.constant 31 : i32
    %eq3A_5 = arith.cmpi eq, %add3A, %eq3A : i32
    %jit3A = arith.constant 297 : i32
    %jit3A_6 = arith.constant 313 : i32
    %select_n3A = arith.select %eq3A_5, %jit3A, %jit3A_6 : i32
    %add3A_7 = arith.constant 0 : i32
    %add3A_8 = arith.addi %mul3A_4, %add3A_7 : i32
    %mul3A_9 = arith.constant 5 : i32
    %mul3A_10 = arith.muli %add3A_8, %mul3A_9 : i32
    %dma_start3A = arith.constant 0 : i32
    %dma_start3A_11 = arith.constant 0 : i32
    %dma_start3A_12 = tpu.memref_slice %arg3[%dma_start3A, %mul3A_10, %dma_start3A_11] : memref<2x50000x128xi32, #tpu.memory_space<hbm>> -> memref<2x5x128xi32, #tpu.memory_space<hbm>>
    %dma_start3A_13 = arith.constant 0 : i32
    %dma_start3A_14 = arith.constant 0 : i32
    %dma_start3A_15 = tpu.memref_slice %arg3[%dma_start3A_13, %mul3A_10, %dma_start3A_14] : memref<2x50000x128xi32, #tpu.memory_space<hbm>> -> memref<2x5x128xi32, #tpu.memory_space<hbm>>
    tpu.enqueue_dma source(%dma_start3A_15 : memref<2x5x128xi32, #tpu.memory_space<hbm>>) target(%arg6 : memref<2x5x128xi32, #tpu.memory_space<vmem>>) target_semaphore(%arg15 : memref<!tpu.dma_semaphore, #tpu.memory_space<semaphore_mem>>)
    %add3A_16 = arith.constant 0 : i32
    %add3A_17 = arith.addi %mul3A_4, %add3A_16 : i32
    %mul3A_18 = arith.constant 5 : i32
    %mul3A_19 = arith.muli %add3A_17, %mul3A_18 : i32
    %dma_wait3A = arith.constant 0 : i32
    %dma_wait3A_20 = arith.constant 0 : i32
    %dma_wait3A_21 = tpu.memref_slice %arg3[%dma_wait3A, %mul3A_19, %dma_wait3A_20] : memref<2x50000x128xi32, #tpu.memory_space<hbm>> -> memref<2x5x128xi32, #tpu.memory_space<hbm>>
    %dma_wait3A_22 = arith.constant 0 : i32
    %dma_wait3A_23 = arith.constant 0 : i32
    %dma_wait3A_24 = tpu.memref_slice %arg3[%dma_wait3A_22, %mul3A_19, %dma_wait3A_23] : memref<2x50000x128xi32, #tpu.memory_space<hbm>> -> memref<2x5x128xi32, #tpu.memory_space<hbm>>
    tpu.wait_dma2 semaphore(%arg15 : memref<!tpu.dma_semaphore, #tpu.memory_space<semaphore_mem>>) src(%dma_wait3A_24 : memref<2x5x128xi32, #tpu.memory_space<hbm>>) dst(%arg6 : memref<2x5x128xi32, #tpu.memory_space<vmem>>)
    %dma_start3A_25 = arith.constant 1 : i32
    %dma_start3A_26 = arith.constant 0 : i32
    %dma_start3A_27 = arith.constant 0 : i32
    %dma_start3A_28 = arith.constant 0 : i32
    %dma_start3A_29 = arith.constant 0 : i32
    %dma_start3A_30 = tpu.memref_slice %arg8[%dma_start3A_27, %dma_start3A_28, %dma_start3A_29] : memref<5x128x16xf32, #tpu.memory_space<vmem>> -> memref<1x128x16xf32, #tpu.memory_space<vmem>>
    %dma_start3A_31 = tpu.memref_squeeze %dma_start3A_30 : memref<1x128x16xf32, #tpu.memory_space<vmem>> -> memref<128x16xf32, #tpu.memory_space<vmem>>
    %dma_start3A_32 = arith.constant 0 : i32
    %dma_start3A_33 = arith.constant 0 : i32
    %dma_start3A_34 = tpu.memref_slice %arg6[%dma_start3A_25, %dma_start3A_32, %dma_start3A_33] : memref<2x5x128xi32, #tpu.memory_space<vmem>> -> memref<1x5x128xi32, #tpu.memory_space<vmem>>
    %dma_start3A_35 = tpu.memref_squeeze %dma_start3A_34 : memref<1x5x128xi32, #tpu.memory_space<vmem>> -> memref<5x128xi32, #tpu.memory_space<vmem>>
    %dma_start3A_36 = arith.constant 0 : i32
    %dma_start3A_37 = tpu.memref_slice %dma_start3A_35[%dma_start3A_26, %dma_start3A_36] : memref<5x128xi32, #tpu.memory_space<vmem>> -> memref<1x128xi32, #tpu.memory_space<vmem>>
    %dma_start3A_38 = tpu.memref_squeeze %dma_start3A_37 : memref<1x128xi32, #tpu.memory_space<vmem>> -> memref<128xi32, #tpu.memory_space<vmem>>
    %dma_start3A_39 = arith.constant 0 : i32
    %dma_start3A_40 = arith.constant 0 : i32
    %dma_start3A_41 = tpu.memref_slice %arg2[%dma_start3A_39, %dma_start3A_40] : memref<102400x16xf32, #tpu.memory_space<hbm>> -> memref<102400x16xf32, #tpu.memory_space<hbm>>
    tpu.enqueue_indirect_dma source(%dma_start3A_41 : memref<102400x16xf32, #tpu.memory_space<hbm>>) target(%dma_start3A_31 : memref<128x16xf32, #tpu.memory_space<vmem>>) offsets(%dma_start3A_38 : memref<128xi32, #tpu.memory_space<vmem>>) semaphore(%arg11 : memref<!tpu.dma_semaphore, #tpu.memory_space<semaphore_mem>>)
    %dma_start3A_42 = arith.constant 1 : i32
    %dma_start3A_43 = arith.constant 1 : i32
    %dma_start3A_44 = arith.constant 1 : i32
    %dma_start3A_45 = arith.constant 0 : i32
    %dma_start3A_46 = arith.constant 0 : i32
    %dma_start3A_47 = tpu.memref_slice %arg8[%dma_start3A_44, %dma_start3A_45, %dma_start3A_46] : memref<5x128x16xf32, #tpu.memory_space<vmem>> -> memref<1x128x16xf32, #tpu.memory_space<vmem>>
    %dma_start3A_48 = tpu.memref_squeeze %dma_start3A_47 : memref<1x128x16xf32, #tpu.memory_space<vmem>> -> memref<128x16xf32, #tpu.memory_space<vmem>>
    %dma_start3A_49 = arith.constant 0 : i32
    %dma_start3A_50 = arith.constant 0 : i32
    %dma_start3A_51 = tpu.memref_slice %arg6[%dma_start3A_42, %dma_start3A_49, %dma_start3A_50] : memref<2x5x128xi32, #tpu.memory_space<vmem>> -> memref<1x5x128xi32, #tpu.memory_space<vmem>>
    %dma_start3A_52 = tpu.memref_squeeze %dma_start3A_51 : memref<1x5x128xi32, #tpu.memory_space<vmem>> -> memref<5x128xi32, #tpu.memory_space<vmem>>
    %dma_start3A_53 = arith.constant 0 : i32
    %dma_start3A_54 = tpu.memref_slice %dma_start3A_52[%dma_start3A_43, %dma_start3A_53] : memref<5x128xi32, #tpu.memory_space<vmem>> -> memref<1x128xi32, #tpu.memory_space<vmem>>
    %dma_start3A_55 = tpu.memref_squeeze %dma_start3A_54 : memref<1x128xi32, #tpu.memory_space<vmem>> -> memref<128xi32, #tpu.memory_space<vmem>>
    %dma_start3A_56 = arith.constant 0 : i32
    %dma_start3A_57 = arith.constant 0 : i32
    %dma_start3A_58 = tpu.memref_slice %arg2[%dma_start3A_56, %dma_start3A_57] : memref<102400x16xf32, #tpu.memory_space<hbm>> -> memref<102400x16xf32, #tpu.memory_space<hbm>>
    tpu.enqueue_indirect_dma source(%dma_start3A_58 : memref<102400x16xf32, #tpu.memory_space<hbm>>) target(%dma_start3A_48 : memref<128x16xf32, #tpu.memory_space<vmem>>) offsets(%dma_start3A_55 : memref<128xi32, #tpu.memory_space<vmem>>) semaphore(%arg11 : memref<!tpu.dma_semaphore, #tpu.memory_space<semaphore_mem>>)
    %dma_start3A_59 = arith.constant 1 : i32
    %dma_start3A_60 = arith.constant 2 : i32
    %dma_start3A_61 = arith.constant 2 : i32
    %dma_start3A_62 = arith.constant 0 : i32
    %dma_start3A_63 = arith.constant 0 : i32
    %dma_start3A_64 = tpu.memref_slice %arg8[%dma_start3A_61, %dma_start3A_62, %dma_start3A_63] : memref<5x128x16xf32, #tpu.memory_space<vmem>> -> memref<1x128x16xf32, #tpu.memory_space<vmem>>
    %dma_start3A_65 = tpu.memref_squeeze %dma_start3A_64 : memref<1x128x16xf32, #tpu.memory_space<vmem>> -> memref<128x16xf32, #tpu.memory_space<vmem>>
    %dma_start3A_66 = arith.constant 0 : i32
    %dma_start3A_67 = arith.constant 0 : i32
    %dma_start3A_68 = tpu.memref_slice %arg6[%dma_start3A_59, %dma_start3A_66, %dma_start3A_67] : memref<2x5x128xi32, #tpu.memory_space<vmem>> -> memref<1x5x128xi32, #tpu.memory_space<vmem>>
    %dma_start3A_69 = tpu.memref_squeeze %dma_start3A_68 : memref<1x5x128xi32, #tpu.memory_space<vmem>> -> memref<5x128xi32, #tpu.memory_space<vmem>>
    %dma_start3A_70 = arith.constant 0 : i32
    %dma_start3A_71 = tpu.memref_slice %dma_start3A_69[%dma_start3A_60, %dma_start3A_70] : memref<5x128xi32, #tpu.memory_space<vmem>> -> memref<1x128xi32, #tpu.memory_space<vmem>>
    %dma_start3A_72 = tpu.memref_squeeze %dma_start3A_71 : memref<1x128xi32, #tpu.memory_space<vmem>> -> memref<128xi32, #tpu.memory_space<vmem>>
    %dma_start3A_73 = arith.constant 0 : i32
    %dma_start3A_74 = arith.constant 0 : i32
    %dma_start3A_75 = tpu.memref_slice %arg2[%dma_start3A_73, %dma_start3A_74] : memref<102400x16xf32, #tpu.memory_space<hbm>> -> memref<102400x16xf32, #tpu.memory_space<hbm>>
    tpu.enqueue_indirect_dma source(%dma_start3A_75 : memref<102400x16xf32, #tpu.memory_space<hbm>>) target(%dma_start3A_65 : memref<128x16xf32, #tpu.memory_space<vmem>>) offsets(%dma_start3A_72 : memref<128xi32, #tpu.memory_space<vmem>>) semaphore(%arg11 : memref<!tpu.dma_semaphore, #tpu.memory_space<semaphore_mem>>)
    %dma_start3A_76 = arith.constant 1 : i32
    %dma_start3A_77 = arith.constant 3 : i32
    %dma_start3A_78 = arith.constant 3 : i32
    %dma_start3A_79 = arith.constant 0 : i32
    %dma_start3A_80 = arith.constant 0 : i32
    %dma_start3A_81 = tpu.memref_slice %arg8[%dma_start3A_78, %dma_start3A_79, %dma_start3A_80] : memref<5x128x16xf32, #tpu.memory_space<vmem>> -> memref<1x128x16xf32, #tpu.memory_space<vmem>>
    %dma_start3A_82 = tpu.memref_squeeze %dma_start3A_81 : memref<1x128x16xf32, #tpu.memory_space<vmem>> -> memref<128x16xf32, #tpu.memory_space<vmem>>
    %dma_start3A_83 = arith.constant 0 : i32
    %dma_start3A_84 = arith.constant 0 : i32
    %dma_start3A_85 = tpu.memref_slice %arg6[%dma_start3A_76, %dma_start3A_83, %dma_start3A_84] : memref<2x5x128xi32, #tpu.memory_space<vmem>> -> memref<1x5x128xi32, #tpu.memory_space<vmem>>
    %dma_start3A_86 = tpu.memref_squeeze %dma_start3A_85 : memref<1x5x128xi32, #tpu.memory_space<vmem>> -> memref<5x128xi32, #tpu.memory_space<vmem>>
    %dma_start3A_87 = arith.constant 0 : i32
    %dma_start3A_88 = tpu.memref_slice %dma_start3A_86[%dma_start3A_77, %dma_start3A_87] : memref<5x128xi32, #tpu.memory_space<vmem>> -> memref<1x128xi32, #tpu.memory_space<vmem>>
    %dma_start3A_89 = tpu.memref_squeeze %dma_start3A_88 : memref<1x128xi32, #tpu.memory_space<vmem>> -> memref<128xi32, #tpu.memory_space<vmem>>
    %dma_start3A_90 = arith.constant 0 : i32
    %dma_start3A_91 = arith.constant 0 : i32
    %dma_start3A_92 = tpu.memref_slice %arg2[%dma_start3A_90, %dma_start3A_91] : memref<102400x16xf32, #tpu.memory_space<hbm>> -> memref<102400x16xf32, #tpu.memory_space<hbm>>
    tpu.enqueue_indirect_dma source(%dma_start3A_92 : memref<102400x16xf32, #tpu.memory_space<hbm>>) target(%dma_start3A_82 : memref<128x16xf32, #tpu.memory_space<vmem>>) offsets(%dma_start3A_89 : memref<128xi32, #tpu.memory_space<vmem>>) semaphore(%arg11 : memref<!tpu.dma_semaphore, #tpu.memory_space<semaphore_mem>>)
    %dma_start3A_93 = arith.constant 1 : i32
    %dma_start3A_94 = arith.constant 4 : i32
    %dma_start3A_95 = arith.constant 4 : i32
    %dma_start3A_96 = arith.constant 0 : i32
    %dma_start3A_97 = arith.constant 0 : i32
    %dma_start3A_98 = tpu.memref_slice %arg8[%dma_start3A_95, %dma_start3A_96, %dma_start3A_97] : memref<5x128x16xf32, #tpu.memory_space<vmem>> -> memref<1x128x16xf32, #tpu.memory_space<vmem>>
    %dma_start3A_99 = tpu.memref_squeeze %dma_start3A_98 : memref<1x128x16xf32, #tpu.memory_space<vmem>> -> memref<128x16xf32, #tpu.memory_space<vmem>>
    %dma_start3A_100 = arith.constant 0 : i32
    %dma_start3A_101 = arith.constant 0 : i32
    %dma_start3A_102 = tpu.memref_slice %arg6[%dma_start3A_93, %dma_start3A_100, %dma_start3A_101] : memref<2x5x128xi32, #tpu.memory_space<vmem>> -> memref<1x5x128xi32, #tpu.memory_space<vmem>>
    %dma_start3A_103 = tpu.memref_squeeze %dma_start3A_102 : memref<1x5x128xi32, #tpu.memory_space<vmem>> -> memref<5x128xi32, #tpu.memory_space<vmem>>
    %dma_start3A_104 = arith.constant 0 : i32
    %dma_start3A_105 = tpu.memref_slice %dma_start3A_103[%dma_start3A_94, %dma_start3A_104] : memref<5x128xi32, #tpu.memory_space<vmem>> -> memref<1x128xi32, #tpu.memory_space<vmem>>
    %dma_start3A_106 = tpu.memref_squeeze %dma_start3A_105 : memref<1x128xi32, #tpu.memory_space<vmem>> -> memref<128xi32, #tpu.memory_space<vmem>>
    %dma_start3A_107 = arith.constant 0 : i32
    %dma_start3A_108 = arith.constant 0 : i32
    %dma_start3A_109 = tpu.memref_slice %arg2[%dma_start3A_107, %dma_start3A_108] : memref<102400x16xf32, #tpu.memory_space<hbm>> -> memref<102400x16xf32, #tpu.memory_space<hbm>>
    tpu.enqueue_indirect_dma source(%dma_start3A_109 : memref<102400x16xf32, #tpu.memory_space<hbm>>) target(%dma_start3A_99 : memref<128x16xf32, #tpu.memory_space<vmem>>) offsets(%dma_start3A_106 : memref<128xi32, #tpu.memory_space<vmem>>) semaphore(%arg11 : memref<!tpu.dma_semaphore, #tpu.memory_space<semaphore_mem>>)
    %sub3A = arith.constant 0 : i32
    %sub3A_110 = arith.subi %select_n3A, %sub3A : i32
    %sub3A_111 = arith.constant 1 : i32
    %sub3A_112 = arith.constant 1 : i32
    %sub3A_113 = arith.subi %sub3A_111, %sub3A_112 : i32
    %add3A_114 = arith.addi %sub3A_110, %sub3A_113 : i32
    %div3A = arith.constant 1 : i32
    %div3A_115 = arith.divsi %add3A_114, %div3A : i32
    %while3A = arith.constant 1 : i32
    %while3A_116 = arith.constant 0 : i32
    %while3A_117 = arith.constant 0 : i32
    %while3A_118 = arith.subi %div3A_115, %while3A_117 : i32
    %while3A_119 = arith.addi %while3A_117, %while3A_118 : i32
    %while3A_120 = arith.constant 1 : i32
    %while3A_121 = arith.divsi %while3A_118, %while3A_120 : i32
    %while3A_122 = arith.muli %while3A_121, %while3A_120 : i32
    %while3A_123 = arith.addi %while3A_117, %while3A_122 : i32
    %while3A_124 = arith.constant 1 : i32
    scf.for %while3A_152 = %while3A_117 to %while3A_123 step %while3A_124  : i32 {
      %mul3A_153 = arith.muli %while3A_152, %while3A : i32
      %add3A_154 = arith.addi %while3A_116, %mul3A_153 : i32
      %jit3A_155 = arith.constant 2 : i32
      %eq3A_156 = arith.constant 0 : i32
      %eq3A_157 = arith.cmpi eq, %jit3A_155, %eq3A_156 : i32
      %jit3A_158 = arith.constant 1 : i32
      %select_n3A_159 = arith.select %eq3A_157, %jit3A_158, %jit3A_155 : i32
      %rem3A_160 = arith.remsi %add3A_154, %select_n3A_159 : i32
      %ne3A_161 = arith.constant 0 : i32
      %ne3A_162 = arith.cmpi ne, %rem3A_160, %ne3A_161 : i32
      %lt3A_163 = arith.constant 0 : i32
      %lt3A_164 = arith.cmpi slt, %rem3A_160, %lt3A_163 : i32
      %lt3A_165 = arith.constant 0 : i32
      %lt3A_166 = arith.cmpi slt, %select_n3A_159, %lt3A_165 : i32
      %ne3A_167 = arith.xori %lt3A_164, %lt3A_166 : i1
      %and3A_168 = arith.andi %ne3A_167, %ne3A_162 : i1
      %add3A_169 = arith.addi %rem3A_160, %select_n3A_159 : i32
      %select_n3A_170 = arith.select %and3A_168, %add3A_169, %rem3A_160 : i32
      %eq3A_171 = arith.constant 0 : i32
      %eq3A_172 = arith.cmpi eq, %select_n3A_170, %eq3A_171 : i32
      %convert_element_type3A_173 = arith.extui %eq3A_172 : i1 to i32
      %cond3A_174 = arith.constant 0 : i32
      %cond3A_175 = arith.cmpi ne, %convert_element_type3A_173, %cond3A_174 : i32
      scf.if %cond3A_175 {
        %ge3A = arith.constant 1 : i32
        %ge3A_181 = arith.cmpi sge, %add3A_154, %ge3A : i32
        %convert_element_type3A_182 = arith.extui %ge3A_181 : i1 to i32
        %cond3A_183 = arith.constant 0 : i32
        %cond3A_184 = arith.cmpi ne, %convert_element_type3A_182, %cond3A_183 : i32
        scf.if %cond3A_184 {
          %dma_wait3A_367 = arith.constant 0 : i32
          %dma_wait3A_368 = arith.constant 0 : i32
          %dma_wait3A_369 = arith.constant 0 : i32
          %dma_wait3A_370 = arith.constant 0 : i32
          %dma_wait3A_371 = arith.constant 0 : i32
          %dma_wait3A_372 = tpu.memref_slice %arg9[%dma_wait3A_367, %dma_wait3A_370, %dma_wait3A_371] : memref<5x128x16xf32, #tpu.memory_space<vmem>> -> memref<1x128x16xf32, #tpu.memory_space<vmem>>
          %dma_wait3A_373 = tpu.memref_squeeze %dma_wait3A_372 : memref<1x128x16xf32, #tpu.memory_space<vmem>> -> memref<128x16xf32, #tpu.memory_space<vmem>>
          %dma_wait3A_374 = arith.constant 0 : i32
          %dma_wait3A_375 = arith.constant 0 : i32
          %dma_wait3A_376 = tpu.memref_slice %arg7[%dma_wait3A_368, %dma_wait3A_374, %dma_wait3A_375] : memref<2x5x128xi32, #tpu.memory_space<vmem>> -> memref<1x5x128xi32, #tpu.memory_space<vmem>>
          %dma_wait3A_377 = tpu.memref_squeeze %dma_wait3A_376 : memref<1x5x128xi32, #tpu.memory_space<vmem>> -> memref<5x128xi32, #tpu.memory_space<vmem>>
          %dma_wait3A_378 = arith.constant 0 : i32
          %dma_wait3A_379 = tpu.memref_slice %dma_wait3A_377[%dma_wait3A_369, %dma_wait3A_378] : memref<5x128xi32, #tpu.memory_space<vmem>> -> memref<1x128xi32, #tpu.memory_space<vmem>>
          %dma_wait3A_380 = tpu.memref_squeeze %dma_wait3A_379 : memref<1x128xi32, #tpu.memory_space<vmem>> -> memref<128xi32, #tpu.memory_space<vmem>>
          %dma_wait3A_381 = arith.constant 0 : i32
          %dma_wait3A_382 = arith.constant 0 : i32
          %dma_wait3A_383 = tpu.memref_slice %arg10[%dma_wait3A_381, %dma_wait3A_382] : memref<102400x16xf32, #tpu.memory_space<vmem_shared>> -> memref<102400x16xf32, #tpu.memory_space<vmem_shared>>
          tpu.wait_indirect_dma semaphore(%arg14 : memref<!tpu.dma_semaphore, #tpu.memory_space<semaphore_mem>>) src(%dma_wait3A_373 : memref<128x16xf32, #tpu.memory_space<vmem>>) dst(%dma_wait3A_383 : memref<102400x16xf32, #tpu.memory_space<vmem_shared>>)
          %dma_wait3A_384 = arith.constant 1 : i32
          %dma_wait3A_385 = arith.constant 0 : i32
          %dma_wait3A_386 = arith.constant 1 : i32
          %dma_wait3A_387 = arith.constant 0 : i32
          %dma_wait3A_388 = arith.constant 0 : i32
          %dma_wait3A_389 = tpu.memref_slice %arg9[%dma_wait3A_384, %dma_wait3A_387, %dma_wait3A_388] : memref<5x128x16xf32, #tpu.memory_space<vmem>> -> memref<1x128x16xf32, #tpu.memory_space<vmem>>
          %dma_wait3A_390 = tpu.memref_squeeze %dma_wait3A_389 : memref<1x128x16xf32, #tpu.memory_space<vmem>> -> memref<128x16xf32, #tpu.memory_space<vmem>>
          %dma_wait3A_391 = arith.constant 0 : i32
          %dma_wait3A_392 = arith.constant 0 : i32
          %dma_wait3A_393 = tpu.memref_slice %arg7[%dma_wait3A_385, %dma_wait3A_391, %dma_wait3A_392] : memref<2x5x128xi32, #tpu.memory_space<vmem>> -> memref<1x5x128xi32, #tpu.memory_space<vmem>>
          %dma_wait3A_394 = tpu.memref_squeeze %dma_wait3A_393 : memref<1x5x128xi32, #tpu.memory_space<vmem>> -> memref<5x128xi32, #tpu.memory_space<vmem>>
          %dma_wait3A_395 = arith.constant 0 : i32
          %dma_wait3A_396 = tpu.memref_slice %dma_wait3A_394[%dma_wait3A_386, %dma_wait3A_395] : memref<5x128xi32, #tpu.memory_space<vmem>> -> memref<1x128xi32, #tpu.memory_space<vmem>>
          %dma_wait3A_397 = tpu.memref_squeeze %dma_wait3A_396 : memref<1x128xi32, #tpu.memory_space<vmem>> -> memref<128xi32, #tpu.memory_space<vmem>>
          %dma_wait3A_398 = arith.constant 0 : i32
          %dma_wait3A_399 = arith.constant 0 : i32
          %dma_wait3A_400 = tpu.memref_slice %arg10[%dma_wait3A_398, %dma_wait3A_399] : memref<102400x16xf32, #tpu.memory_space<vmem_shared>> -> memref<102400x16xf32, #tpu.memory_space<vmem_shared>>
          tpu.wait_indirect_dma semaphore(%arg14 : memref<!tpu.dma_semaphore, #tpu.memory_space<semaphore_mem>>) src(%dma_wait3A_390 : memref<128x16xf32, #tpu.memory_space<vmem>>) dst(%dma_wait3A_400 : memref<102400x16xf32, #tpu.memory_space<vmem_shared>>)
          %dma_wait3A_401 = arith.constant 2 : i32
          %dma_wait3A_402 = arith.constant 0 : i32
          %dma_wait3A_403 = arith.constant 2 : i32
          %dma_wait3A_404 = arith.constant 0 : i32
          %dma_wait3A_405 = arith.constant 0 : i32
          %dma_wait3A_406 = tpu.memref_slice %arg9[%dma_wait3A_401, %dma_wait3A_404, %dma_wait3A_405] : memref<5x128x16xf32, #tpu.memory_space<vmem>> -> memref<1x128x16xf32, #tpu.memory_space<vmem>>
          %dma_wait3A_407 = tpu.memref_squeeze %dma_wait3A_406 : memref<1x128x16xf32, #tpu.memory_space<vmem>> -> memref<128x16xf32, #tpu.memory_space<vmem>>
          %dma_wait3A_408 = arith.constant 0 : i32
          %dma_wait3A_409 = arith.constant 0 : i32
          %dma_wait3A_410 = tpu.memref_slice %arg7[%dma_wait3A_402, %dma_wait3A_408, %dma_wait3A_409] : memref<2x5x128xi32, #tpu.memory_space<vmem>> -> memref<1x5x128xi32, #tpu.memory_space<vmem>>
          %dma_wait3A_411 = tpu.memref_squeeze %dma_wait3A_410 : memref<1x5x128xi32, #tpu.memory_space<vmem>> -> memref<5x128xi32, #tpu.memory_space<vmem>>
          %dma_wait3A_412 = arith.constant 0 : i32
          %dma_wait3A_413 = tpu.memref_slice %dma_wait3A_411[%dma_wait3A_403, %dma_wait3A_412] : memref<5x128xi32, #tpu.memory_space<vmem>> -> memref<1x128xi32, #tpu.memory_space<vmem>>
          %dma_wait3A_414 = tpu.memref_squeeze %dma_wait3A_413 : memref<1x128xi32, #tpu.memory_space<vmem>> -> memref<128xi32, #tpu.memory_space<vmem>>
          %dma_wait3A_415 = arith.constant 0 : i32
          %dma_wait3A_416 = arith.constant 0 : i32
          %dma_wait3A_417 = tpu.memref_slice %arg10[%dma_wait3A_415, %dma_wait3A_416] : memref<102400x16xf32, #tpu.memory_space<vmem_shared>> -> memref<102400x16xf32, #tpu.memory_space<vmem_shared>>
          tpu.wait_indirect_dma semaphore(%arg14 : memref<!tpu.dma_semaphore, #tpu.memory_space<semaphore_mem>>) src(%dma_wait3A_407 : memref<128x16xf32, #tpu.memory_space<vmem>>) dst(%dma_wait3A_417 : memref<102400x16xf32, #tpu.memory_space<vmem_shared>>)
          %dma_wait3A_418 = arith.constant 3 : i32
          %dma_wait3A_419 = arith.constant 0 : i32
          %dma_wait3A_420 = arith.constant 3 : i32
          %dma_wait3A_421 = arith.constant 0 : i32
          %dma_wait3A_422 = arith.constant 0 : i32
          %dma_wait3A_423 = tpu.memref_slice %arg9[%dma_wait3A_418, %dma_wait3A_421, %dma_wait3A_422] : memref<5x128x16xf32, #tpu.memory_space<vmem>> -> memref<1x128x16xf32, #tpu.memory_space<vmem>>
          %dma_wait3A_424 = tpu.memref_squeeze %dma_wait3A_423 : memref<1x128x16xf32, #tpu.memory_space<vmem>> -> memref<128x16xf32, #tpu.memory_space<vmem>>
          %dma_wait3A_425 = arith.constant 0 : i32
          %dma_wait3A_426 = arith.constant 0 : i32
          %dma_wait3A_427 = tpu.memref_slice %arg7[%dma_wait3A_419, %dma_wait3A_425, %dma_wait3A_426] : memref<2x5x128xi32, #tpu.memory_space<vmem>> -> memref<1x5x128xi32, #tpu.memory_space<vmem>>
          %dma_wait3A_428 = tpu.memref_squeeze %dma_wait3A_427 : memref<1x5x128xi32, #tpu.memory_space<vmem>> -> memref<5x128xi32, #tpu.memory_space<vmem>>
          %dma_wait3A_429 = arith.constant 0 : i32
          %dma_wait3A_430 = tpu.memref_slice %dma_wait3A_428[%dma_wait3A_420, %dma_wait3A_429] : memref<5x128xi32, #tpu.memory_space<vmem>> -> memref<1x128xi32, #tpu.memory_space<vmem>>
          %dma_wait3A_431 = tpu.memref_squeeze %dma_wait3A_430 : memref<1x128xi32, #tpu.memory_space<vmem>> -> memref<128xi32, #tpu.memory_space<vmem>>
          %dma_wait3A_432 = arith.constant 0 : i32
          %dma_wait3A_433 = arith.constant 0 : i32
          %dma_wait3A_434 = tpu.memref_slice %arg10[%dma_wait3A_432, %dma_wait3A_433] : memref<102400x16xf32, #tpu.memory_space<vmem_shared>> -> memref<102400x16xf32, #tpu.memory_space<vmem_shared>>
          tpu.wait_indirect_dma semaphore(%arg14 : memref<!tpu.dma_semaphore, #tpu.memory_space<semaphore_mem>>) src(%dma_wait3A_424 : memref<128x16xf32, #tpu.memory_space<vmem>>) dst(%dma_wait3A_434 : memref<102400x16xf32, #tpu.memory_space<vmem_shared>>)
          %dma_wait3A_435 = arith.constant 4 : i32
          %dma_wait3A_436 = arith.constant 0 : i32
          %dma_wait3A_437 = arith.constant 4 : i32
          %dma_wait3A_438 = arith.constant 0 : i32
          %dma_wait3A_439 = arith.constant 0 : i32
          %dma_wait3A_440 = tpu.memref_slice %arg9[%dma_wait3A_435, %dma_wait3A_438, %dma_wait3A_439] : memref<5x128x16xf32, #tpu.memory_space<vmem>> -> memref<1x128x16xf32, #tpu.memory_space<vmem>>
          %dma_wait3A_441 = tpu.memref_squeeze %dma_wait3A_440 : memref<1x128x16xf32, #tpu.memory_space<vmem>> -> memref<128x16xf32, #tpu.memory_space<vmem>>
          %dma_wait3A_442 = arith.constant 0 : i32
          %dma_wait3A_443 = arith.constant 0 : i32
          %dma_wait3A_444 = tpu.memref_slice %arg7[%dma_wait3A_436, %dma_wait3A_442, %dma_wait3A_443] : memref<2x5x128xi32, #tpu.memory_space<vmem>> -> memref<1x5x128xi32, #tpu.memory_space<vmem>>
          %dma_wait3A_445 = tpu.memref_squeeze %dma_wait3A_444 : memref<1x5x128xi32, #tpu.memory_space<vmem>> -> memref<5x128xi32, #tpu.memory_space<vmem>>
          %dma_wait3A_446 = arith.constant 0 : i32
          %dma_wait3A_447 = tpu.memref_slice %dma_wait3A_445[%dma_wait3A_437, %dma_wait3A_446] : memref<5x128xi32, #tpu.memory_space<vmem>> -> memref<1x128xi32, #tpu.memory_space<vmem>>
          %dma_wait3A_448 = tpu.memref_squeeze %dma_wait3A_447 : memref<1x128xi32, #tpu.memory_space<vmem>> -> memref<128xi32, #tpu.memory_space<vmem>>
          %dma_wait3A_449 = arith.constant 0 : i32
          %dma_wait3A_450 = arith.constant 0 : i32
          %dma_wait3A_451 = tpu.memref_slice %arg10[%dma_wait3A_449, %dma_wait3A_450] : memref<102400x16xf32, #tpu.memory_space<vmem_shared>> -> memref<102400x16xf32, #tpu.memory_space<vmem_shared>>
          tpu.wait_indirect_dma semaphore(%arg14 : memref<!tpu.dma_semaphore, #tpu.memory_space<semaphore_mem>>) src(%dma_wait3A_441 : memref<128x16xf32, #tpu.memory_space<vmem>>) dst(%dma_wait3A_451 : memref<102400x16xf32, #tpu.memory_space<vmem_shared>>)
        } else {
        }
        %add3A_185 = arith.constant 1 : i32
        %add3A_186 = arith.addi %add3A_154, %add3A_185 : i32
        %lt3A_187 = arith.cmpi slt, %add3A_186, %select_n3A : i32
        %convert_element_type3A_188 = arith.extui %lt3A_187 : i1 to i32
        %cond3A_189 = arith.constant 0 : i32
        %cond3A_190 = arith.cmpi ne, %convert_element_type3A_188, %cond3A_189 : i32
        scf.if %cond3A_190 {
          %add3A_367 = arith.constant 1 : i32
          %add3A_368 = arith.addi %add3A_154, %add3A_367 : i32
          %add3A_369 = arith.addi %mul3A_4, %add3A_368 : i32
          %mul3A_370 = arith.constant 5 : i32
          %mul3A_371 = arith.muli %add3A_369, %mul3A_370 : i32
          %dma_start3A_372 = arith.constant 0 : i32
          %dma_start3A_373 = arith.constant 0 : i32
          %dma_start3A_374 = tpu.memref_slice %arg3[%dma_start3A_372, %mul3A_371, %dma_start3A_373] : memref<2x50000x128xi32, #tpu.memory_space<hbm>> -> memref<2x5x128xi32, #tpu.memory_space<hbm>>
          %dma_start3A_375 = arith.constant 0 : i32
          %dma_start3A_376 = arith.constant 0 : i32
          %dma_start3A_377 = tpu.memref_slice %arg3[%dma_start3A_375, %mul3A_371, %dma_start3A_376] : memref<2x50000x128xi32, #tpu.memory_space<hbm>> -> memref<2x5x128xi32, #tpu.memory_space<hbm>>
          tpu.enqueue_dma source(%dma_start3A_377 : memref<2x5x128xi32, #tpu.memory_space<hbm>>) target(%arg7 : memref<2x5x128xi32, #tpu.memory_space<vmem>>) target_semaphore(%arg16 : memref<!tpu.dma_semaphore, #tpu.memory_space<semaphore_mem>>)
        } else {
        }
        %dma_wait3A_191 = arith.constant 1 : i32
        %dma_wait3A_192 = arith.constant 0 : i32
        %dma_wait3A_193 = arith.constant 0 : i32
        %dma_wait3A_194 = arith.constant 0 : i32
        %dma_wait3A_195 = arith.constant 0 : i32
        %dma_wait3A_196 = tpu.memref_slice %arg8[%dma_wait3A_193, %dma_wait3A_194, %dma_wait3A_195] : memref<5x128x16xf32, #tpu.memory_space<vmem>> -> memref<1x128x16xf32, #tpu.memory_space<vmem>>
        %dma_wait3A_197 = tpu.memref_squeeze %dma_wait3A_196 : memref<1x128x16xf32, #tpu.memory_space<vmem>> -> memref<128x16xf32, #tpu.memory_space<vmem>>
        %dma_wait3A_198 = arith.constant 0 : i32
        %dma_wait3A_199 = arith.constant 0 : i32
        %dma_wait3A_200 = tpu.memref_slice %arg6[%dma_wait3A_191, %dma_wait3A_198, %dma_wait3A_199] : memref<2x5x128xi32, #tpu.memory_space<vmem>> -> memref<1x5x128xi32, #tpu.memory_space<vmem>>
        %dma_wait3A_201 = tpu.memref_squeeze %dma_wait3A_200 : memref<1x5x128xi32, #tpu.memory_space<vmem>> -> memref<5x128xi32, #tpu.memory_space<vmem>>
        %dma_wait3A_202 = arith.constant 0 : i32
        %dma_wait3A_203 = tpu.memref_slice %dma_wait3A_201[%dma_wait3A_192, %dma_wait3A_202] : memref<5x128xi32, #tpu.memory_space<vmem>> -> memref<1x128xi32, #tpu.memory_space<vmem>>
        %dma_wait3A_204 = tpu.memref_squeeze %dma_wait3A_203 : memref<1x128xi32, #tpu.memory_space<vmem>> -> memref<128xi32, #tpu.memory_space<vmem>>
        %dma_wait3A_205 = arith.constant 0 : i32
        %dma_wait3A_206 = arith.constant 0 : i32
        %dma_wait3A_207 = tpu.memref_slice %arg2[%dma_wait3A_205, %dma_wait3A_206] : memref<102400x16xf32, #tpu.memory_space<hbm>> -> memref<102400x16xf32, #tpu.memory_space<hbm>>
        tpu.wait_indirect_dma semaphore(%arg11 : memref<!tpu.dma_semaphore, #tpu.memory_space<semaphore_mem>>) src(%dma_wait3A_207 : memref<102400x16xf32, #tpu.memory_space<hbm>>) dst(%dma_wait3A_197 : memref<128x16xf32, #tpu.memory_space<vmem>>)
        %dma_wait3A_208 = arith.constant 1 : i32
        %dma_wait3A_209 = arith.constant 1 : i32
        %dma_wait3A_210 = arith.constant 1 : i32
        %dma_wait3A_211 = arith.constant 0 : i32
        %dma_wait3A_212 = arith.constant 0 : i32
        %dma_wait3A_213 = tpu.memref_slice %arg8[%dma_wait3A_210, %dma_wait3A_211, %dma_wait3A_212] : memref<5x128x16xf32, #tpu.memory_space<vmem>> -> memref<1x128x16xf32, #tpu.memory_space<vmem>>
        %dma_wait3A_214 = tpu.memref_squeeze %dma_wait3A_213 : memref<1x128x16xf32, #tpu.memory_space<vmem>> -> memref<128x16xf32, #tpu.memory_space<vmem>>
        %dma_wait3A_215 = arith.constant 0 : i32
        %dma_wait3A_216 = arith.constant 0 : i32
        %dma_wait3A_217 = tpu.memref_slice %arg6[%dma_wait3A_208, %dma_wait3A_215, %dma_wait3A_216] : memref<2x5x128xi32, #tpu.memory_space<vmem>> -> memref<1x5x128xi32, #tpu.memory_space<vmem>>
        %dma_wait3A_218 = tpu.memref_squeeze %dma_wait3A_217 : memref<1x5x128xi32, #tpu.memory_space<vmem>> -> memref<5x128xi32, #tpu.memory_space<vmem>>
        %dma_wait3A_219 = arith.constant 0 : i32
        %dma_wait3A_220 = tpu.memref_slice %dma_wait3A_218[%dma_wait3A_209, %dma_wait3A_219] : memref<5x128xi32, #tpu.memory_space<vmem>> -> memref<1x128xi32, #tpu.memory_space<vmem>>
        %dma_wait3A_221 = tpu.memref_squeeze %dma_wait3A_220 : memref<1x128xi32, #tpu.memory_space<vmem>> -> memref<128xi32, #tpu.memory_space<vmem>>
        %dma_wait3A_222 = arith.constant 0 : i32
        %dma_wait3A_223 = arith.constant 0 : i32
        %dma_wait3A_224 = tpu.memref_slice %arg2[%dma_wait3A_222, %dma_wait3A_223] : memref<102400x16xf32, #tpu.memory_space<hbm>> -> memref<102400x16xf32, #tpu.memory_space<hbm>>
        tpu.wait_indirect_dma semaphore(%arg11 : memref<!tpu.dma_semaphore, #tpu.memory_space<semaphore_mem>>) src(%dma_wait3A_224 : memref<102400x16xf32, #tpu.memory_space<hbm>>) dst(%dma_wait3A_214 : memref<128x16xf32, #tpu.memory_space<vmem>>)
        %dma_wait3A_225 = arith.constant 1 : i32
        %dma_wait3A_226 = arith.constant 2 : i32
        %dma_wait3A_227 = arith.constant 2 : i32
        %dma_wait3A_228 = arith.constant 0 : i32
        %dma_wait3A_229 = arith.constant 0 : i32
        %dma_wait3A_230 = tpu.memref_slice %arg8[%dma_wait3A_227, %dma_wait3A_228, %dma_wait3A_229] : memref<5x128x16xf32, #tpu.memory_space<vmem>> -> memref<1x128x16xf32, #tpu.memory_space<vmem>>
        %dma_wait3A_231 = tpu.memref_squeeze %dma_wait3A_230 : memref<1x128x16xf32, #tpu.memory_space<vmem>> -> memref<128x16xf32, #tpu.memory_space<vmem>>
        %dma_wait3A_232 = arith.constant 0 : i32
        %dma_wait3A_233 = arith.constant 0 : i32
        %dma_wait3A_234 = tpu.memref_slice %arg6[%dma_wait3A_225, %dma_wait3A_232, %dma_wait3A_233] : memref<2x5x128xi32, #tpu.memory_space<vmem>> -> memref<1x5x128xi32, #tpu.memory_space<vmem>>
        %dma_wait3A_235 = tpu.memref_squeeze %dma_wait3A_234 : memref<1x5x128xi32, #tpu.memory_space<vmem>> -> memref<5x128xi32, #tpu.memory_space<vmem>>
        %dma_wait3A_236 = arith.constant 0 : i32
        %dma_wait3A_237 = tpu.memref_slice %dma_wait3A_235[%dma_wait3A_226, %dma_wait3A_236] : memref<5x128xi32, #tpu.memory_space<vmem>> -> memref<1x128xi32, #tpu.memory_space<vmem>>
        %dma_wait3A_238 = tpu.memref_squeeze %dma_wait3A_237 : memref<1x128xi32, #tpu.memory_space<vmem>> -> memref<128xi32, #tpu.memory_space<vmem>>
        %dma_wait3A_239 = arith.constant 0 : i32
        %dma_wait3A_240 = arith.constant 0 : i32
        %dma_wait3A_241 = tpu.memref_slice %arg2[%dma_wait3A_239, %dma_wait3A_240] : memref<102400x16xf32, #tpu.memory_space<hbm>> -> memref<102400x16xf32, #tpu.memory_space<hbm>>
        tpu.wait_indirect_dma semaphore(%arg11 : memref<!tpu.dma_semaphore, #tpu.memory_space<semaphore_mem>>) src(%dma_wait3A_241 : memref<102400x16xf32, #tpu.memory_space<hbm>>) dst(%dma_wait3A_231 : memref<128x16xf32, #tpu.memory_space<vmem>>)
        %dma_wait3A_242 = arith.constant 1 : i32
        %dma_wait3A_243 = arith.constant 3 : i32
        %dma_wait3A_244 = arith.constant 3 : i32
        %dma_wait3A_245 = arith.constant 0 : i32
        %dma_wait3A_246 = arith.constant 0 : i32
        %dma_wait3A_247 = tpu.memref_slice %arg8[%dma_wait3A_244, %dma_wait3A_245, %dma_wait3A_246] : memref<5x128x16xf32, #tpu.memory_space<vmem>> -> memref<1x128x16xf32, #tpu.memory_space<vmem>>
        %dma_wait3A_248 = tpu.memref_squeeze %dma_wait3A_247 : memref<1x128x16xf32, #tpu.memory_space<vmem>> -> memref<128x16xf32, #tpu.memory_space<vmem>>
        %dma_wait3A_249 = arith.constant 0 : i32
        %dma_wait3A_250 = arith.constant 0 : i32
        %dma_wait3A_251 = tpu.memref_slice %arg6[%dma_wait3A_242, %dma_wait3A_249, %dma_wait3A_250] : memref<2x5x128xi32, #tpu.memory_space<vmem>> -> memref<1x5x128xi32, #tpu.memory_space<vmem>>
        %dma_wait3A_252 = tpu.memref_squeeze %dma_wait3A_251 : memref<1x5x128xi32, #tpu.memory_space<vmem>> -> memref<5x128xi32, #tpu.memory_space<vmem>>
        %dma_wait3A_253 = arith.constant 0 : i32
        %dma_wait3A_254 = tpu.memref_slice %dma_wait3A_252[%dma_wait3A_243, %dma_wait3A_253] : memref<5x128xi32, #tpu.memory_space<vmem>> -> memref<1x128xi32, #tpu.memory_space<vmem>>
        %dma_wait3A_255 = tpu.memref_squeeze %dma_wait3A_254 : memref<1x128xi32, #tpu.memory_space<vmem>> -> memref<128xi32, #tpu.memory_space<vmem>>
        %dma_wait3A_256 = arith.constant 0 : i32
        %dma_wait3A_257 = arith.constant 0 : i32
        %dma_wait3A_258 = tpu.memref_slice %arg2[%dma_wait3A_256, %dma_wait3A_257] : memref<102400x16xf32, #tpu.memory_space<hbm>> -> memref<102400x16xf32, #tpu.memory_space<hbm>>
        tpu.wait_indirect_dma semaphore(%arg11 : memref<!tpu.dma_semaphore, #tpu.memory_space<semaphore_mem>>) src(%dma_wait3A_258 : memref<102400x16xf32, #tpu.memory_space<hbm>>) dst(%dma_wait3A_248 : memref<128x16xf32, #tpu.memory_space<vmem>>)
        %dma_wait3A_259 = arith.constant 1 : i32
        %dma_wait3A_260 = arith.constant 4 : i32
        %dma_wait3A_261 = arith.constant 4 : i32
        %dma_wait3A_262 = arith.constant 0 : i32
        %dma_wait3A_263 = arith.constant 0 : i32
        %dma_wait3A_264 = tpu.memref_slice %arg8[%dma_wait3A_261, %dma_wait3A_262, %dma_wait3A_263] : memref<5x128x16xf32, #tpu.memory_space<vmem>> -> memref<1x128x16xf32, #tpu.memory_space<vmem>>
        %dma_wait3A_265 = tpu.memref_squeeze %dma_wait3A_264 : memref<1x128x16xf32, #tpu.memory_space<vmem>> -> memref<128x16xf32, #tpu.memory_space<vmem>>
        %dma_wait3A_266 = arith.constant 0 : i32
        %dma_wait3A_267 = arith.constant 0 : i32
        %dma_wait3A_268 = tpu.memref_slice %arg6[%dma_wait3A_259, %dma_wait3A_266, %dma_wait3A_267] : memref<2x5x128xi32, #tpu.memory_space<vmem>> -> memref<1x5x128xi32, #tpu.memory_space<vmem>>
        %dma_wait3A_269 = tpu.memref_squeeze %dma_wait3A_268 : memref<1x5x128xi32, #tpu.memory_space<vmem>> -> memref<5x128xi32, #tpu.memory_space<vmem>>
        %dma_wait3A_270 = arith.constant 0 : i32
        %dma_wait3A_271 = tpu.memref_slice %dma_wait3A_269[%dma_wait3A_260, %dma_wait3A_270] : memref<5x128xi32, #tpu.memory_space<vmem>> -> memref<1x128xi32, #tpu.memory_space<vmem>>
        %dma_wait3A_272 = tpu.memref_squeeze %dma_wait3A_271 : memref<1x128xi32, #tpu.memory_space<vmem>> -> memref<128xi32, #tpu.memory_space<vmem>>
        %dma_wait3A_273 = arith.constant 0 : i32
        %dma_wait3A_274 = arith.constant 0 : i32
        %dma_wait3A_275 = tpu.memref_slice %arg2[%dma_wait3A_273, %dma_wait3A_274] : memref<102400x16xf32, #tpu.memory_space<hbm>> -> memref<102400x16xf32, #tpu.memory_space<hbm>>
        tpu.wait_indirect_dma semaphore(%arg11 : memref<!tpu.dma_semaphore, #tpu.memory_space<semaphore_mem>>) src(%dma_wait3A_275 : memref<102400x16xf32, #tpu.memory_space<hbm>>) dst(%dma_wait3A_265 : memref<128x16xf32, #tpu.memory_space<vmem>>)
        %add3A_276 = arith.constant 1 : i32
        %add3A_277 = arith.addi %add3A_154, %add3A_276 : i32
        %lt3A_278 = arith.cmpi slt, %add3A_277, %select_n3A : i32
        %convert_element_type3A_279 = arith.extui %lt3A_278 : i1 to i32
        %cond3A_280 = arith.constant 0 : i32
        %cond3A_281 = arith.cmpi ne, %convert_element_type3A_279, %cond3A_280 : i32
        scf.if %cond3A_281 {
          %add3A_367 = arith.constant 1 : i32
          %add3A_368 = arith.addi %add3A_154, %add3A_367 : i32
          %add3A_369 = arith.addi %mul3A_4, %add3A_368 : i32
          %mul3A_370 = arith.constant 5 : i32
          %mul3A_371 = arith.muli %add3A_369, %mul3A_370 : i32
          %dma_wait3A_372 = arith.constant 0 : i32
          %dma_wait3A_373 = arith.constant 0 : i32
          %dma_wait3A_374 = tpu.memref_slice %arg3[%dma_wait3A_372, %mul3A_371, %dma_wait3A_373] : memref<2x50000x128xi32, #tpu.memory_space<hbm>> -> memref<2x5x128xi32, #tpu.memory_space<hbm>>
          %dma_wait3A_375 = arith.constant 0 : i32
          %dma_wait3A_376 = arith.constant 0 : i32
          %dma_wait3A_377 = tpu.memref_slice %arg3[%dma_wait3A_375, %mul3A_371, %dma_wait3A_376] : memref<2x50000x128xi32, #tpu.memory_space<hbm>> -> memref<2x5x128xi32, #tpu.memory_space<hbm>>
          tpu.wait_dma2 semaphore(%arg16 : memref<!tpu.dma_semaphore, #tpu.memory_space<semaphore_mem>>) src(%dma_wait3A_377 : memref<2x5x128xi32, #tpu.memory_space<hbm>>) dst(%arg7 : memref<2x5x128xi32, #tpu.memory_space<vmem>>)
          %dma_start3A_378 = arith.constant 1 : i32
          %dma_start3A_379 = arith.constant 0 : i32
          %dma_start3A_380 = arith.constant 0 : i32
          %dma_start3A_381 = arith.constant 0 : i32
          %dma_start3A_382 = arith.constant 0 : i32
          %dma_start3A_383 = tpu.memref_slice %arg9[%dma_start3A_380, %dma_start3A_381, %dma_start3A_382] : memref<5x128x16xf32, #tpu.memory_space<vmem>> -> memref<1x128x16xf32, #tpu.memory_space<vmem>>
          %dma_start3A_384 = tpu.memref_squeeze %dma_start3A_383 : memref<1x128x16xf32, #tpu.memory_space<vmem>> -> memref<128x16xf32, #tpu.memory_space<vmem>>
          %dma_start3A_385 = arith.constant 0 : i32
          %dma_start3A_386 = arith.constant 0 : i32
          %dma_start3A_387 = tpu.memref_slice %arg7[%dma_start3A_378, %dma_start3A_385, %dma_start3A_386] : memref<2x5x128xi32, #tpu.memory_space<vmem>> -> memref<1x5x128xi32, #tpu.memory_space<vmem>>
          %dma_start3A_388 = tpu.memref_squeeze %dma_start3A_387 : memref<1x5x128xi32, #tpu.memory_space<vmem>> -> memref<5x128xi32, #tpu.memory_space<vmem>>
          %dma_start3A_389 = arith.constant 0 : i32
          %dma_start3A_390 = tpu.memref_slice %dma_start3A_388[%dma_start3A_379, %dma_start3A_389] : memref<5x128xi32, #tpu.memory_space<vmem>> -> memref<1x128xi32, #tpu.memory_space<vmem>>
          %dma_start3A_391 = tpu.memref_squeeze %dma_start3A_390 : memref<1x128xi32, #tpu.memory_space<vmem>> -> memref<128xi32, #tpu.memory_space<vmem>>
          %dma_start3A_392 = arith.constant 0 : i32
          %dma_start3A_393 = arith.constant 0 : i32
          %dma_start3A_394 = tpu.memref_slice %arg2[%dma_start3A_392, %dma_start3A_393] : memref<102400x16xf32, #tpu.memory_space<hbm>> -> memref<102400x16xf32, #tpu.memory_space<hbm>>
          tpu.enqueue_indirect_dma source(%dma_start3A_394 : memref<102400x16xf32, #tpu.memory_space<hbm>>) target(%dma_start3A_384 : memref<128x16xf32, #tpu.memory_space<vmem>>) offsets(%dma_start3A_391 : memref<128xi32, #tpu.memory_space<vmem>>) semaphore(%arg12 : memref<!tpu.dma_semaphore, #tpu.memory_space<semaphore_mem>>)
          %dma_start3A_395 = arith.constant 1 : i32
          %dma_start3A_396 = arith.constant 1 : i32
          %dma_start3A_397 = arith.constant 1 : i32
          %dma_start3A_398 = arith.constant 0 : i32
          %dma_start3A_399 = arith.constant 0 : i32
          %dma_start3A_400 = tpu.memref_slice %arg9[%dma_start3A_397, %dma_start3A_398, %dma_start3A_399] : memref<5x128x16xf32, #tpu.memory_space<vmem>> -> memref<1x128x16xf32, #tpu.memory_space<vmem>>
          %dma_start3A_401 = tpu.memref_squeeze %dma_start3A_400 : memref<1x128x16xf32, #tpu.memory_space<vmem>> -> memref<128x16xf32, #tpu.memory_space<vmem>>
          %dma_start3A_402 = arith.constant 0 : i32
          %dma_start3A_403 = arith.constant 0 : i32
          %dma_start3A_404 = tpu.memref_slice %arg7[%dma_start3A_395, %dma_start3A_402, %dma_start3A_403] : memref<2x5x128xi32, #tpu.memory_space<vmem>> -> memref<1x5x128xi32, #tpu.memory_space<vmem>>
          %dma_start3A_405 = tpu.memref_squeeze %dma_start3A_404 : memref<1x5x128xi32, #tpu.memory_space<vmem>> -> memref<5x128xi32, #tpu.memory_space<vmem>>
          %dma_start3A_406 = arith.constant 0 : i32
          %dma_start3A_407 = tpu.memref_slice %dma_start3A_405[%dma_start3A_396, %dma_start3A_406] : memref<5x128xi32, #tpu.memory_space<vmem>> -> memref<1x128xi32, #tpu.memory_space<vmem>>
          %dma_start3A_408 = tpu.memref_squeeze %dma_start3A_407 : memref<1x128xi32, #tpu.memory_space<vmem>> -> memref<128xi32, #tpu.memory_space<vmem>>
          %dma_start3A_409 = arith.constant 0 : i32
          %dma_start3A_410 = arith.constant 0 : i32
          %dma_start3A_411 = tpu.memref_slice %arg2[%dma_start3A_409, %dma_start3A_410] : memref<102400x16xf32, #tpu.memory_space<hbm>> -> memref<102400x16xf32, #tpu.memory_space<hbm>>
          tpu.enqueue_indirect_dma source(%dma_start3A_411 : memref<102400x16xf32, #tpu.memory_space<hbm>>) target(%dma_start3A_401 : memref<128x16xf32, #tpu.memory_space<vmem>>) offsets(%dma_start3A_408 : memref<128xi32, #tpu.memory_space<vmem>>) semaphore(%arg12 : memref<!tpu.dma_semaphore, #tpu.memory_space<semaphore_mem>>)
          %dma_start3A_412 = arith.constant 1 : i32
          %dma_start3A_413 = arith.constant 2 : i32
          %dma_start3A_414 = arith.constant 2 : i32
          %dma_start3A_415 = arith.constant 0 : i32
          %dma_start3A_416 = arith.constant 0 : i32
          %dma_start3A_417 = tpu.memref_slice %arg9[%dma_start3A_414, %dma_start3A_415, %dma_start3A_416] : memref<5x128x16xf32, #tpu.memory_space<vmem>> -> memref<1x128x16xf32, #tpu.memory_space<vmem>>
          %dma_start3A_418 = tpu.memref_squeeze %dma_start3A_417 : memref<1x128x16xf32, #tpu.memory_space<vmem>> -> memref<128x16xf32, #tpu.memory_space<vmem>>
          %dma_start3A_419 = arith.constant 0 : i32
          %dma_start3A_420 = arith.constant 0 : i32
          %dma_start3A_421 = tpu.memref_slice %arg7[%dma_start3A_412, %dma_start3A_419, %dma_start3A_420] : memref<2x5x128xi32, #tpu.memory_space<vmem>> -> memref<1x5x128xi32, #tpu.memory_space<vmem>>
          %dma_start3A_422 = tpu.memref_squeeze %dma_start3A_421 : memref<1x5x128xi32, #tpu.memory_space<vmem>> -> memref<5x128xi32, #tpu.memory_space<vmem>>
          %dma_start3A_423 = arith.constant 0 : i32
          %dma_start3A_424 = tpu.memref_slice %dma_start3A_422[%dma_start3A_413, %dma_start3A_423] : memref<5x128xi32, #tpu.memory_space<vmem>> -> memref<1x128xi32, #tpu.memory_space<vmem>>
          %dma_start3A_425 = tpu.memref_squeeze %dma_start3A_424 : memref<1x128xi32, #tpu.memory_space<vmem>> -> memref<128xi32, #tpu.memory_space<vmem>>
          %dma_start3A_426 = arith.constant 0 : i32
          %dma_start3A_427 = arith.constant 0 : i32
          %dma_start3A_428 = tpu.memref_slice %arg2[%dma_start3A_426, %dma_start3A_427] : memref<102400x16xf32, #tpu.memory_space<hbm>> -> memref<102400x16xf32, #tpu.memory_space<hbm>>
          tpu.enqueue_indirect_dma source(%dma_start3A_428 : memref<102400x16xf32, #tpu.memory_space<hbm>>) target(%dma_start3A_418 : memref<128x16xf32, #tpu.memory_space<vmem>>) offsets(%dma_start3A_425 : memref<128xi32, #tpu.memory_space<vmem>>) semaphore(%arg12 : memref<!tpu.dma_semaphore, #tpu.memory_space<semaphore_mem>>)
          %dma_start3A_429 = arith.constant 1 : i32
          %dma_start3A_430 = arith.constant 3 : i32
          %dma_start3A_431 = arith.constant 3 : i32
          %dma_start3A_432 = arith.constant 0 : i32
          %dma_start3A_433 = arith.constant 0 : i32
          %dma_start3A_434 = tpu.memref_slice %arg9[%dma_start3A_431, %dma_start3A_432, %dma_start3A_433] : memref<5x128x16xf32, #tpu.memory_space<vmem>> -> memref<1x128x16xf32, #tpu.memory_space<vmem>>
          %dma_start3A_435 = tpu.memref_squeeze %dma_start3A_434 : memref<1x128x16xf32, #tpu.memory_space<vmem>> -> memref<128x16xf32, #tpu.memory_space<vmem>>
          %dma_start3A_436 = arith.constant 0 : i32
          %dma_start3A_437 = arith.constant 0 : i32
          %dma_start3A_438 = tpu.memref_slice %arg7[%dma_start3A_429, %dma_start3A_436, %dma_start3A_437] : memref<2x5x128xi32, #tpu.memory_space<vmem>> -> memref<1x5x128xi32, #tpu.memory_space<vmem>>
          %dma_start3A_439 = tpu.memref_squeeze %dma_start3A_438 : memref<1x5x128xi32, #tpu.memory_space<vmem>> -> memref<5x128xi32, #tpu.memory_space<vmem>>
          %dma_start3A_440 = arith.constant 0 : i32
          %dma_start3A_441 = tpu.memref_slice %dma_start3A_439[%dma_start3A_430, %dma_start3A_440] : memref<5x128xi32, #tpu.memory_space<vmem>> -> memref<1x128xi32, #tpu.memory_space<vmem>>
          %dma_start3A_442 = tpu.memref_squeeze %dma_start3A_441 : memref<1x128xi32, #tpu.memory_space<vmem>> -> memref<128xi32, #tpu.memory_space<vmem>>
          %dma_start3A_443 = arith.constant 0 : i32
          %dma_start3A_444 = arith.constant 0 : i32
          %dma_start3A_445 = tpu.memref_slice %arg2[%dma_start3A_443, %dma_start3A_444] : memref<102400x16xf32, #tpu.memory_space<hbm>> -> memref<102400x16xf32, #tpu.memory_space<hbm>>
          tpu.enqueue_indirect_dma source(%dma_start3A_445 : memref<102400x16xf32, #tpu.memory_space<hbm>>) target(%dma_start3A_435 : memref<128x16xf32, #tpu.memory_space<vmem>>) offsets(%dma_start3A_442 : memref<128xi32, #tpu.memory_space<vmem>>) semaphore(%arg12 : memref<!tpu.dma_semaphore, #tpu.memory_space<semaphore_mem>>)
          %dma_start3A_446 = arith.constant 1 : i32
          %dma_start3A_447 = arith.constant 4 : i32
          %dma_start3A_448 = arith.constant 4 : i32
          %dma_start3A_449 = arith.constant 0 : i32
          %dma_start3A_450 = arith.constant 0 : i32
          %dma_start3A_451 = tpu.memref_slice %arg9[%dma_start3A_448, %dma_start3A_449, %dma_start3A_450] : memref<5x128x16xf32, #tpu.memory_space<vmem>> -> memref<1x128x16xf32, #tpu.memory_space<vmem>>
          %dma_start3A_452 = tpu.memref_squeeze %dma_start3A_451 : memref<1x128x16xf32, #tpu.memory_space<vmem>> -> memref<128x16xf32, #tpu.memory_space<vmem>>
          %dma_start3A_453 = arith.constant 0 : i32
          %dma_start3A_454 = arith.constant 0 : i32
          %dma_start3A_455 = tpu.memref_slice %arg7[%dma_start3A_446, %dma_start3A_453, %dma_start3A_454] : memref<2x5x128xi32, #tpu.memory_space<vmem>> -> memref<1x5x128xi32, #tpu.memory_space<vmem>>
          %dma_start3A_456 = tpu.memref_squeeze %dma_start3A_455 : memref<1x5x128xi32, #tpu.memory_space<vmem>> -> memref<5x128xi32, #tpu.memory_space<vmem>>
          %dma_start3A_457 = arith.constant 0 : i32
          %dma_start3A_458 = tpu.memref_slice %dma_start3A_456[%dma_start3A_447, %dma_start3A_457] : memref<5x128xi32, #tpu.memory_space<vmem>> -> memref<1x128xi32, #tpu.memory_space<vmem>>
          %dma_start3A_459 = tpu.memref_squeeze %dma_start3A_458 : memref<1x128xi32, #tpu.memory_space<vmem>> -> memref<128xi32, #tpu.memory_space<vmem>>
          %dma_start3A_460 = arith.constant 0 : i32
          %dma_start3A_461 = arith.constant 0 : i32
          %dma_start3A_462 = tpu.memref_slice %arg2[%dma_start3A_460, %dma_start3A_461] : memref<102400x16xf32, #tpu.memory_space<hbm>> -> memref<102400x16xf32, #tpu.memory_space<hbm>>
          tpu.enqueue_indirect_dma source(%dma_start3A_462 : memref<102400x16xf32, #tpu.memory_space<hbm>>) target(%dma_start3A_452 : memref<128x16xf32, #tpu.memory_space<vmem>>) offsets(%dma_start3A_459 : memref<128xi32, #tpu.memory_space<vmem>>) semaphore(%arg12 : memref<!tpu.dma_semaphore, #tpu.memory_space<semaphore_mem>>)
        } else {
        }
        %dma_start3A_282 = arith.constant 0 : i32
        %dma_start3A_283 = arith.constant 0 : i32
        %dma_start3A_284 = arith.constant 0 : i32
        %dma_start3A_285 = arith.constant 0 : i32
        %dma_start3A_286 = arith.constant 0 : i32
        %dma_start3A_287 = tpu.memref_slice %arg8[%dma_start3A_282, %dma_start3A_285, %dma_start3A_286] : memref<5x128x16xf32, #tpu.memory_space<vmem>> -> memref<1x128x16xf32, #tpu.memory_space<vmem>>
        %dma_start3A_288 = tpu.memref_squeeze %dma_start3A_287 : memref<1x128x16xf32, #tpu.memory_space<vmem>> -> memref<128x16xf32, #tpu.memory_space<vmem>>
        %dma_start3A_289 = arith.constant 0 : i32
        %dma_start3A_290 = arith.constant 0 : i32
        %dma_start3A_291 = tpu.memref_slice %arg6[%dma_start3A_283, %dma_start3A_289, %dma_start3A_290] : memref<2x5x128xi32, #tpu.memory_space<vmem>> -> memref<1x5x128xi32, #tpu.memory_space<vmem>>
        %dma_start3A_292 = tpu.memref_squeeze %dma_start3A_291 : memref<1x5x128xi32, #tpu.memory_space<vmem>> -> memref<5x128xi32, #tpu.memory_space<vmem>>
        %dma_start3A_293 = arith.constant 0 : i32
        %dma_start3A_294 = tpu.memref_slice %dma_start3A_292[%dma_start3A_284, %dma_start3A_293] : memref<5x128xi32, #tpu.memory_space<vmem>> -> memref<1x128xi32, #tpu.memory_space<vmem>>
        %dma_start3A_295 = tpu.memref_squeeze %dma_start3A_294 : memref<1x128xi32, #tpu.memory_space<vmem>> -> memref<128xi32, #tpu.memory_space<vmem>>
        %dma_start3A_296 = arith.constant 0 : i32
        %dma_start3A_297 = arith.constant 0 : i32
        %dma_start3A_298 = tpu.memref_slice %arg10[%dma_start3A_296, %dma_start3A_297] : memref<102400x16xf32, #tpu.memory_space<vmem_shared>> -> memref<102400x16xf32, #tpu.memory_space<vmem_shared>>
        tpu.enqueue_indirect_dma source(%dma_start3A_288 : memref<128x16xf32, #tpu.memory_space<vmem>>) target(%dma_start3A_298 : memref<102400x16xf32, #tpu.memory_space<vmem_shared>>) offsets(%dma_start3A_295 : memref<128xi32, #tpu.memory_space<vmem>>) semaphore(%arg13 : memref<!tpu.dma_semaphore, #tpu.memory_space<semaphore_mem>>) {add = true}
        %dma_start3A_299 = arith.constant 1 : i32
        %dma_start3A_300 = arith.constant 0 : i32
        %dma_start3A_301 = arith.constant 1 : i32
        %dma_start3A_302 = arith.constant 0 : i32
        %dma_start3A_303 = arith.constant 0 : i32
        %dma_start3A_304 = tpu.memref_slice %arg8[%dma_start3A_299, %dma_start3A_302, %dma_start3A_303] : memref<5x128x16xf32, #tpu.memory_space<vmem>> -> memref<1x128x16xf32, #tpu.memory_space<vmem>>
        %dma_start3A_305 = tpu.memref_squeeze %dma_start3A_304 : memref<1x128x16xf32, #tpu.memory_space<vmem>> -> memref<128x16xf32, #tpu.memory_space<vmem>>
        %dma_start3A_306 = arith.constant 0 : i32
        %dma_start3A_307 = arith.constant 0 : i32
        %dma_start3A_308 = tpu.memref_slice %arg6[%dma_start3A_300, %dma_start3A_306, %dma_start3A_307] : memref<2x5x128xi32, #tpu.memory_space<vmem>> -> memref<1x5x128xi32, #tpu.memory_space<vmem>>
        %dma_start3A_309 = tpu.memref_squeeze %dma_start3A_308 : memref<1x5x128xi32, #tpu.memory_space<vmem>> -> memref<5x128xi32, #tpu.memory_space<vmem>>
        %dma_start3A_310 = arith.constant 0 : i32
        %dma_start3A_311 = tpu.memref_slice %dma_start3A_309[%dma_start3A_301, %dma_start3A_310] : memref<5x128xi32, #tpu.memory_space<vmem>> -> memref<1x128xi32, #tpu.memory_space<vmem>>
        %dma_start3A_312 = tpu.memref_squeeze %dma_start3A_311 : memref<1x128xi32, #tpu.memory_space<vmem>> -> memref<128xi32, #tpu.memory_space<vmem>>
        %dma_start3A_313 = arith.constant 0 : i32
        %dma_start3A_314 = arith.constant 0 : i32
        %dma_start3A_315 = tpu.memref_slice %arg10[%dma_start3A_313, %dma_start3A_314] : memref<102400x16xf32, #tpu.memory_space<vmem_shared>> -> memref<102400x16xf32, #tpu.memory_space<vmem_shared>>
        tpu.enqueue_indirect_dma source(%dma_start3A_305 : memref<128x16xf32, #tpu.memory_space<vmem>>) target(%dma_start3A_315 : memref<102400x16xf32, #tpu.memory_space<vmem_shared>>) offsets(%dma_start3A_312 : memref<128xi32, #tpu.memory_space<vmem>>) semaphore(%arg13 : memref<!tpu.dma_semaphore, #tpu.memory_space<semaphore_mem>>) {add = true}
        %dma_start3A_316 = arith.constant 2 : i32
        %dma_start3A_317 = arith.constant 0 : i32
        %dma_start3A_318 = arith.constant 2 : i32
        %dma_start3A_319 = arith.constant 0 : i32
        %dma_start3A_320 = arith.constant 0 : i32
        %dma_start3A_321 = tpu.memref_slice %arg8[%dma_start3A_316, %dma_start3A_319, %dma_start3A_320] : memref<5x128x16xf32, #tpu.memory_space<vmem>> -> memref<1x128x16xf32, #tpu.memory_space<vmem>>
        %dma_start3A_322 = tpu.memref_squeeze %dma_start3A_321 : memref<1x128x16xf32, #tpu.memory_space<vmem>> -> memref<128x16xf32, #tpu.memory_space<vmem>>
        %dma_start3A_323 = arith.constant 0 : i32
        %dma_start3A_324 = arith.constant 0 : i32
        %dma_start3A_325 = tpu.memref_slice %arg6[%dma_start3A_317, %dma_start3A_323, %dma_start3A_324] : memref<2x5x128xi32, #tpu.memory_space<vmem>> -> memref<1x5x128xi32, #tpu.memory_space<vmem>>
        %dma_start3A_326 = tpu.memref_squeeze %dma_start3A_325 : memref<1x5x128xi32, #tpu.memory_space<vmem>> -> memref<5x128xi32, #tpu.memory_space<vmem>>
        %dma_start3A_327 = arith.constant 0 : i32
        %dma_start3A_328 = tpu.memref_slice %dma_start3A_326[%dma_start3A_318, %dma_start3A_327] : memref<5x128xi32, #tpu.memory_space<vmem>> -> memref<1x128xi32, #tpu.memory_space<vmem>>
        %dma_start3A_329 = tpu.memref_squeeze %dma_start3A_328 : memref<1x128xi32, #tpu.memory_space<vmem>> -> memref<128xi32, #tpu.memory_space<vmem>>
        %dma_start3A_330 = arith.constant 0 : i32
        %dma_start3A_331 = arith.constant 0 : i32
        %dma_start3A_332 = tpu.memref_slice %arg10[%dma_start3A_330, %dma_start3A_331] : memref<102400x16xf32, #tpu.memory_space<vmem_shared>> -> memref<102400x16xf32, #tpu.memory_space<vmem_shared>>
        tpu.enqueue_indirect_dma source(%dma_start3A_322 : memref<128x16xf32, #tpu.memory_space<vmem>>) target(%dma_start3A_332 : memref<102400x16xf32, #tpu.memory_space<vmem_shared>>) offsets(%dma_start3A_329 : memref<128xi32, #tpu.memory_space<vmem>>) semaphore(%arg13 : memref<!tpu.dma_semaphore, #tpu.memory_space<semaphore_mem>>) {add = true}
        %dma_start3A_333 = arith.constant 3 : i32
        %dma_start3A_334 = arith.constant 0 : i32
        %dma_start3A_335 = arith.constant 3 : i32
        %dma_start3A_336 = arith.constant 0 : i32
        %dma_start3A_337 = arith.constant 0 : i32
        %dma_start3A_338 = tpu.memref_slice %arg8[%dma_start3A_333, %dma_start3A_336, %dma_start3A_337] : memref<5x128x16xf32, #tpu.memory_space<vmem>> -> memref<1x128x16xf32, #tpu.memory_space<vmem>>
        %dma_start3A_339 = tpu.memref_squeeze %dma_start3A_338 : memref<1x128x16xf32, #tpu.memory_space<vmem>> -> memref<128x16xf32, #tpu.memory_space<vmem>>
        %dma_start3A_340 = arith.constant 0 : i32
        %dma_start3A_341 = arith.constant 0 : i32
        %dma_start3A_342 = tpu.memref_slice %arg6[%dma_start3A_334, %dma_start3A_340, %dma_start3A_341] : memref<2x5x128xi32, #tpu.memory_space<vmem>> -> memref<1x5x128xi32, #tpu.memory_space<vmem>>
        %dma_start3A_343 = tpu.memref_squeeze %dma_start3A_342 : memref<1x5x128xi32, #tpu.memory_space<vmem>> -> memref<5x128xi32, #tpu.memory_space<vmem>>
        %dma_start3A_344 = arith.constant 0 : i32
        %dma_start3A_345 = tpu.memref_slice %dma_start3A_343[%dma_start3A_335, %dma_start3A_344] : memref<5x128xi32, #tpu.memory_space<vmem>> -> memref<1x128xi32, #tpu.memory_space<vmem>>
        %dma_start3A_346 = tpu.memref_squeeze %dma_start3A_345 : memref<1x128xi32, #tpu.memory_space<vmem>> -> memref<128xi32, #tpu.memory_space<vmem>>
        %dma_start3A_347 = arith.constant 0 : i32
        %dma_start3A_348 = arith.constant 0 : i32
        %dma_start3A_349 = tpu.memref_slice %arg10[%dma_start3A_347, %dma_start3A_348] : memref<102400x16xf32, #tpu.memory_space<vmem_shared>> -> memref<102400x16xf32, #tpu.memory_space<vmem_shared>>
        tpu.enqueue_indirect_dma source(%dma_start3A_339 : memref<128x16xf32, #tpu.memory_space<vmem>>) target(%dma_start3A_349 : memref<102400x16xf32, #tpu.memory_space<vmem_shared>>) offsets(%dma_start3A_346 : memref<128xi32, #tpu.memory_space<vmem>>) semaphore(%arg13 : memref<!tpu.dma_semaphore, #tpu.memory_space<semaphore_mem>>) {add = true}
        %dma_start3A_350 = arith.constant 4 : i32
        %dma_start3A_351 = arith.constant 0 : i32
        %dma_start3A_352 = arith.constant 4 : i32
        %dma_start3A_353 = arith.constant 0 : i32
        %dma_start3A_354 = arith.constant 0 : i32
        %dma_start3A_355 = tpu.memref_slice %arg8[%dma_start3A_350, %dma_start3A_353, %dma_start3A_354] : memref<5x128x16xf32, #tpu.memory_space<vmem>> -> memref<1x128x16xf32, #tpu.memory_space<vmem>>
        %dma_start3A_356 = tpu.memref_squeeze %dma_start3A_355 : memref<1x128x16xf32, #tpu.memory_space<vmem>> -> memref<128x16xf32, #tpu.memory_space<vmem>>
        %dma_start3A_357 = arith.constant 0 : i32
        %dma_start3A_358 = arith.constant 0 : i32
        %dma_start3A_359 = tpu.memref_slice %arg6[%dma_start3A_351, %dma_start3A_357, %dma_start3A_358] : memref<2x5x128xi32, #tpu.memory_space<vmem>> -> memref<1x5x128xi32, #tpu.memory_space<vmem>>
        %dma_start3A_360 = tpu.memref_squeeze %dma_start3A_359 : memref<1x5x128xi32, #tpu.memory_space<vmem>> -> memref<5x128xi32, #tpu.memory_space<vmem>>
        %dma_start3A_361 = arith.constant 0 : i32
        %dma_start3A_362 = tpu.memref_slice %dma_start3A_360[%dma_start3A_352, %dma_start3A_361] : memref<5x128xi32, #tpu.memory_space<vmem>> -> memref<1x128xi32, #tpu.memory_space<vmem>>
        %dma_start3A_363 = tpu.memref_squeeze %dma_start3A_362 : memref<1x128xi32, #tpu.memory_space<vmem>> -> memref<128xi32, #tpu.memory_space<vmem>>
        %dma_start3A_364 = arith.constant 0 : i32
        %dma_start3A_365 = arith.constant 0 : i32
        %dma_start3A_366 = tpu.memref_slice %arg10[%dma_start3A_364, %dma_start3A_365] : memref<102400x16xf32, #tpu.memory_space<vmem_shared>> -> memref<102400x16xf32, #tpu.memory_space<vmem_shared>>
        tpu.enqueue_indirect_dma source(%dma_start3A_356 : memref<128x16xf32, #tpu.memory_space<vmem>>) target(%dma_start3A_366 : memref<102400x16xf32, #tpu.memory_space<vmem_shared>>) offsets(%dma_start3A_363 : memref<128xi32, #tpu.memory_space<vmem>>) semaphore(%arg13 : memref<!tpu.dma_semaphore, #tpu.memory_space<semaphore_mem>>) {add = true}
      } else {
      }
      %not3A_176 = arith.constant true
      %not3A_177 = arith.xori %eq3A_172, %not3A_176 : i1
      %convert_element_type3A_178 = arith.extui %not3A_177 : i1 to i32
      %cond3A_179 = arith.constant 0 : i32
      %cond3A_180 = arith.cmpi ne, %convert_element_type3A_178, %cond3A_179 : i32
      scf.if %cond3A_180 {
        %ge3A = arith.constant 1 : i32
        %ge3A_181 = arith.cmpi sge, %add3A_154, %ge3A : i32
        %convert_element_type3A_182 = arith.extui %ge3A_181 : i1 to i32
        %cond3A_183 = arith.constant 0 : i32
        %cond3A_184 = arith.cmpi ne, %convert_element_type3A_182, %cond3A_183 : i32
        scf.if %cond3A_184 {
          %dma_wait3A_367 = arith.constant 0 : i32
          %dma_wait3A_368 = arith.constant 0 : i32
          %dma_wait3A_369 = arith.constant 0 : i32
          %dma_wait3A_370 = arith.constant 0 : i32
          %dma_wait3A_371 = arith.constant 0 : i32
          %dma_wait3A_372 = tpu.memref_slice %arg8[%dma_wait3A_367, %dma_wait3A_370, %dma_wait3A_371] : memref<5x128x16xf32, #tpu.memory_space<vmem>> -> memref<1x128x16xf32, #tpu.memory_space<vmem>>
          %dma_wait3A_373 = tpu.memref_squeeze %dma_wait3A_372 : memref<1x128x16xf32, #tpu.memory_space<vmem>> -> memref<128x16xf32, #tpu.memory_space<vmem>>
          %dma_wait3A_374 = arith.constant 0 : i32
          %dma_wait3A_375 = arith.constant 0 : i32
          %dma_wait3A_376 = tpu.memref_slice %arg6[%dma_wait3A_368, %dma_wait3A_374, %dma_wait3A_375] : memref<2x5x128xi32, #tpu.memory_space<vmem>> -> memref<1x5x128xi32, #tpu.memory_space<vmem>>
          %dma_wait3A_377 = tpu.memref_squeeze %dma_wait3A_376 : memref<1x5x128xi32, #tpu.memory_space<vmem>> -> memref<5x128xi32, #tpu.memory_space<vmem>>
          %dma_wait3A_378 = arith.constant 0 : i32
          %dma_wait3A_379 = tpu.memref_slice %dma_wait3A_377[%dma_wait3A_369, %dma_wait3A_378] : memref<5x128xi32, #tpu.memory_space<vmem>> -> memref<1x128xi32, #tpu.memory_space<vmem>>
          %dma_wait3A_380 = tpu.memref_squeeze %dma_wait3A_379 : memref<1x128xi32, #tpu.memory_space<vmem>> -> memref<128xi32, #tpu.memory_space<vmem>>
          %dma_wait3A_381 = arith.constant 0 : i32
          %dma_wait3A_382 = arith.constant 0 : i32
          %dma_wait3A_383 = tpu.memref_slice %arg10[%dma_wait3A_381, %dma_wait3A_382] : memref<102400x16xf32, #tpu.memory_space<vmem_shared>> -> memref<102400x16xf32, #tpu.memory_space<vmem_shared>>
          tpu.wait_indirect_dma semaphore(%arg13 : memref<!tpu.dma_semaphore, #tpu.memory_space<semaphore_mem>>) src(%dma_wait3A_373 : memref<128x16xf32, #tpu.memory_space<vmem>>) dst(%dma_wait3A_383 : memref<102400x16xf32, #tpu.memory_space<vmem_shared>>)
          %dma_wait3A_384 = arith.constant 1 : i32
          %dma_wait3A_385 = arith.constant 0 : i32
          %dma_wait3A_386 = arith.constant 1 : i32
          %dma_wait3A_387 = arith.constant 0 : i32
          %dma_wait3A_388 = arith.constant 0 : i32
          %dma_wait3A_389 = tpu.memref_slice %arg8[%dma_wait3A_384, %dma_wait3A_387, %dma_wait3A_388] : memref<5x128x16xf32, #tpu.memory_space<vmem>> -> memref<1x128x16xf32, #tpu.memory_space<vmem>>
          %dma_wait3A_390 = tpu.memref_squeeze %dma_wait3A_389 : memref<1x128x16xf32, #tpu.memory_space<vmem>> -> memref<128x16xf32, #tpu.memory_space<vmem>>
          %dma_wait3A_391 = arith.constant 0 : i32
          %dma_wait3A_392 = arith.constant 0 : i32
          %dma_wait3A_393 = tpu.memref_slice %arg6[%dma_wait3A_385, %dma_wait3A_391, %dma_wait3A_392] : memref<2x5x128xi32, #tpu.memory_space<vmem>> -> memref<1x5x128xi32, #tpu.memory_space<vmem>>
          %dma_wait3A_394 = tpu.memref_squeeze %dma_wait3A_393 : memref<1x5x128xi32, #tpu.memory_space<vmem>> -> memref<5x128xi32, #tpu.memory_space<vmem>>
          %dma_wait3A_395 = arith.constant 0 : i32
          %dma_wait3A_396 = tpu.memref_slice %dma_wait3A_394[%dma_wait3A_386, %dma_wait3A_395] : memref<5x128xi32, #tpu.memory_space<vmem>> -> memref<1x128xi32, #tpu.memory_space<vmem>>
          %dma_wait3A_397 = tpu.memref_squeeze %dma_wait3A_396 : memref<1x128xi32, #tpu.memory_space<vmem>> -> memref<128xi32, #tpu.memory_space<vmem>>
          %dma_wait3A_398 = arith.constant 0 : i32
          %dma_wait3A_399 = arith.constant 0 : i32
          %dma_wait3A_400 = tpu.memref_slice %arg10[%dma_wait3A_398, %dma_wait3A_399] : memref<102400x16xf32, #tpu.memory_space<vmem_shared>> -> memref<102400x16xf32, #tpu.memory_space<vmem_shared>>
          tpu.wait_indirect_dma semaphore(%arg13 : memref<!tpu.dma_semaphore, #tpu.memory_space<semaphore_mem>>) src(%dma_wait3A_390 : memref<128x16xf32, #tpu.memory_space<vmem>>) dst(%dma_wait3A_400 : memref<102400x16xf32, #tpu.memory_space<vmem_shared>>)
          %dma_wait3A_401 = arith.constant 2 : i32
          %dma_wait3A_402 = arith.constant 0 : i32
          %dma_wait3A_403 = arith.constant 2 : i32
          %dma_wait3A_404 = arith.constant 0 : i32
          %dma_wait3A_405 = arith.constant 0 : i32
          %dma_wait3A_406 = tpu.memref_slice %arg8[%dma_wait3A_401, %dma_wait3A_404, %dma_wait3A_405] : memref<5x128x16xf32, #tpu.memory_space<vmem>> -> memref<1x128x16xf32, #tpu.memory_space<vmem>>
          %dma_wait3A_407 = tpu.memref_squeeze %dma_wait3A_406 : memref<1x128x16xf32, #tpu.memory_space<vmem>> -> memref<128x16xf32, #tpu.memory_space<vmem>>
          %dma_wait3A_408 = arith.constant 0 : i32
          %dma_wait3A_409 = arith.constant 0 : i32
          %dma_wait3A_410 = tpu.memref_slice %arg6[%dma_wait3A_402, %dma_wait3A_408, %dma_wait3A_409] : memref<2x5x128xi32, #tpu.memory_space<vmem>> -> memref<1x5x128xi32, #tpu.memory_space<vmem>>
          %dma_wait3A_411 = tpu.memref_squeeze %dma_wait3A_410 : memref<1x5x128xi32, #tpu.memory_space<vmem>> -> memref<5x128xi32, #tpu.memory_space<vmem>>
          %dma_wait3A_412 = arith.constant 0 : i32
          %dma_wait3A_413 = tpu.memref_slice %dma_wait3A_411[%dma_wait3A_403, %dma_wait3A_412] : memref<5x128xi32, #tpu.memory_space<vmem>> -> memref<1x128xi32, #tpu.memory_space<vmem>>
          %dma_wait3A_414 = tpu.memref_squeeze %dma_wait3A_413 : memref<1x128xi32, #tpu.memory_space<vmem>> -> memref<128xi32, #tpu.memory_space<vmem>>
          %dma_wait3A_415 = arith.constant 0 : i32
          %dma_wait3A_416 = arith.constant 0 : i32
          %dma_wait3A_417 = tpu.memref_slice %arg10[%dma_wait3A_415, %dma_wait3A_416] : memref<102400x16xf32, #tpu.memory_space<vmem_shared>> -> memref<102400x16xf32, #tpu.memory_space<vmem_shared>>
          tpu.wait_indirect_dma semaphore(%arg13 : memref<!tpu.dma_semaphore, #tpu.memory_space<semaphore_mem>>) src(%dma_wait3A_407 : memref<128x16xf32, #tpu.memory_space<vmem>>) dst(%dma_wait3A_417 : memref<102400x16xf32, #tpu.memory_space<vmem_shared>>)
          %dma_wait3A_418 = arith.constant 3 : i32
          %dma_wait3A_419 = arith.constant 0 : i32
          %dma_wait3A_420 = arith.constant 3 : i32
          %dma_wait3A_421 = arith.constant 0 : i32
          %dma_wait3A_422 = arith.constant 0 : i32
          %dma_wait3A_423 = tpu.memref_slice %arg8[%dma_wait3A_418, %dma_wait3A_421, %dma_wait3A_422] : memref<5x128x16xf32, #tpu.memory_space<vmem>> -> memref<1x128x16xf32, #tpu.memory_space<vmem>>
          %dma_wait3A_424 = tpu.memref_squeeze %dma_wait3A_423 : memref<1x128x16xf32, #tpu.memory_space<vmem>> -> memref<128x16xf32, #tpu.memory_space<vmem>>
          %dma_wait3A_425 = arith.constant 0 : i32
          %dma_wait3A_426 = arith.constant 0 : i32
          %dma_wait3A_427 = tpu.memref_slice %arg6[%dma_wait3A_419, %dma_wait3A_425, %dma_wait3A_426] : memref<2x5x128xi32, #tpu.memory_space<vmem>> -> memref<1x5x128xi32, #tpu.memory_space<vmem>>
          %dma_wait3A_428 = tpu.memref_squeeze %dma_wait3A_427 : memref<1x5x128xi32, #tpu.memory_space<vmem>> -> memref<5x128xi32, #tpu.memory_space<vmem>>
          %dma_wait3A_429 = arith.constant 0 : i32
          %dma_wait3A_430 = tpu.memref_slice %dma_wait3A_428[%dma_wait3A_420, %dma_wait3A_429] : memref<5x128xi32, #tpu.memory_space<vmem>> -> memref<1x128xi32, #tpu.memory_space<vmem>>
          %dma_wait3A_431 = tpu.memref_squeeze %dma_wait3A_430 : memref<1x128xi32, #tpu.memory_space<vmem>> -> memref<128xi32, #tpu.memory_space<vmem>>
          %dma_wait3A_432 = arith.constant 0 : i32
          %dma_wait3A_433 = arith.constant 0 : i32
          %dma_wait3A_434 = tpu.memref_slice %arg10[%dma_wait3A_432, %dma_wait3A_433] : memref<102400x16xf32, #tpu.memory_space<vmem_shared>> -> memref<102400x16xf32, #tpu.memory_space<vmem_shared>>
          tpu.wait_indirect_dma semaphore(%arg13 : memref<!tpu.dma_semaphore, #tpu.memory_space<semaphore_mem>>) src(%dma_wait3A_424 : memref<128x16xf32, #tpu.memory_space<vmem>>) dst(%dma_wait3A_434 : memref<102400x16xf32, #tpu.memory_space<vmem_shared>>)
          %dma_wait3A_435 = arith.constant 4 : i32
          %dma_wait3A_436 = arith.constant 0 : i32
          %dma_wait3A_437 = arith.constant 4 : i32
          %dma_wait3A_438 = arith.constant 0 : i32
          %dma_wait3A_439 = arith.constant 0 : i32
          %dma_wait3A_440 = tpu.memref_slice %arg8[%dma_wait3A_435, %dma_wait3A_438, %dma_wait3A_439] : memref<5x128x16xf32, #tpu.memory_space<vmem>> -> memref<1x128x16xf32, #tpu.memory_space<vmem>>
          %dma_wait3A_441 = tpu.memref_squeeze %dma_wait3A_440 : memref<1x128x16xf32, #tpu.memory_space<vmem>> -> memref<128x16xf32, #tpu.memory_space<vmem>>
          %dma_wait3A_442 = arith.constant 0 : i32
          %dma_wait3A_443 = arith.constant 0 : i32
          %dma_wait3A_444 = tpu.memref_slice %arg6[%dma_wait3A_436, %dma_wait3A_442, %dma_wait3A_443] : memref<2x5x128xi32, #tpu.memory_space<vmem>> -> memref<1x5x128xi32, #tpu.memory_space<vmem>>
          %dma_wait3A_445 = tpu.memref_squeeze %dma_wait3A_444 : memref<1x5x128xi32, #tpu.memory_space<vmem>> -> memref<5x128xi32, #tpu.memory_space<vmem>>
          %dma_wait3A_446 = arith.constant 0 : i32
          %dma_wait3A_447 = tpu.memref_slice %dma_wait3A_445[%dma_wait3A_437, %dma_wait3A_446] : memref<5x128xi32, #tpu.memory_space<vmem>> -> memref<1x128xi32, #tpu.memory_space<vmem>>
          %dma_wait3A_448 = tpu.memref_squeeze %dma_wait3A_447 : memref<1x128xi32, #tpu.memory_space<vmem>> -> memref<128xi32, #tpu.memory_space<vmem>>
          %dma_wait3A_449 = arith.constant 0 : i32
          %dma_wait3A_450 = arith.constant 0 : i32
          %dma_wait3A_451 = tpu.memref_slice %arg10[%dma_wait3A_449, %dma_wait3A_450] : memref<102400x16xf32, #tpu.memory_space<vmem_shared>> -> memref<102400x16xf32, #tpu.memory_space<vmem_shared>>
          tpu.wait_indirect_dma semaphore(%arg13 : memref<!tpu.dma_semaphore, #tpu.memory_space<semaphore_mem>>) src(%dma_wait3A_441 : memref<128x16xf32, #tpu.memory_space<vmem>>) dst(%dma_wait3A_451 : memref<102400x16xf32, #tpu.memory_space<vmem_shared>>)
        } else {
        }
        %add3A_185 = arith.constant 1 : i32
        %add3A_186 = arith.addi %add3A_154, %add3A_185 : i32
        %lt3A_187 = arith.cmpi slt, %add3A_186, %select_n3A : i32
        %convert_element_type3A_188 = arith.extui %lt3A_187 : i1 to i32
        %cond3A_189 = arith.constant 0 : i32
        %cond3A_190 = arith.cmpi ne, %convert_element_type3A_188, %cond3A_189 : i32
        scf.if %cond3A_190 {
          %add3A_367 = arith.constant 1 : i32
          %add3A_368 = arith.addi %add3A_154, %add3A_367 : i32
          %add3A_369 = arith.addi %mul3A_4, %add3A_368 : i32
          %mul3A_370 = arith.constant 5 : i32
          %mul3A_371 = arith.muli %add3A_369, %mul3A_370 : i32
          %dma_start3A_372 = arith.constant 0 : i32
          %dma_start3A_373 = arith.constant 0 : i32
          %dma_start3A_374 = tpu.memref_slice %arg3[%dma_start3A_372, %mul3A_371, %dma_start3A_373] : memref<2x50000x128xi32, #tpu.memory_space<hbm>> -> memref<2x5x128xi32, #tpu.memory_space<hbm>>
          %dma_start3A_375 = arith.constant 0 : i32
          %dma_start3A_376 = arith.constant 0 : i32
          %dma_start3A_377 = tpu.memref_slice %arg3[%dma_start3A_375, %mul3A_371, %dma_start3A_376] : memref<2x50000x128xi32, #tpu.memory_space<hbm>> -> memref<2x5x128xi32, #tpu.memory_space<hbm>>
          tpu.enqueue_dma source(%dma_start3A_377 : memref<2x5x128xi32, #tpu.memory_space<hbm>>) target(%arg6 : memref<2x5x128xi32, #tpu.memory_space<vmem>>) target_semaphore(%arg15 : memref<!tpu.dma_semaphore, #tpu.memory_space<semaphore_mem>>)
        } else {
        }
        %dma_wait3A_191 = arith.constant 1 : i32
        %dma_wait3A_192 = arith.constant 0 : i32
        %dma_wait3A_193 = arith.constant 0 : i32
        %dma_wait3A_194 = arith.constant 0 : i32
        %dma_wait3A_195 = arith.constant 0 : i32
        %dma_wait3A_196 = tpu.memref_slice %arg9[%dma_wait3A_193, %dma_wait3A_194, %dma_wait3A_195] : memref<5x128x16xf32, #tpu.memory_space<vmem>> -> memref<1x128x16xf32, #tpu.memory_space<vmem>>
        %dma_wait3A_197 = tpu.memref_squeeze %dma_wait3A_196 : memref<1x128x16xf32, #tpu.memory_space<vmem>> -> memref<128x16xf32, #tpu.memory_space<vmem>>
        %dma_wait3A_198 = arith.constant 0 : i32
        %dma_wait3A_199 = arith.constant 0 : i32
        %dma_wait3A_200 = tpu.memref_slice %arg7[%dma_wait3A_191, %dma_wait3A_198, %dma_wait3A_199] : memref<2x5x128xi32, #tpu.memory_space<vmem>> -> memref<1x5x128xi32, #tpu.memory_space<vmem>>
        %dma_wait3A_201 = tpu.memref_squeeze %dma_wait3A_200 : memref<1x5x128xi32, #tpu.memory_space<vmem>> -> memref<5x128xi32, #tpu.memory_space<vmem>>
        %dma_wait3A_202 = arith.constant 0 : i32
        %dma_wait3A_203 = tpu.memref_slice %dma_wait3A_201[%dma_wait3A_192, %dma_wait3A_202] : memref<5x128xi32, #tpu.memory_space<vmem>> -> memref<1x128xi32, #tpu.memory_space<vmem>>
        %dma_wait3A_204 = tpu.memref_squeeze %dma_wait3A_203 : memref<1x128xi32, #tpu.memory_space<vmem>> -> memref<128xi32, #tpu.memory_space<vmem>>
        %dma_wait3A_205 = arith.constant 0 : i32
        %dma_wait3A_206 = arith.constant 0 : i32
        %dma_wait3A_207 = tpu.memref_slice %arg2[%dma_wait3A_205, %dma_wait3A_206] : memref<102400x16xf32, #tpu.memory_space<hbm>> -> memref<102400x16xf32, #tpu.memory_space<hbm>>
        tpu.wait_indirect_dma semaphore(%arg12 : memref<!tpu.dma_semaphore, #tpu.memory_space<semaphore_mem>>) src(%dma_wait3A_207 : memref<102400x16xf32, #tpu.memory_space<hbm>>) dst(%dma_wait3A_197 : memref<128x16xf32, #tpu.memory_space<vmem>>)
        %dma_wait3A_208 = arith.constant 1 : i32
        %dma_wait3A_209 = arith.constant 1 : i32
        %dma_wait3A_210 = arith.constant 1 : i32
        %dma_wait3A_211 = arith.constant 0 : i32
        %dma_wait3A_212 = arith.constant 0 : i32
        %dma_wait3A_213 = tpu.memref_slice %arg9[%dma_wait3A_210, %dma_wait3A_211, %dma_wait3A_212] : memref<5x128x16xf32, #tpu.memory_space<vmem>> -> memref<1x128x16xf32, #tpu.memory_space<vmem>>
        %dma_wait3A_214 = tpu.memref_squeeze %dma_wait3A_213 : memref<1x128x16xf32, #tpu.memory_space<vmem>> -> memref<128x16xf32, #tpu.memory_space<vmem>>
        %dma_wait3A_215 = arith.constant 0 : i32
        %dma_wait3A_216 = arith.constant 0 : i32
        %dma_wait3A_217 = tpu.memref_slice %arg7[%dma_wait3A_208, %dma_wait3A_215, %dma_wait3A_216] : memref<2x5x128xi32, #tpu.memory_space<vmem>> -> memref<1x5x128xi32, #tpu.memory_space<vmem>>
        %dma_wait3A_218 = tpu.memref_squeeze %dma_wait3A_217 : memref<1x5x128xi32, #tpu.memory_space<vmem>> -> memref<5x128xi32, #tpu.memory_space<vmem>>
        %dma_wait3A_219 = arith.constant 0 : i32
        %dma_wait3A_220 = tpu.memref_slice %dma_wait3A_218[%dma_wait3A_209, %dma_wait3A_219] : memref<5x128xi32, #tpu.memory_space<vmem>> -> memref<1x128xi32, #tpu.memory_space<vmem>>
        %dma_wait3A_221 = tpu.memref_squeeze %dma_wait3A_220 : memref<1x128xi32, #tpu.memory_space<vmem>> -> memref<128xi32, #tpu.memory_space<vmem>>
        %dma_wait3A_222 = arith.constant 0 : i32
        %dma_wait3A_223 = arith.constant 0 : i32
        %dma_wait3A_224 = tpu.memref_slice %arg2[%dma_wait3A_222, %dma_wait3A_223] : memref<102400x16xf32, #tpu.memory_space<hbm>> -> memref<102400x16xf32, #tpu.memory_space<hbm>>
        tpu.wait_indirect_dma semaphore(%arg12 : memref<!tpu.dma_semaphore, #tpu.memory_space<semaphore_mem>>) src(%dma_wait3A_224 : memref<102400x16xf32, #tpu.memory_space<hbm>>) dst(%dma_wait3A_214 : memref<128x16xf32, #tpu.memory_space<vmem>>)
        %dma_wait3A_225 = arith.constant 1 : i32
        %dma_wait3A_226 = arith.constant 2 : i32
        %dma_wait3A_227 = arith.constant 2 : i32
        %dma_wait3A_228 = arith.constant 0 : i32
        %dma_wait3A_229 = arith.constant 0 : i32
        %dma_wait3A_230 = tpu.memref_slice %arg9[%dma_wait3A_227, %dma_wait3A_228, %dma_wait3A_229] : memref<5x128x16xf32, #tpu.memory_space<vmem>> -> memref<1x128x16xf32, #tpu.memory_space<vmem>>
        %dma_wait3A_231 = tpu.memref_squeeze %dma_wait3A_230 : memref<1x128x16xf32, #tpu.memory_space<vmem>> -> memref<128x16xf32, #tpu.memory_space<vmem>>
        %dma_wait3A_232 = arith.constant 0 : i32
        %dma_wait3A_233 = arith.constant 0 : i32
        %dma_wait3A_234 = tpu.memref_slice %arg7[%dma_wait3A_225, %dma_wait3A_232, %dma_wait3A_233] : memref<2x5x128xi32, #tpu.memory_space<vmem>> -> memref<1x5x128xi32, #tpu.memory_space<vmem>>
        %dma_wait3A_235 = tpu.memref_squeeze %dma_wait3A_234 : memref<1x5x128xi32, #tpu.memory_space<vmem>> -> memref<5x128xi32, #tpu.memory_space<vmem>>
        %dma_wait3A_236 = arith.constant 0 : i32
        %dma_wait3A_237 = tpu.memref_slice %dma_wait3A_235[%dma_wait3A_226, %dma_wait3A_236] : memref<5x128xi32, #tpu.memory_space<vmem>> -> memref<1x128xi32, #tpu.memory_space<vmem>>
        %dma_wait3A_238 = tpu.memref_squeeze %dma_wait3A_237 : memref<1x128xi32, #tpu.memory_space<vmem>> -> memref<128xi32, #tpu.memory_space<vmem>>
        %dma_wait3A_239 = arith.constant 0 : i32
        %dma_wait3A_240 = arith.constant 0 : i32
        %dma_wait3A_241 = tpu.memref_slice %arg2[%dma_wait3A_239, %dma_wait3A_240] : memref<102400x16xf32, #tpu.memory_space<hbm>> -> memref<102400x16xf32, #tpu.memory_space<hbm>>
        tpu.wait_indirect_dma semaphore(%arg12 : memref<!tpu.dma_semaphore, #tpu.memory_space<semaphore_mem>>) src(%dma_wait3A_241 : memref<102400x16xf32, #tpu.memory_space<hbm>>) dst(%dma_wait3A_231 : memref<128x16xf32, #tpu.memory_space<vmem>>)
        %dma_wait3A_242 = arith.constant 1 : i32
        %dma_wait3A_243 = arith.constant 3 : i32
        %dma_wait3A_244 = arith.constant 3 : i32
        %dma_wait3A_245 = arith.constant 0 : i32
        %dma_wait3A_246 = arith.constant 0 : i32
        %dma_wait3A_247 = tpu.memref_slice %arg9[%dma_wait3A_244, %dma_wait3A_245, %dma_wait3A_246] : memref<5x128x16xf32, #tpu.memory_space<vmem>> -> memref<1x128x16xf32, #tpu.memory_space<vmem>>
        %dma_wait3A_248 = tpu.memref_squeeze %dma_wait3A_247 : memref<1x128x16xf32, #tpu.memory_space<vmem>> -> memref<128x16xf32, #tpu.memory_space<vmem>>
        %dma_wait3A_249 = arith.constant 0 : i32
        %dma_wait3A_250 = arith.constant 0 : i32
        %dma_wait3A_251 = tpu.memref_slice %arg7[%dma_wait3A_242, %dma_wait3A_249, %dma_wait3A_250] : memref<2x5x128xi32, #tpu.memory_space<vmem>> -> memref<1x5x128xi32, #tpu.memory_space<vmem>>
        %dma_wait3A_252 = tpu.memref_squeeze %dma_wait3A_251 : memref<1x5x128xi32, #tpu.memory_space<vmem>> -> memref<5x128xi32, #tpu.memory_space<vmem>>
        %dma_wait3A_253 = arith.constant 0 : i32
        %dma_wait3A_254 = tpu.memref_slice %dma_wait3A_252[%dma_wait3A_243, %dma_wait3A_253] : memref<5x128xi32, #tpu.memory_space<vmem>> -> memref<1x128xi32, #tpu.memory_space<vmem>>
        %dma_wait3A_255 = tpu.memref_squeeze %dma_wait3A_254 : memref<1x128xi32, #tpu.memory_space<vmem>> -> memref<128xi32, #tpu.memory_space<vmem>>
        %dma_wait3A_256 = arith.constant 0 : i32
        %dma_wait3A_257 = arith.constant 0 : i32
        %dma_wait3A_258 = tpu.memref_slice %arg2[%dma_wait3A_256, %dma_wait3A_257] : memref<102400x16xf32, #tpu.memory_space<hbm>> -> memref<102400x16xf32, #tpu.memory_space<hbm>>
        tpu.wait_indirect_dma semaphore(%arg12 : memref<!tpu.dma_semaphore, #tpu.memory_space<semaphore_mem>>) src(%dma_wait3A_258 : memref<102400x16xf32, #tpu.memory_space<hbm>>) dst(%dma_wait3A_248 : memref<128x16xf32, #tpu.memory_space<vmem>>)
        %dma_wait3A_259 = arith.constant 1 : i32
        %dma_wait3A_260 = arith.constant 4 : i32
        %dma_wait3A_261 = arith.constant 4 : i32
        %dma_wait3A_262 = arith.constant 0 : i32
        %dma_wait3A_263 = arith.constant 0 : i32
        %dma_wait3A_264 = tpu.memref_slice %arg9[%dma_wait3A_261, %dma_wait3A_262, %dma_wait3A_263] : memref<5x128x16xf32, #tpu.memory_space<vmem>> -> memref<1x128x16xf32, #tpu.memory_space<vmem>>
        %dma_wait3A_265 = tpu.memref_squeeze %dma_wait3A_264 : memref<1x128x16xf32, #tpu.memory_space<vmem>> -> memref<128x16xf32, #tpu.memory_space<vmem>>
        %dma_wait3A_266 = arith.constant 0 : i32
        %dma_wait3A_267 = arith.constant 0 : i32
        %dma_wait3A_268 = tpu.memref_slice %arg7[%dma_wait3A_259, %dma_wait3A_266, %dma_wait3A_267] : memref<2x5x128xi32, #tpu.memory_space<vmem>> -> memref<1x5x128xi32, #tpu.memory_space<vmem>>
        %dma_wait3A_269 = tpu.memref_squeeze %dma_wait3A_268 : memref<1x5x128xi32, #tpu.memory_space<vmem>> -> memref<5x128xi32, #tpu.memory_space<vmem>>
        %dma_wait3A_270 = arith.constant 0 : i32
        %dma_wait3A_271 = tpu.memref_slice %dma_wait3A_269[%dma_wait3A_260, %dma_wait3A_270] : memref<5x128xi32, #tpu.memory_space<vmem>> -> memref<1x128xi32, #tpu.memory_space<vmem>>
        %dma_wait3A_272 = tpu.memref_squeeze %dma_wait3A_271 : memref<1x128xi32, #tpu.memory_space<vmem>> -> memref<128xi32, #tpu.memory_space<vmem>>
        %dma_wait3A_273 = arith.constant 0 : i32
        %dma_wait3A_274 = arith.constant 0 : i32
        %dma_wait3A_275 = tpu.memref_slice %arg2[%dma_wait3A_273, %dma_wait3A_274] : memref<102400x16xf32, #tpu.memory_space<hbm>> -> memref<102400x16xf32, #tpu.memory_space<hbm>>
        tpu.wait_indirect_dma semaphore(%arg12 : memref<!tpu.dma_semaphore, #tpu.memory_space<semaphore_mem>>) src(%dma_wait3A_275 : memref<102400x16xf32, #tpu.memory_space<hbm>>) dst(%dma_wait3A_265 : memref<128x16xf32, #tpu.memory_space<vmem>>)
        %add3A_276 = arith.constant 1 : i32
        %add3A_277 = arith.addi %add3A_154, %add3A_276 : i32
        %lt3A_278 = arith.cmpi slt, %add3A_277, %select_n3A : i32
        %convert_element_type3A_279 = arith.extui %lt3A_278 : i1 to i32
        %cond3A_280 = arith.constant 0 : i32
        %cond3A_281 = arith.cmpi ne, %convert_element_type3A_279, %cond3A_280 : i32
        scf.if %cond3A_281 {
          %add3A_367 = arith.constant 1 : i32
          %add3A_368 = arith.addi %add3A_154, %add3A_367 : i32
          %add3A_369 = arith.addi %mul3A_4, %add3A_368 : i32
          %mul3A_370 = arith.constant 5 : i32
          %mul3A_371 = arith.muli %add3A_369, %mul3A_370 : i32
          %dma_wait3A_372 = arith.constant 0 : i32
          %dma_wait3A_373 = arith.constant 0 : i32
          %dma_wait3A_374 = tpu.memref_slice %arg3[%dma_wait3A_372, %mul3A_371, %dma_wait3A_373] : memref<2x50000x128xi32, #tpu.memory_space<hbm>> -> memref<2x5x128xi32, #tpu.memory_space<hbm>>
          %dma_wait3A_375 = arith.constant 0 : i32
          %dma_wait3A_376 = arith.constant 0 : i32
          %dma_wait3A_377 = tpu.memref_slice %arg3[%dma_wait3A_375, %mul3A_371, %dma_wait3A_376] : memref<2x50000x128xi32, #tpu.memory_space<hbm>> -> memref<2x5x128xi32, #tpu.memory_space<hbm>>
          tpu.wait_dma2 semaphore(%arg15 : memref<!tpu.dma_semaphore, #tpu.memory_space<semaphore_mem>>) src(%dma_wait3A_377 : memref<2x5x128xi32, #tpu.memory_space<hbm>>) dst(%arg6 : memref<2x5x128xi32, #tpu.memory_space<vmem>>)
          %dma_start3A_378 = arith.constant 1 : i32
          %dma_start3A_379 = arith.constant 0 : i32
          %dma_start3A_380 = arith.constant 0 : i32
          %dma_start3A_381 = arith.constant 0 : i32
          %dma_start3A_382 = arith.constant 0 : i32
          %dma_start3A_383 = tpu.memref_slice %arg8[%dma_start3A_380, %dma_start3A_381, %dma_start3A_382] : memref<5x128x16xf32, #tpu.memory_space<vmem>> -> memref<1x128x16xf32, #tpu.memory_space<vmem>>
          %dma_start3A_384 = tpu.memref_squeeze %dma_start3A_383 : memref<1x128x16xf32, #tpu.memory_space<vmem>> -> memref<128x16xf32, #tpu.memory_space<vmem>>
          %dma_start3A_385 = arith.constant 0 : i32
          %dma_start3A_386 = arith.constant 0 : i32
          %dma_start3A_387 = tpu.memref_slice %arg6[%dma_start3A_378, %dma_start3A_385, %dma_start3A_386] : memref<2x5x128xi32, #tpu.memory_space<vmem>> -> memref<1x5x128xi32, #tpu.memory_space<vmem>>
          %dma_start3A_388 = tpu.memref_squeeze %dma_start3A_387 : memref<1x5x128xi32, #tpu.memory_space<vmem>> -> memref<5x128xi32, #tpu.memory_space<vmem>>
          %dma_start3A_389 = arith.constant 0 : i32
          %dma_start3A_390 = tpu.memref_slice %dma_start3A_388[%dma_start3A_379, %dma_start3A_389] : memref<5x128xi32, #tpu.memory_space<vmem>> -> memref<1x128xi32, #tpu.memory_space<vmem>>
          %dma_start3A_391 = tpu.memref_squeeze %dma_start3A_390 : memref<1x128xi32, #tpu.memory_space<vmem>> -> memref<128xi32, #tpu.memory_space<vmem>>
          %dma_start3A_392 = arith.constant 0 : i32
          %dma_start3A_393 = arith.constant 0 : i32
          %dma_start3A_394 = tpu.memref_slice %arg2[%dma_start3A_392, %dma_start3A_393] : memref<102400x16xf32, #tpu.memory_space<hbm>> -> memref<102400x16xf32, #tpu.memory_space<hbm>>
          tpu.enqueue_indirect_dma source(%dma_start3A_394 : memref<102400x16xf32, #tpu.memory_space<hbm>>) target(%dma_start3A_384 : memref<128x16xf32, #tpu.memory_space<vmem>>) offsets(%dma_start3A_391 : memref<128xi32, #tpu.memory_space<vmem>>) semaphore(%arg11 : memref<!tpu.dma_semaphore, #tpu.memory_space<semaphore_mem>>)
          %dma_start3A_395 = arith.constant 1 : i32
          %dma_start3A_396 = arith.constant 1 : i32
          %dma_start3A_397 = arith.constant 1 : i32
          %dma_start3A_398 = arith.constant 0 : i32
          %dma_start3A_399 = arith.constant 0 : i32
          %dma_start3A_400 = tpu.memref_slice %arg8[%dma_start3A_397, %dma_start3A_398, %dma_start3A_399] : memref<5x128x16xf32, #tpu.memory_space<vmem>> -> memref<1x128x16xf32, #tpu.memory_space<vmem>>
          %dma_start3A_401 = tpu.memref_squeeze %dma_start3A_400 : memref<1x128x16xf32, #tpu.memory_space<vmem>> -> memref<128x16xf32, #tpu.memory_space<vmem>>
          %dma_start3A_402 = arith.constant 0 : i32
          %dma_start3A_403 = arith.constant 0 : i32
          %dma_start3A_404 = tpu.memref_slice %arg6[%dma_start3A_395, %dma_start3A_402, %dma_start3A_403] : memref<2x5x128xi32, #tpu.memory_space<vmem>> -> memref<1x5x128xi32, #tpu.memory_space<vmem>>
          %dma_start3A_405 = tpu.memref_squeeze %dma_start3A_404 : memref<1x5x128xi32, #tpu.memory_space<vmem>> -> memref<5x128xi32, #tpu.memory_space<vmem>>
          %dma_start3A_406 = arith.constant 0 : i32
          %dma_start3A_407 = tpu.memref_slice %dma_start3A_405[%dma_start3A_396, %dma_start3A_406] : memref<5x128xi32, #tpu.memory_space<vmem>> -> memref<1x128xi32, #tpu.memory_space<vmem>>
          %dma_start3A_408 = tpu.memref_squeeze %dma_start3A_407 : memref<1x128xi32, #tpu.memory_space<vmem>> -> memref<128xi32, #tpu.memory_space<vmem>>
          %dma_start3A_409 = arith.constant 0 : i32
          %dma_start3A_410 = arith.constant 0 : i32
          %dma_start3A_411 = tpu.memref_slice %arg2[%dma_start3A_409, %dma_start3A_410] : memref<102400x16xf32, #tpu.memory_space<hbm>> -> memref<102400x16xf32, #tpu.memory_space<hbm>>
          tpu.enqueue_indirect_dma source(%dma_start3A_411 : memref<102400x16xf32, #tpu.memory_space<hbm>>) target(%dma_start3A_401 : memref<128x16xf32, #tpu.memory_space<vmem>>) offsets(%dma_start3A_408 : memref<128xi32, #tpu.memory_space<vmem>>) semaphore(%arg11 : memref<!tpu.dma_semaphore, #tpu.memory_space<semaphore_mem>>)
          %dma_start3A_412 = arith.constant 1 : i32
          %dma_start3A_413 = arith.constant 2 : i32
          %dma_start3A_414 = arith.constant 2 : i32
          %dma_start3A_415 = arith.constant 0 : i32
          %dma_start3A_416 = arith.constant 0 : i32
          %dma_start3A_417 = tpu.memref_slice %arg8[%dma_start3A_414, %dma_start3A_415, %dma_start3A_416] : memref<5x128x16xf32, #tpu.memory_space<vmem>> -> memref<1x128x16xf32, #tpu.memory_space<vmem>>
          %dma_start3A_418 = tpu.memref_squeeze %dma_start3A_417 : memref<1x128x16xf32, #tpu.memory_space<vmem>> -> memref<128x16xf32, #tpu.memory_space<vmem>>
          %dma_start3A_419 = arith.constant 0 : i32
          %dma_start3A_420 = arith.constant 0 : i32
          %dma_start3A_421 = tpu.memref_slice %arg6[%dma_start3A_412, %dma_start3A_419, %dma_start3A_420] : memref<2x5x128xi32, #tpu.memory_space<vmem>> -> memref<1x5x128xi32, #tpu.memory_space<vmem>>
          %dma_start3A_422 = tpu.memref_squeeze %dma_start3A_421 : memref<1x5x128xi32, #tpu.memory_space<vmem>> -> memref<5x128xi32, #tpu.memory_space<vmem>>
          %dma_start3A_423 = arith.constant 0 : i32
          %dma_start3A_424 = tpu.memref_slice %dma_start3A_422[%dma_start3A_413, %dma_start3A_423] : memref<5x128xi32, #tpu.memory_space<vmem>> -> memref<1x128xi32, #tpu.memory_space<vmem>>
          %dma_start3A_425 = tpu.memref_squeeze %dma_start3A_424 : memref<1x128xi32, #tpu.memory_space<vmem>> -> memref<128xi32, #tpu.memory_space<vmem>>
          %dma_start3A_426 = arith.constant 0 : i32
          %dma_start3A_427 = arith.constant 0 : i32
          %dma_start3A_428 = tpu.memref_slice %arg2[%dma_start3A_426, %dma_start3A_427] : memref<102400x16xf32, #tpu.memory_space<hbm>> -> memref<102400x16xf32, #tpu.memory_space<hbm>>
          tpu.enqueue_indirect_dma source(%dma_start3A_428 : memref<102400x16xf32, #tpu.memory_space<hbm>>) target(%dma_start3A_418 : memref<128x16xf32, #tpu.memory_space<vmem>>) offsets(%dma_start3A_425 : memref<128xi32, #tpu.memory_space<vmem>>) semaphore(%arg11 : memref<!tpu.dma_semaphore, #tpu.memory_space<semaphore_mem>>)
          %dma_start3A_429 = arith.constant 1 : i32
          %dma_start3A_430 = arith.constant 3 : i32
          %dma_start3A_431 = arith.constant 3 : i32
          %dma_start3A_432 = arith.constant 0 : i32
          %dma_start3A_433 = arith.constant 0 : i32
          %dma_start3A_434 = tpu.memref_slice %arg8[%dma_start3A_431, %dma_start3A_432, %dma_start3A_433] : memref<5x128x16xf32, #tpu.memory_space<vmem>> -> memref<1x128x16xf32, #tpu.memory_space<vmem>>
          %dma_start3A_435 = tpu.memref_squeeze %dma_start3A_434 : memref<1x128x16xf32, #tpu.memory_space<vmem>> -> memref<128x16xf32, #tpu.memory_space<vmem>>
          %dma_start3A_436 = arith.constant 0 : i32
          %dma_start3A_437 = arith.constant 0 : i32
          %dma_start3A_438 = tpu.memref_slice %arg6[%dma_start3A_429, %dma_start3A_436, %dma_start3A_437] : memref<2x5x128xi32, #tpu.memory_space<vmem>> -> memref<1x5x128xi32, #tpu.memory_space<vmem>>
          %dma_start3A_439 = tpu.memref_squeeze %dma_start3A_438 : memref<1x5x128xi32, #tpu.memory_space<vmem>> -> memref<5x128xi32, #tpu.memory_space<vmem>>
          %dma_start3A_440 = arith.constant 0 : i32
          %dma_start3A_441 = tpu.memref_slice %dma_start3A_439[%dma_start3A_430, %dma_start3A_440] : memref<5x128xi32, #tpu.memory_space<vmem>> -> memref<1x128xi32, #tpu.memory_space<vmem>>
          %dma_start3A_442 = tpu.memref_squeeze %dma_start3A_441 : memref<1x128xi32, #tpu.memory_space<vmem>> -> memref<128xi32, #tpu.memory_space<vmem>>
          %dma_start3A_443 = arith.constant 0 : i32
          %dma_start3A_444 = arith.constant 0 : i32
          %dma_start3A_445 = tpu.memref_slice %arg2[%dma_start3A_443, %dma_start3A_444] : memref<102400x16xf32, #tpu.memory_space<hbm>> -> memref<102400x16xf32, #tpu.memory_space<hbm>>
          tpu.enqueue_indirect_dma source(%dma_start3A_445 : memref<102400x16xf32, #tpu.memory_space<hbm>>) target(%dma_start3A_435 : memref<128x16xf32, #tpu.memory_space<vmem>>) offsets(%dma_start3A_442 : memref<128xi32, #tpu.memory_space<vmem>>) semaphore(%arg11 : memref<!tpu.dma_semaphore, #tpu.memory_space<semaphore_mem>>)
          %dma_start3A_446 = arith.constant 1 : i32
          %dma_start3A_447 = arith.constant 4 : i32
          %dma_start3A_448 = arith.constant 4 : i32
          %dma_start3A_449 = arith.constant 0 : i32
          %dma_start3A_450 = arith.constant 0 : i32
          %dma_start3A_451 = tpu.memref_slice %arg8[%dma_start3A_448, %dma_start3A_449, %dma_start3A_450] : memref<5x128x16xf32, #tpu.memory_space<vmem>> -> memref<1x128x16xf32, #tpu.memory_space<vmem>>
          %dma_start3A_452 = tpu.memref_squeeze %dma_start3A_451 : memref<1x128x16xf32, #tpu.memory_space<vmem>> -> memref<128x16xf32, #tpu.memory_space<vmem>>
          %dma_start3A_453 = arith.constant 0 : i32
          %dma_start3A_454 = arith.constant 0 : i32
          %dma_start3A_455 = tpu.memref_slice %arg6[%dma_start3A_446, %dma_start3A_453, %dma_start3A_454] : memref<2x5x128xi32, #tpu.memory_space<vmem>> -> memref<1x5x128xi32, #tpu.memory_space<vmem>>
          %dma_start3A_456 = tpu.memref_squeeze %dma_start3A_455 : memref<1x5x128xi32, #tpu.memory_space<vmem>> -> memref<5x128xi32, #tpu.memory_space<vmem>>
          %dma_start3A_457 = arith.constant 0 : i32
          %dma_start3A_458 = tpu.memref_slice %dma_start3A_456[%dma_start3A_447, %dma_start3A_457] : memref<5x128xi32, #tpu.memory_space<vmem>> -> memref<1x128xi32, #tpu.memory_space<vmem>>
          %dma_start3A_459 = tpu.memref_squeeze %dma_start3A_458 : memref<1x128xi32, #tpu.memory_space<vmem>> -> memref<128xi32, #tpu.memory_space<vmem>>
          %dma_start3A_460 = arith.constant 0 : i32
          %dma_start3A_461 = arith.constant 0 : i32
          %dma_start3A_462 = tpu.memref_slice %arg2[%dma_start3A_460, %dma_start3A_461] : memref<102400x16xf32, #tpu.memory_space<hbm>> -> memref<102400x16xf32, #tpu.memory_space<hbm>>
          tpu.enqueue_indirect_dma source(%dma_start3A_462 : memref<102400x16xf32, #tpu.memory_space<hbm>>) target(%dma_start3A_452 : memref<128x16xf32, #tpu.memory_space<vmem>>) offsets(%dma_start3A_459 : memref<128xi32, #tpu.memory_space<vmem>>) semaphore(%arg11 : memref<!tpu.dma_semaphore, #tpu.memory_space<semaphore_mem>>)
        } else {
        }
        %dma_start3A_282 = arith.constant 0 : i32
        %dma_start3A_283 = arith.constant 0 : i32
        %dma_start3A_284 = arith.constant 0 : i32
        %dma_start3A_285 = arith.constant 0 : i32
        %dma_start3A_286 = arith.constant 0 : i32
        %dma_start3A_287 = tpu.memref_slice %arg9[%dma_start3A_282, %dma_start3A_285, %dma_start3A_286] : memref<5x128x16xf32, #tpu.memory_space<vmem>> -> memref<1x128x16xf32, #tpu.memory_space<vmem>>
        %dma_start3A_288 = tpu.memref_squeeze %dma_start3A_287 : memref<1x128x16xf32, #tpu.memory_space<vmem>> -> memref<128x16xf32, #tpu.memory_space<vmem>>
        %dma_start3A_289 = arith.constant 0 : i32
        %dma_start3A_290 = arith.constant 0 : i32
        %dma_start3A_291 = tpu.memref_slice %arg7[%dma_start3A_283, %dma_start3A_289, %dma_start3A_290] : memref<2x5x128xi32, #tpu.memory_space<vmem>> -> memref<1x5x128xi32, #tpu.memory_space<vmem>>
        %dma_start3A_292 = tpu.memref_squeeze %dma_start3A_291 : memref<1x5x128xi32, #tpu.memory_space<vmem>> -> memref<5x128xi32, #tpu.memory_space<vmem>>
        %dma_start3A_293 = arith.constant 0 : i32
        %dma_start3A_294 = tpu.memref_slice %dma_start3A_292[%dma_start3A_284, %dma_start3A_293] : memref<5x128xi32, #tpu.memory_space<vmem>> -> memref<1x128xi32, #tpu.memory_space<vmem>>
        %dma_start3A_295 = tpu.memref_squeeze %dma_start3A_294 : memref<1x128xi32, #tpu.memory_space<vmem>> -> memref<128xi32, #tpu.memory_space<vmem>>
        %dma_start3A_296 = arith.constant 0 : i32
        %dma_start3A_297 = arith.constant 0 : i32
        %dma_start3A_298 = tpu.memref_slice %arg10[%dma_start3A_296, %dma_start3A_297] : memref<102400x16xf32, #tpu.memory_space<vmem_shared>> -> memref<102400x16xf32, #tpu.memory_space<vmem_shared>>
        tpu.enqueue_indirect_dma source(%dma_start3A_288 : memref<128x16xf32, #tpu.memory_space<vmem>>) target(%dma_start3A_298 : memref<102400x16xf32, #tpu.memory_space<vmem_shared>>) offsets(%dma_start3A_295 : memref<128xi32, #tpu.memory_space<vmem>>) semaphore(%arg14 : memref<!tpu.dma_semaphore, #tpu.memory_space<semaphore_mem>>) {add = true}
        %dma_start3A_299 = arith.constant 1 : i32
        %dma_start3A_300 = arith.constant 0 : i32
        %dma_start3A_301 = arith.constant 1 : i32
        %dma_start3A_302 = arith.constant 0 : i32
        %dma_start3A_303 = arith.constant 0 : i32
        %dma_start3A_304 = tpu.memref_slice %arg9[%dma_start3A_299, %dma_start3A_302, %dma_start3A_303] : memref<5x128x16xf32, #tpu.memory_space<vmem>> -> memref<1x128x16xf32, #tpu.memory_space<vmem>>
        %dma_start3A_305 = tpu.memref_squeeze %dma_start3A_304 : memref<1x128x16xf32, #tpu.memory_space<vmem>> -> memref<128x16xf32, #tpu.memory_space<vmem>>
        %dma_start3A_306 = arith.constant 0 : i32
        %dma_start3A_307 = arith.constant 0 : i32
        %dma_start3A_308 = tpu.memref_slice %arg7[%dma_start3A_300, %dma_start3A_306, %dma_start3A_307] : memref<2x5x128xi32, #tpu.memory_space<vmem>> -> memref<1x5x128xi32, #tpu.memory_space<vmem>>
        %dma_start3A_309 = tpu.memref_squeeze %dma_start3A_308 : memref<1x5x128xi32, #tpu.memory_space<vmem>> -> memref<5x128xi32, #tpu.memory_space<vmem>>
        %dma_start3A_310 = arith.constant 0 : i32
        %dma_start3A_311 = tpu.memref_slice %dma_start3A_309[%dma_start3A_301, %dma_start3A_310] : memref<5x128xi32, #tpu.memory_space<vmem>> -> memref<1x128xi32, #tpu.memory_space<vmem>>
        %dma_start3A_312 = tpu.memref_squeeze %dma_start3A_311 : memref<1x128xi32, #tpu.memory_space<vmem>> -> memref<128xi32, #tpu.memory_space<vmem>>
        %dma_start3A_313 = arith.constant 0 : i32
        %dma_start3A_314 = arith.constant 0 : i32
        %dma_start3A_315 = tpu.memref_slice %arg10[%dma_start3A_313, %dma_start3A_314] : memref<102400x16xf32, #tpu.memory_space<vmem_shared>> -> memref<102400x16xf32, #tpu.memory_space<vmem_shared>>
        tpu.enqueue_indirect_dma source(%dma_start3A_305 : memref<128x16xf32, #tpu.memory_space<vmem>>) target(%dma_start3A_315 : memref<102400x16xf32, #tpu.memory_space<vmem_shared>>) offsets(%dma_start3A_312 : memref<128xi32, #tpu.memory_space<vmem>>) semaphore(%arg14 : memref<!tpu.dma_semaphore, #tpu.memory_space<semaphore_mem>>) {add = true}
        %dma_start3A_316 = arith.constant 2 : i32
        %dma_start3A_317 = arith.constant 0 : i32
        %dma_start3A_318 = arith.constant 2 : i32
        %dma_start3A_319 = arith.constant 0 : i32
        %dma_start3A_320 = arith.constant 0 : i32
        %dma_start3A_321 = tpu.memref_slice %arg9[%dma_start3A_316, %dma_start3A_319, %dma_start3A_320] : memref<5x128x16xf32, #tpu.memory_space<vmem>> -> memref<1x128x16xf32, #tpu.memory_space<vmem>>
        %dma_start3A_322 = tpu.memref_squeeze %dma_start3A_321 : memref<1x128x16xf32, #tpu.memory_space<vmem>> -> memref<128x16xf32, #tpu.memory_space<vmem>>
        %dma_start3A_323 = arith.constant 0 : i32
        %dma_start3A_324 = arith.constant 0 : i32
        %dma_start3A_325 = tpu.memref_slice %arg7[%dma_start3A_317, %dma_start3A_323, %dma_start3A_324] : memref<2x5x128xi32, #tpu.memory_space<vmem>> -> memref<1x5x128xi32, #tpu.memory_space<vmem>>
        %dma_start3A_326 = tpu.memref_squeeze %dma_start3A_325 : memref<1x5x128xi32, #tpu.memory_space<vmem>> -> memref<5x128xi32, #tpu.memory_space<vmem>>
        %dma_start3A_327 = arith.constant 0 : i32
        %dma_start3A_328 = tpu.memref_slice %dma_start3A_326[%dma_start3A_318, %dma_start3A_327] : memref<5x128xi32, #tpu.memory_space<vmem>> -> memref<1x128xi32, #tpu.memory_space<vmem>>
        %dma_start3A_329 = tpu.memref_squeeze %dma_start3A_328 : memref<1x128xi32, #tpu.memory_space<vmem>> -> memref<128xi32, #tpu.memory_space<vmem>>
        %dma_start3A_330 = arith.constant 0 : i32
        %dma_start3A_331 = arith.constant 0 : i32
        %dma_start3A_332 = tpu.memref_slice %arg10[%dma_start3A_330, %dma_start3A_331] : memref<102400x16xf32, #tpu.memory_space<vmem_shared>> -> memref<102400x16xf32, #tpu.memory_space<vmem_shared>>
        tpu.enqueue_indirect_dma source(%dma_start3A_322 : memref<128x16xf32, #tpu.memory_space<vmem>>) target(%dma_start3A_332 : memref<102400x16xf32, #tpu.memory_space<vmem_shared>>) offsets(%dma_start3A_329 : memref<128xi32, #tpu.memory_space<vmem>>) semaphore(%arg14 : memref<!tpu.dma_semaphore, #tpu.memory_space<semaphore_mem>>) {add = true}
        %dma_start3A_333 = arith.constant 3 : i32
        %dma_start3A_334 = arith.constant 0 : i32
        %dma_start3A_335 = arith.constant 3 : i32
        %dma_start3A_336 = arith.constant 0 : i32
        %dma_start3A_337 = arith.constant 0 : i32
        %dma_start3A_338 = tpu.memref_slice %arg9[%dma_start3A_333, %dma_start3A_336, %dma_start3A_337] : memref<5x128x16xf32, #tpu.memory_space<vmem>> -> memref<1x128x16xf32, #tpu.memory_space<vmem>>
        %dma_start3A_339 = tpu.memref_squeeze %dma_start3A_338 : memref<1x128x16xf32, #tpu.memory_space<vmem>> -> memref<128x16xf32, #tpu.memory_space<vmem>>
        %dma_start3A_340 = arith.constant 0 : i32
        %dma_start3A_341 = arith.constant 0 : i32
        %dma_start3A_342 = tpu.memref_slice %arg7[%dma_start3A_334, %dma_start3A_340, %dma_start3A_341] : memref<2x5x128xi32, #tpu.memory_space<vmem>> -> memref<1x5x128xi32, #tpu.memory_space<vmem>>
        %dma_start3A_343 = tpu.memref_squeeze %dma_start3A_342 : memref<1x5x128xi32, #tpu.memory_space<vmem>> -> memref<5x128xi32, #tpu.memory_space<vmem>>
        %dma_start3A_344 = arith.constant 0 : i32
        %dma_start3A_345 = tpu.memref_slice %dma_start3A_343[%dma_start3A_335, %dma_start3A_344] : memref<5x128xi32, #tpu.memory_space<vmem>> -> memref<1x128xi32, #tpu.memory_space<vmem>>
        %dma_start3A_346 = tpu.memref_squeeze %dma_start3A_345 : memref<1x128xi32, #tpu.memory_space<vmem>> -> memref<128xi32, #tpu.memory_space<vmem>>
        %dma_start3A_347 = arith.constant 0 : i32
        %dma_start3A_348 = arith.constant 0 : i32
        %dma_start3A_349 = tpu.memref_slice %arg10[%dma_start3A_347, %dma_start3A_348] : memref<102400x16xf32, #tpu.memory_space<vmem_shared>> -> memref<102400x16xf32, #tpu.memory_space<vmem_shared>>
        tpu.enqueue_indirect_dma source(%dma_start3A_339 : memref<128x16xf32, #tpu.memory_space<vmem>>) target(%dma_start3A_349 : memref<102400x16xf32, #tpu.memory_space<vmem_shared>>) offsets(%dma_start3A_346 : memref<128xi32, #tpu.memory_space<vmem>>) semaphore(%arg14 : memref<!tpu.dma_semaphore, #tpu.memory_space<semaphore_mem>>) {add = true}
        %dma_start3A_350 = arith.constant 4 : i32
        %dma_start3A_351 = arith.constant 0 : i32
        %dma_start3A_352 = arith.constant 4 : i32
        %dma_start3A_353 = arith.constant 0 : i32
        %dma_start3A_354 = arith.constant 0 : i32
        %dma_start3A_355 = tpu.memref_slice %arg9[%dma_start3A_350, %dma_start3A_353, %dma_start3A_354] : memref<5x128x16xf32, #tpu.memory_space<vmem>> -> memref<1x128x16xf32, #tpu.memory_space<vmem>>
        %dma_start3A_356 = tpu.memref_squeeze %dma_start3A_355 : memref<1x128x16xf32, #tpu.memory_space<vmem>> -> memref<128x16xf32, #tpu.memory_space<vmem>>
        %dma_start3A_357 = arith.constant 0 : i32
        %dma_start3A_358 = arith.constant 0 : i32
        %dma_start3A_359 = tpu.memref_slice %arg7[%dma_start3A_351, %dma_start3A_357, %dma_start3A_358] : memref<2x5x128xi32, #tpu.memory_space<vmem>> -> memref<1x5x128xi32, #tpu.memory_space<vmem>>
        %dma_start3A_360 = tpu.memref_squeeze %dma_start3A_359 : memref<1x5x128xi32, #tpu.memory_space<vmem>> -> memref<5x128xi32, #tpu.memory_space<vmem>>
        %dma_start3A_361 = arith.constant 0 : i32
        %dma_start3A_362 = tpu.memref_slice %dma_start3A_360[%dma_start3A_352, %dma_start3A_361] : memref<5x128xi32, #tpu.memory_space<vmem>> -> memref<1x128xi32, #tpu.memory_space<vmem>>
        %dma_start3A_363 = tpu.memref_squeeze %dma_start3A_362 : memref<1x128xi32, #tpu.memory_space<vmem>> -> memref<128xi32, #tpu.memory_space<vmem>>
        %dma_start3A_364 = arith.constant 0 : i32
        %dma_start3A_365 = arith.constant 0 : i32
        %dma_start3A_366 = tpu.memref_slice %arg10[%dma_start3A_364, %dma_start3A_365] : memref<102400x16xf32, #tpu.memory_space<vmem_shared>> -> memref<102400x16xf32, #tpu.memory_space<vmem_shared>>
        tpu.enqueue_indirect_dma source(%dma_start3A_356 : memref<128x16xf32, #tpu.memory_space<vmem>>) target(%dma_start3A_366 : memref<102400x16xf32, #tpu.memory_space<vmem_shared>>) offsets(%dma_start3A_363 : memref<128xi32, #tpu.memory_space<vmem>>) semaphore(%arg14 : memref<!tpu.dma_semaphore, #tpu.memory_space<semaphore_mem>>) {add = true}
      } else {
      }
    }
    %while3A_125 = arith.constant 1 : i32
    scf.for %while3A_152 = %while3A_123 to %while3A_119 step %while3A_125  : i32 {
      %mul3A_153 = arith.muli %while3A_152, %while3A : i32
      %add3A_154 = arith.addi %while3A_116, %mul3A_153 : i32
      %jit3A_155 = arith.constant 2 : i32
      %eq3A_156 = arith.constant 0 : i32
      %eq3A_157 = arith.cmpi eq, %jit3A_155, %eq3A_156 : i32
      %jit3A_158 = arith.constant 1 : i32
      %select_n3A_159 = arith.select %eq3A_157, %jit3A_158, %jit3A_155 : i32
      %rem3A_160 = arith.remsi %add3A_154, %select_n3A_159 : i32
      %ne3A_161 = arith.constant 0 : i32
      %ne3A_162 = arith.cmpi ne, %rem3A_160, %ne3A_161 : i32
      %lt3A_163 = arith.constant 0 : i32
      %lt3A_164 = arith.cmpi slt, %rem3A_160, %lt3A_163 : i32
      %lt3A_165 = arith.constant 0 : i32
      %lt3A_166 = arith.cmpi slt, %select_n3A_159, %lt3A_165 : i32
      %ne3A_167 = arith.xori %lt3A_164, %lt3A_166 : i1
      %and3A_168 = arith.andi %ne3A_167, %ne3A_162 : i1
      %add3A_169 = arith.addi %rem3A_160, %select_n3A_159 : i32
      %select_n3A_170 = arith.select %and3A_168, %add3A_169, %rem3A_160 : i32
      %eq3A_171 = arith.constant 0 : i32
      %eq3A_172 = arith.cmpi eq, %select_n3A_170, %eq3A_171 : i32
      %convert_element_type3A_173 = arith.extui %eq3A_172 : i1 to i32
      %cond3A_174 = arith.constant 0 : i32
      %cond3A_175 = arith.cmpi ne, %convert_element_type3A_173, %cond3A_174 : i32
      scf.if %cond3A_175 {
        %ge3A = arith.constant 1 : i32
        %ge3A_181 = arith.cmpi sge, %add3A_154, %ge3A : i32
        %convert_element_type3A_182 = arith.extui %ge3A_181 : i1 to i32
        %cond3A_183 = arith.constant 0 : i32
        %cond3A_184 = arith.cmpi ne, %convert_element_type3A_182, %cond3A_183 : i32
        scf.if %cond3A_184 {
          %dma_wait3A_367 = arith.constant 0 : i32
          %dma_wait3A_368 = arith.constant 0 : i32
          %dma_wait3A_369 = arith.constant 0 : i32
          %dma_wait3A_370 = arith.constant 0 : i32
          %dma_wait3A_371 = arith.constant 0 : i32
          %dma_wait3A_372 = tpu.memref_slice %arg9[%dma_wait3A_367, %dma_wait3A_370, %dma_wait3A_371] : memref<5x128x16xf32, #tpu.memory_space<vmem>> -> memref<1x128x16xf32, #tpu.memory_space<vmem>>
          %dma_wait3A_373 = tpu.memref_squeeze %dma_wait3A_372 : memref<1x128x16xf32, #tpu.memory_space<vmem>> -> memref<128x16xf32, #tpu.memory_space<vmem>>
          %dma_wait3A_374 = arith.constant 0 : i32
          %dma_wait3A_375 = arith.constant 0 : i32
          %dma_wait3A_376 = tpu.memref_slice %arg7[%dma_wait3A_368, %dma_wait3A_374, %dma_wait3A_375] : memref<2x5x128xi32, #tpu.memory_space<vmem>> -> memref<1x5x128xi32, #tpu.memory_space<vmem>>
          %dma_wait3A_377 = tpu.memref_squeeze %dma_wait3A_376 : memref<1x5x128xi32, #tpu.memory_space<vmem>> -> memref<5x128xi32, #tpu.memory_space<vmem>>
          %dma_wait3A_378 = arith.constant 0 : i32
          %dma_wait3A_379 = tpu.memref_slice %dma_wait3A_377[%dma_wait3A_369, %dma_wait3A_378] : memref<5x128xi32, #tpu.memory_space<vmem>> -> memref<1x128xi32, #tpu.memory_space<vmem>>
          %dma_wait3A_380 = tpu.memref_squeeze %dma_wait3A_379 : memref<1x128xi32, #tpu.memory_space<vmem>> -> memref<128xi32, #tpu.memory_space<vmem>>
          %dma_wait3A_381 = arith.constant 0 : i32
          %dma_wait3A_382 = arith.constant 0 : i32
          %dma_wait3A_383 = tpu.memref_slice %arg10[%dma_wait3A_381, %dma_wait3A_382] : memref<102400x16xf32, #tpu.memory_space<vmem_shared>> -> memref<102400x16xf32, #tpu.memory_space<vmem_shared>>
          tpu.wait_indirect_dma semaphore(%arg14 : memref<!tpu.dma_semaphore, #tpu.memory_space<semaphore_mem>>) src(%dma_wait3A_373 : memref<128x16xf32, #tpu.memory_space<vmem>>) dst(%dma_wait3A_383 : memref<102400x16xf32, #tpu.memory_space<vmem_shared>>)
          %dma_wait3A_384 = arith.constant 1 : i32
          %dma_wait3A_385 = arith.constant 0 : i32
          %dma_wait3A_386 = arith.constant 1 : i32
          %dma_wait3A_387 = arith.constant 0 : i32
          %dma_wait3A_388 = arith.constant 0 : i32
          %dma_wait3A_389 = tpu.memref_slice %arg9[%dma_wait3A_384, %dma_wait3A_387, %dma_wait3A_388] : memref<5x128x16xf32, #tpu.memory_space<vmem>> -> memref<1x128x16xf32, #tpu.memory_space<vmem>>
          %dma_wait3A_390 = tpu.memref_squeeze %dma_wait3A_389 : memref<1x128x16xf32, #tpu.memory_space<vmem>> -> memref<128x16xf32, #tpu.memory_space<vmem>>
          %dma_wait3A_391 = arith.constant 0 : i32
          %dma_wait3A_392 = arith.constant 0 : i32
          %dma_wait3A_393 = tpu.memref_slice %arg7[%dma_wait3A_385, %dma_wait3A_391, %dma_wait3A_392] : memref<2x5x128xi32, #tpu.memory_space<vmem>> -> memref<1x5x128xi32, #tpu.memory_space<vmem>>
          %dma_wait3A_394 = tpu.memref_squeeze %dma_wait3A_393 : memref<1x5x128xi32, #tpu.memory_space<vmem>> -> memref<5x128xi32, #tpu.memory_space<vmem>>
          %dma_wait3A_395 = arith.constant 0 : i32
          %dma_wait3A_396 = tpu.memref_slice %dma_wait3A_394[%dma_wait3A_386, %dma_wait3A_395] : memref<5x128xi32, #tpu.memory_space<vmem>> -> memref<1x128xi32, #tpu.memory_space<vmem>>
          %dma_wait3A_397 = tpu.memref_squeeze %dma_wait3A_396 : memref<1x128xi32, #tpu.memory_space<vmem>> -> memref<128xi32, #tpu.memory_space<vmem>>
          %dma_wait3A_398 = arith.constant 0 : i32
          %dma_wait3A_399 = arith.constant 0 : i32
          %dma_wait3A_400 = tpu.memref_slice %arg10[%dma_wait3A_398, %dma_wait3A_399] : memref<102400x16xf32, #tpu.memory_space<vmem_shared>> -> memref<102400x16xf32, #tpu.memory_space<vmem_shared>>
          tpu.wait_indirect_dma semaphore(%arg14 : memref<!tpu.dma_semaphore, #tpu.memory_space<semaphore_mem>>) src(%dma_wait3A_390 : memref<128x16xf32, #tpu.memory_space<vmem>>) dst(%dma_wait3A_400 : memref<102400x16xf32, #tpu.memory_space<vmem_shared>>)
          %dma_wait3A_401 = arith.constant 2 : i32
          %dma_wait3A_402 = arith.constant 0 : i32
          %dma_wait3A_403 = arith.constant 2 : i32
          %dma_wait3A_404 = arith.constant 0 : i32
          %dma_wait3A_405 = arith.constant 0 : i32
          %dma_wait3A_406 = tpu.memref_slice %arg9[%dma_wait3A_401, %dma_wait3A_404, %dma_wait3A_405] : memref<5x128x16xf32, #tpu.memory_space<vmem>> -> memref<1x128x16xf32, #tpu.memory_space<vmem>>
          %dma_wait3A_407 = tpu.memref_squeeze %dma_wait3A_406 : memref<1x128x16xf32, #tpu.memory_space<vmem>> -> memref<128x16xf32, #tpu.memory_space<vmem>>
          %dma_wait3A_408 = arith.constant 0 : i32
          %dma_wait3A_409 = arith.constant 0 : i32
          %dma_wait3A_410 = tpu.memref_slice %arg7[%dma_wait3A_402, %dma_wait3A_408, %dma_wait3A_409] : memref<2x5x128xi32, #tpu.memory_space<vmem>> -> memref<1x5x128xi32, #tpu.memory_space<vmem>>
          %dma_wait3A_411 = tpu.memref_squeeze %dma_wait3A_410 : memref<1x5x128xi32, #tpu.memory_space<vmem>> -> memref<5x128xi32, #tpu.memory_space<vmem>>
          %dma_wait3A_412 = arith.constant 0 : i32
          %dma_wait3A_413 = tpu.memref_slice %dma_wait3A_411[%dma_wait3A_403, %dma_wait3A_412] : memref<5x128xi32, #tpu.memory_space<vmem>> -> memref<1x128xi32, #tpu.memory_space<vmem>>
          %dma_wait3A_414 = tpu.memref_squeeze %dma_wait3A_413 : memref<1x128xi32, #tpu.memory_space<vmem>> -> memref<128xi32, #tpu.memory_space<vmem>>
          %dma_wait3A_415 = arith.constant 0 : i32
          %dma_wait3A_416 = arith.constant 0 : i32
          %dma_wait3A_417 = tpu.memref_slice %arg10[%dma_wait3A_415, %dma_wait3A_416] : memref<102400x16xf32, #tpu.memory_space<vmem_shared>> -> memref<102400x16xf32, #tpu.memory_space<vmem_shared>>
          tpu.wait_indirect_dma semaphore(%arg14 : memref<!tpu.dma_semaphore, #tpu.memory_space<semaphore_mem>>) src(%dma_wait3A_407 : memref<128x16xf32, #tpu.memory_space<vmem>>) dst(%dma_wait3A_417 : memref<102400x16xf32, #tpu.memory_space<vmem_shared>>)
          %dma_wait3A_418 = arith.constant 3 : i32
          %dma_wait3A_419 = arith.constant 0 : i32
          %dma_wait3A_420 = arith.constant 3 : i32
          %dma_wait3A_421 = arith.constant 0 : i32
          %dma_wait3A_422 = arith.constant 0 : i32
          %dma_wait3A_423 = tpu.memref_slice %arg9[%dma_wait3A_418, %dma_wait3A_421, %dma_wait3A_422] : memref<5x128x16xf32, #tpu.memory_space<vmem>> -> memref<1x128x16xf32, #tpu.memory_space<vmem>>
          %dma_wait3A_424 = tpu.memref_squeeze %dma_wait3A_423 : memref<1x128x16xf32, #tpu.memory_space<vmem>> -> memref<128x16xf32, #tpu.memory_space<vmem>>
          %dma_wait3A_425 = arith.constant 0 : i32
          %dma_wait3A_426 = arith.constant 0 : i32
          %dma_wait3A_427 = tpu.memref_slice %arg7[%dma_wait3A_419, %dma_wait3A_425, %dma_wait3A_426] : memref<2x5x128xi32, #tpu.memory_space<vmem>> -> memref<1x5x128xi32, #tpu.memory_space<vmem>>
          %dma_wait3A_428 = tpu.memref_squeeze %dma_wait3A_427 : memref<1x5x128xi32, #tpu.memory_space<vmem>> -> memref<5x128xi32, #tpu.memory_space<vmem>>
          %dma_wait3A_429 = arith.constant 0 : i32
          %dma_wait3A_430 = tpu.memref_slice %dma_wait3A_428[%dma_wait3A_420, %dma_wait3A_429] : memref<5x128xi32, #tpu.memory_space<vmem>> -> memref<1x128xi32, #tpu.memory_space<vmem>>
          %dma_wait3A_431 = tpu.memref_squeeze %dma_wait3A_430 : memref<1x128xi32, #tpu.memory_space<vmem>> -> memref<128xi32, #tpu.memory_space<vmem>>
          %dma_wait3A_432 = arith.constant 0 : i32
          %dma_wait3A_433 = arith.constant 0 : i32
          %dma_wait3A_434 = tpu.memref_slice %arg10[%dma_wait3A_432, %dma_wait3A_433] : memref<102400x16xf32, #tpu.memory_space<vmem_shared>> -> memref<102400x16xf32, #tpu.memory_space<vmem_shared>>
          tpu.wait_indirect_dma semaphore(%arg14 : memref<!tpu.dma_semaphore, #tpu.memory_space<semaphore_mem>>) src(%dma_wait3A_424 : memref<128x16xf32, #tpu.memory_space<vmem>>) dst(%dma_wait3A_434 : memref<102400x16xf32, #tpu.memory_space<vmem_shared>>)
          %dma_wait3A_435 = arith.constant 4 : i32
          %dma_wait3A_436 = arith.constant 0 : i32
          %dma_wait3A_437 = arith.constant 4 : i32
          %dma_wait3A_438 = arith.constant 0 : i32
          %dma_wait3A_439 = arith.constant 0 : i32
          %dma_wait3A_440 = tpu.memref_slice %arg9[%dma_wait3A_435, %dma_wait3A_438, %dma_wait3A_439] : memref<5x128x16xf32, #tpu.memory_space<vmem>> -> memref<1x128x16xf32, #tpu.memory_space<vmem>>
          %dma_wait3A_441 = tpu.memref_squeeze %dma_wait3A_440 : memref<1x128x16xf32, #tpu.memory_space<vmem>> -> memref<128x16xf32, #tpu.memory_space<vmem>>
          %dma_wait3A_442 = arith.constant 0 : i32
          %dma_wait3A_443 = arith.constant 0 : i32
          %dma_wait3A_444 = tpu.memref_slice %arg7[%dma_wait3A_436, %dma_wait3A_442, %dma_wait3A_443] : memref<2x5x128xi32, #tpu.memory_space<vmem>> -> memref<1x5x128xi32, #tpu.memory_space<vmem>>
          %dma_wait3A_445 = tpu.memref_squeeze %dma_wait3A_444 : memref<1x5x128xi32, #tpu.memory_space<vmem>> -> memref<5x128xi32, #tpu.memory_space<vmem>>
          %dma_wait3A_446 = arith.constant 0 : i32
          %dma_wait3A_447 = tpu.memref_slice %dma_wait3A_445[%dma_wait3A_437, %dma_wait3A_446] : memref<5x128xi32, #tpu.memory_space<vmem>> -> memref<1x128xi32, #tpu.memory_space<vmem>>
          %dma_wait3A_448 = tpu.memref_squeeze %dma_wait3A_447 : memref<1x128xi32, #tpu.memory_space<vmem>> -> memref<128xi32, #tpu.memory_space<vmem>>
          %dma_wait3A_449 = arith.constant 0 : i32
          %dma_wait3A_450 = arith.constant 0 : i32
          %dma_wait3A_451 = tpu.memref_slice %arg10[%dma_wait3A_449, %dma_wait3A_450] : memref<102400x16xf32, #tpu.memory_space<vmem_shared>> -> memref<102400x16xf32, #tpu.memory_space<vmem_shared>>
          tpu.wait_indirect_dma semaphore(%arg14 : memref<!tpu.dma_semaphore, #tpu.memory_space<semaphore_mem>>) src(%dma_wait3A_441 : memref<128x16xf32, #tpu.memory_space<vmem>>) dst(%dma_wait3A_451 : memref<102400x16xf32, #tpu.memory_space<vmem_shared>>)
        } else {
        }
        %add3A_185 = arith.constant 1 : i32
        %add3A_186 = arith.addi %add3A_154, %add3A_185 : i32
        %lt3A_187 = arith.cmpi slt, %add3A_186, %select_n3A : i32
        %convert_element_type3A_188 = arith.extui %lt3A_187 : i1 to i32
        %cond3A_189 = arith.constant 0 : i32
        %cond3A_190 = arith.cmpi ne, %convert_element_type3A_188, %cond3A_189 : i32
        scf.if %cond3A_190 {
          %add3A_367 = arith.constant 1 : i32
          %add3A_368 = arith.addi %add3A_154, %add3A_367 : i32
          %add3A_369 = arith.addi %mul3A_4, %add3A_368 : i32
          %mul3A_370 = arith.constant 5 : i32
          %mul3A_371 = arith.muli %add3A_369, %mul3A_370 : i32
          %dma_start3A_372 = arith.constant 0 : i32
          %dma_start3A_373 = arith.constant 0 : i32
          %dma_start3A_374 = tpu.memref_slice %arg3[%dma_start3A_372, %mul3A_371, %dma_start3A_373] : memref<2x50000x128xi32, #tpu.memory_space<hbm>> -> memref<2x5x128xi32, #tpu.memory_space<hbm>>
          %dma_start3A_375 = arith.constant 0 : i32
          %dma_start3A_376 = arith.constant 0 : i32
          %dma_start3A_377 = tpu.memref_slice %arg3[%dma_start3A_375, %mul3A_371, %dma_start3A_376] : memref<2x50000x128xi32, #tpu.memory_space<hbm>> -> memref<2x5x128xi32, #tpu.memory_space<hbm>>
          tpu.enqueue_dma source(%dma_start3A_377 : memref<2x5x128xi32, #tpu.memory_space<hbm>>) target(%arg7 : memref<2x5x128xi32, #tpu.memory_space<vmem>>) target_semaphore(%arg16 : memref<!tpu.dma_semaphore, #tpu.memory_space<semaphore_mem>>)
        } else {
        }
        %dma_wait3A_191 = arith.constant 1 : i32
        %dma_wait3A_192 = arith.constant 0 : i32
        %dma_wait3A_193 = arith.constant 0 : i32
        %dma_wait3A_194 = arith.constant 0 : i32
        %dma_wait3A_195 = arith.constant 0 : i32
        %dma_wait3A_196 = tpu.memref_slice %arg8[%dma_wait3A_193, %dma_wait3A_194, %dma_wait3A_195] : memref<5x128x16xf32, #tpu.memory_space<vmem>> -> memref<1x128x16xf32, #tpu.memory_space<vmem>>
        %dma_wait3A_197 = tpu.memref_squeeze %dma_wait3A_196 : memref<1x128x16xf32, #tpu.memory_space<vmem>> -> memref<128x16xf32, #tpu.memory_space<vmem>>
        %dma_wait3A_198 = arith.constant 0 : i32
        %dma_wait3A_199 = arith.constant 0 : i32
        %dma_wait3A_200 = tpu.memref_slice %arg6[%dma_wait3A_191, %dma_wait3A_198, %dma_wait3A_199] : memref<2x5x128xi32, #tpu.memory_space<vmem>> -> memref<1x5x128xi32, #tpu.memory_space<vmem>>
        %dma_wait3A_201 = tpu.memref_squeeze %dma_wait3A_200 : memref<1x5x128xi32, #tpu.memory_space<vmem>> -> memref<5x128xi32, #tpu.memory_space<vmem>>
        %dma_wait3A_202 = arith.constant 0 : i32
        %dma_wait3A_203 = tpu.memref_slice %dma_wait3A_201[%dma_wait3A_192, %dma_wait3A_202] : memref<5x128xi32, #tpu.memory_space<vmem>> -> memref<1x128xi32, #tpu.memory_space<vmem>>
        %dma_wait3A_204 = tpu.memref_squeeze %dma_wait3A_203 : memref<1x128xi32, #tpu.memory_space<vmem>> -> memref<128xi32, #tpu.memory_space<vmem>>
        %dma_wait3A_205 = arith.constant 0 : i32
        %dma_wait3A_206 = arith.constant 0 : i32
        %dma_wait3A_207 = tpu.memref_slice %arg2[%dma_wait3A_205, %dma_wait3A_206] : memref<102400x16xf32, #tpu.memory_space<hbm>> -> memref<102400x16xf32, #tpu.memory_space<hbm>>
        tpu.wait_indirect_dma semaphore(%arg11 : memref<!tpu.dma_semaphore, #tpu.memory_space<semaphore_mem>>) src(%dma_wait3A_207 : memref<102400x16xf32, #tpu.memory_space<hbm>>) dst(%dma_wait3A_197 : memref<128x16xf32, #tpu.memory_space<vmem>>)
        %dma_wait3A_208 = arith.constant 1 : i32
        %dma_wait3A_209 = arith.constant 1 : i32
        %dma_wait3A_210 = arith.constant 1 : i32
        %dma_wait3A_211 = arith.constant 0 : i32
        %dma_wait3A_212 = arith.constant 0 : i32
        %dma_wait3A_213 = tpu.memref_slice %arg8[%dma_wait3A_210, %dma_wait3A_211, %dma_wait3A_212] : memref<5x128x16xf32, #tpu.memory_space<vmem>> -> memref<1x128x16xf32, #tpu.memory_space<vmem>>
        %dma_wait3A_214 = tpu.memref_squeeze %dma_wait3A_213 : memref<1x128x16xf32, #tpu.memory_space<vmem>> -> memref<128x16xf32, #tpu.memory_space<vmem>>
        %dma_wait3A_215 = arith.constant 0 : i32
        %dma_wait3A_216 = arith.constant 0 : i32
        %dma_wait3A_217 = tpu.memref_slice %arg6[%dma_wait3A_208, %dma_wait3A_215, %dma_wait3A_216] : memref<2x5x128xi32, #tpu.memory_space<vmem>> -> memref<1x5x128xi32, #tpu.memory_space<vmem>>
        %dma_wait3A_218 = tpu.memref_squeeze %dma_wait3A_217 : memref<1x5x128xi32, #tpu.memory_space<vmem>> -> memref<5x128xi32, #tpu.memory_space<vmem>>
        %dma_wait3A_219 = arith.constant 0 : i32
        %dma_wait3A_220 = tpu.memref_slice %dma_wait3A_218[%dma_wait3A_209, %dma_wait3A_219] : memref<5x128xi32, #tpu.memory_space<vmem>> -> memref<1x128xi32, #tpu.memory_space<vmem>>
        %dma_wait3A_221 = tpu.memref_squeeze %dma_wait3A_220 : memref<1x128xi32, #tpu.memory_space<vmem>> -> memref<128xi32, #tpu.memory_space<vmem>>
        %dma_wait3A_222 = arith.constant 0 : i32
        %dma_wait3A_223 = arith.constant 0 : i32
        %dma_wait3A_224 = tpu.memref_slice %arg2[%dma_wait3A_222, %dma_wait3A_223] : memref<102400x16xf32, #tpu.memory_space<hbm>> -> memref<102400x16xf32, #tpu.memory_space<hbm>>
        tpu.wait_indirect_dma semaphore(%arg11 : memref<!tpu.dma_semaphore, #tpu.memory_space<semaphore_mem>>) src(%dma_wait3A_224 : memref<102400x16xf32, #tpu.memory_space<hbm>>) dst(%dma_wait3A_214 : memref<128x16xf32, #tpu.memory_space<vmem>>)
        %dma_wait3A_225 = arith.constant 1 : i32
        %dma_wait3A_226 = arith.constant 2 : i32
        %dma_wait3A_227 = arith.constant 2 : i32
        %dma_wait3A_228 = arith.constant 0 : i32
        %dma_wait3A_229 = arith.constant 0 : i32
        %dma_wait3A_230 = tpu.memref_slice %arg8[%dma_wait3A_227, %dma_wait3A_228, %dma_wait3A_229] : memref<5x128x16xf32, #tpu.memory_space<vmem>> -> memref<1x128x16xf32, #tpu.memory_space<vmem>>
        %dma_wait3A_231 = tpu.memref_squeeze %dma_wait3A_230 : memref<1x128x16xf32, #tpu.memory_space<vmem>> -> memref<128x16xf32, #tpu.memory_space<vmem>>
        %dma_wait3A_232 = arith.constant 0 : i32
        %dma_wait3A_233 = arith.constant 0 : i32
        %dma_wait3A_234 = tpu.memref_slice %arg6[%dma_wait3A_225, %dma_wait3A_232, %dma_wait3A_233] : memref<2x5x128xi32, #tpu.memory_space<vmem>> -> memref<1x5x128xi32, #tpu.memory_space<vmem>>
        %dma_wait3A_235 = tpu.memref_squeeze %dma_wait3A_234 : memref<1x5x128xi32, #tpu.memory_space<vmem>> -> memref<5x128xi32, #tpu.memory_space<vmem>>
        %dma_wait3A_236 = arith.constant 0 : i32
        %dma_wait3A_237 = tpu.memref_slice %dma_wait3A_235[%dma_wait3A_226, %dma_wait3A_236] : memref<5x128xi32, #tpu.memory_space<vmem>> -> memref<1x128xi32, #tpu.memory_space<vmem>>
        %dma_wait3A_238 = tpu.memref_squeeze %dma_wait3A_237 : memref<1x128xi32, #tpu.memory_space<vmem>> -> memref<128xi32, #tpu.memory_space<vmem>>
        %dma_wait3A_239 = arith.constant 0 : i32
        %dma_wait3A_240 = arith.constant 0 : i32
        %dma_wait3A_241 = tpu.memref_slice %arg2[%dma_wait3A_239, %dma_wait3A_240] : memref<102400x16xf32, #tpu.memory_space<hbm>> -> memref<102400x16xf32, #tpu.memory_space<hbm>>
        tpu.wait_indirect_dma semaphore(%arg11 : memref<!tpu.dma_semaphore, #tpu.memory_space<semaphore_mem>>) src(%dma_wait3A_241 : memref<102400x16xf32, #tpu.memory_space<hbm>>) dst(%dma_wait3A_231 : memref<128x16xf32, #tpu.memory_space<vmem>>)
        %dma_wait3A_242 = arith.constant 1 : i32
        %dma_wait3A_243 = arith.constant 3 : i32
        %dma_wait3A_244 = arith.constant 3 : i32
        %dma_wait3A_245 = arith.constant 0 : i32
        %dma_wait3A_246 = arith.constant 0 : i32
        %dma_wait3A_247 = tpu.memref_slice %arg8[%dma_wait3A_244, %dma_wait3A_245, %dma_wait3A_246] : memref<5x128x16xf32, #tpu.memory_space<vmem>> -> memref<1x128x16xf32, #tpu.memory_space<vmem>>
        %dma_wait3A_248 = tpu.memref_squeeze %dma_wait3A_247 : memref<1x128x16xf32, #tpu.memory_space<vmem>> -> memref<128x16xf32, #tpu.memory_space<vmem>>
        %dma_wait3A_249 = arith.constant 0 : i32
        %dma_wait3A_250 = arith.constant 0 : i32
        %dma_wait3A_251 = tpu.memref_slice %arg6[%dma_wait3A_242, %dma_wait3A_249, %dma_wait3A_250] : memref<2x5x128xi32, #tpu.memory_space<vmem>> -> memref<1x5x128xi32, #tpu.memory_space<vmem>>
        %dma_wait3A_252 = tpu.memref_squeeze %dma_wait3A_251 : memref<1x5x128xi32, #tpu.memory_space<vmem>> -> memref<5x128xi32, #tpu.memory_space<vmem>>
        %dma_wait3A_253 = arith.constant 0 : i32
        %dma_wait3A_254 = tpu.memref_slice %dma_wait3A_252[%dma_wait3A_243, %dma_wait3A_253] : memref<5x128xi32, #tpu.memory_space<vmem>> -> memref<1x128xi32, #tpu.memory_space<vmem>>
        %dma_wait3A_255 = tpu.memref_squeeze %dma_wait3A_254 : memref<1x128xi32, #tpu.memory_space<vmem>> -> memref<128xi32, #tpu.memory_space<vmem>>
        %dma_wait3A_256 = arith.constant 0 : i32
        %dma_wait3A_257 = arith.constant 0 : i32
        %dma_wait3A_258 = tpu.memref_slice %arg2[%dma_wait3A_256, %dma_wait3A_257] : memref<102400x16xf32, #tpu.memory_space<hbm>> -> memref<102400x16xf32, #tpu.memory_space<hbm>>
        tpu.wait_indirect_dma semaphore(%arg11 : memref<!tpu.dma_semaphore, #tpu.memory_space<semaphore_mem>>) src(%dma_wait3A_258 : memref<102400x16xf32, #tpu.memory_space<hbm>>) dst(%dma_wait3A_248 : memref<128x16xf32, #tpu.memory_space<vmem>>)
        %dma_wait3A_259 = arith.constant 1 : i32
        %dma_wait3A_260 = arith.constant 4 : i32
        %dma_wait3A_261 = arith.constant 4 : i32
        %dma_wait3A_262 = arith.constant 0 : i32
        %dma_wait3A_263 = arith.constant 0 : i32
        %dma_wait3A_264 = tpu.memref_slice %arg8[%dma_wait3A_261, %dma_wait3A_262, %dma_wait3A_263] : memref<5x128x16xf32, #tpu.memory_space<vmem>> -> memref<1x128x16xf32, #tpu.memory_space<vmem>>
        %dma_wait3A_265 = tpu.memref_squeeze %dma_wait3A_264 : memref<1x128x16xf32, #tpu.memory_space<vmem>> -> memref<128x16xf32, #tpu.memory_space<vmem>>
        %dma_wait3A_266 = arith.constant 0 : i32
        %dma_wait3A_267 = arith.constant 0 : i32
        %dma_wait3A_268 = tpu.memref_slice %arg6[%dma_wait3A_259, %dma_wait3A_266, %dma_wait3A_267] : memref<2x5x128xi32, #tpu.memory_space<vmem>> -> memref<1x5x128xi32, #tpu.memory_space<vmem>>
        %dma_wait3A_269 = tpu.memref_squeeze %dma_wait3A_268 : memref<1x5x128xi32, #tpu.memory_space<vmem>> -> memref<5x128xi32, #tpu.memory_space<vmem>>
        %dma_wait3A_270 = arith.constant 0 : i32
        %dma_wait3A_271 = tpu.memref_slice %dma_wait3A_269[%dma_wait3A_260, %dma_wait3A_270] : memref<5x128xi32, #tpu.memory_space<vmem>> -> memref<1x128xi32, #tpu.memory_space<vmem>>
        %dma_wait3A_272 = tpu.memref_squeeze %dma_wait3A_271 : memref<1x128xi32, #tpu.memory_space<vmem>> -> memref<128xi32, #tpu.memory_space<vmem>>
        %dma_wait3A_273 = arith.constant 0 : i32
        %dma_wait3A_274 = arith.constant 0 : i32
        %dma_wait3A_275 = tpu.memref_slice %arg2[%dma_wait3A_273, %dma_wait3A_274] : memref<102400x16xf32, #tpu.memory_space<hbm>> -> memref<102400x16xf32, #tpu.memory_space<hbm>>
        tpu.wait_indirect_dma semaphore(%arg11 : memref<!tpu.dma_semaphore, #tpu.memory_space<semaphore_mem>>) src(%dma_wait3A_275 : memref<102400x16xf32, #tpu.memory_space<hbm>>) dst(%dma_wait3A_265 : memref<128x16xf32, #tpu.memory_space<vmem>>)
        %add3A_276 = arith.constant 1 : i32
        %add3A_277 = arith.addi %add3A_154, %add3A_276 : i32
        %lt3A_278 = arith.cmpi slt, %add3A_277, %select_n3A : i32
        %convert_element_type3A_279 = arith.extui %lt3A_278 : i1 to i32
        %cond3A_280 = arith.constant 0 : i32
        %cond3A_281 = arith.cmpi ne, %convert_element_type3A_279, %cond3A_280 : i32
        scf.if %cond3A_281 {
          %add3A_367 = arith.constant 1 : i32
          %add3A_368 = arith.addi %add3A_154, %add3A_367 : i32
          %add3A_369 = arith.addi %mul3A_4, %add3A_368 : i32
          %mul3A_370 = arith.constant 5 : i32
          %mul3A_371 = arith.muli %add3A_369, %mul3A_370 : i32
          %dma_wait3A_372 = arith.constant 0 : i32
          %dma_wait3A_373 = arith.constant 0 : i32
          %dma_wait3A_374 = tpu.memref_slice %arg3[%dma_wait3A_372, %mul3A_371, %dma_wait3A_373] : memref<2x50000x128xi32, #tpu.memory_space<hbm>> -> memref<2x5x128xi32, #tpu.memory_space<hbm>>
          %dma_wait3A_375 = arith.constant 0 : i32
          %dma_wait3A_376 = arith.constant 0 : i32
          %dma_wait3A_377 = tpu.memref_slice %arg3[%dma_wait3A_375, %mul3A_371, %dma_wait3A_376] : memref<2x50000x128xi32, #tpu.memory_space<hbm>> -> memref<2x5x128xi32, #tpu.memory_space<hbm>>
          tpu.wait_dma2 semaphore(%arg16 : memref<!tpu.dma_semaphore, #tpu.memory_space<semaphore_mem>>) src(%dma_wait3A_377 : memref<2x5x128xi32, #tpu.memory_space<hbm>>) dst(%arg7 : memref<2x5x128xi32, #tpu.memory_space<vmem>>)
          %dma_start3A_378 = arith.constant 1 : i32
          %dma_start3A_379 = arith.constant 0 : i32
          %dma_start3A_380 = arith.constant 0 : i32
          %dma_start3A_381 = arith.constant 0 : i32
          %dma_start3A_382 = arith.constant 0 : i32
          %dma_start3A_383 = tpu.memref_slice %arg9[%dma_start3A_380, %dma_start3A_381, %dma_start3A_382] : memref<5x128x16xf32, #tpu.memory_space<vmem>> -> memref<1x128x16xf32, #tpu.memory_space<vmem>>
          %dma_start3A_384 = tpu.memref_squeeze %dma_start3A_383 : memref<1x128x16xf32, #tpu.memory_space<vmem>> -> memref<128x16xf32, #tpu.memory_space<vmem>>
          %dma_start3A_385 = arith.constant 0 : i32
          %dma_start3A_386 = arith.constant 0 : i32
          %dma_start3A_387 = tpu.memref_slice %arg7[%dma_start3A_378, %dma_start3A_385, %dma_start3A_386] : memref<2x5x128xi32, #tpu.memory_space<vmem>> -> memref<1x5x128xi32, #tpu.memory_space<vmem>>
          %dma_start3A_388 = tpu.memref_squeeze %dma_start3A_387 : memref<1x5x128xi32, #tpu.memory_space<vmem>> -> memref<5x128xi32, #tpu.memory_space<vmem>>
          %dma_start3A_389 = arith.constant 0 : i32
          %dma_start3A_390 = tpu.memref_slice %dma_start3A_388[%dma_start3A_379, %dma_start3A_389] : memref<5x128xi32, #tpu.memory_space<vmem>> -> memref<1x128xi32, #tpu.memory_space<vmem>>
          %dma_start3A_391 = tpu.memref_squeeze %dma_start3A_390 : memref<1x128xi32, #tpu.memory_space<vmem>> -> memref<128xi32, #tpu.memory_space<vmem>>
          %dma_start3A_392 = arith.constant 0 : i32
          %dma_start3A_393 = arith.constant 0 : i32
          %dma_start3A_394 = tpu.memref_slice %arg2[%dma_start3A_392, %dma_start3A_393] : memref<102400x16xf32, #tpu.memory_space<hbm>> -> memref<102400x16xf32, #tpu.memory_space<hbm>>
          tpu.enqueue_indirect_dma source(%dma_start3A_394 : memref<102400x16xf32, #tpu.memory_space<hbm>>) target(%dma_start3A_384 : memref<128x16xf32, #tpu.memory_space<vmem>>) offsets(%dma_start3A_391 : memref<128xi32, #tpu.memory_space<vmem>>) semaphore(%arg12 : memref<!tpu.dma_semaphore, #tpu.memory_space<semaphore_mem>>)
          %dma_start3A_395 = arith.constant 1 : i32
          %dma_start3A_396 = arith.constant 1 : i32
          %dma_start3A_397 = arith.constant 1 : i32
          %dma_start3A_398 = arith.constant 0 : i32
          %dma_start3A_399 = arith.constant 0 : i32
          %dma_start3A_400 = tpu.memref_slice %arg9[%dma_start3A_397, %dma_start3A_398, %dma_start3A_399] : memref<5x128x16xf32, #tpu.memory_space<vmem>> -> memref<1x128x16xf32, #tpu.memory_space<vmem>>
          %dma_start3A_401 = tpu.memref_squeeze %dma_start3A_400 : memref<1x128x16xf32, #tpu.memory_space<vmem>> -> memref<128x16xf32, #tpu.memory_space<vmem>>
          %dma_start3A_402 = arith.constant 0 : i32
          %dma_start3A_403 = arith.constant 0 : i32
          %dma_start3A_404 = tpu.memref_slice %arg7[%dma_start3A_395, %dma_start3A_402, %dma_start3A_403] : memref<2x5x128xi32, #tpu.memory_space<vmem>> -> memref<1x5x128xi32, #tpu.memory_space<vmem>>
          %dma_start3A_405 = tpu.memref_squeeze %dma_start3A_404 : memref<1x5x128xi32, #tpu.memory_space<vmem>> -> memref<5x128xi32, #tpu.memory_space<vmem>>
          %dma_start3A_406 = arith.constant 0 : i32
          %dma_start3A_407 = tpu.memref_slice %dma_start3A_405[%dma_start3A_396, %dma_start3A_406] : memref<5x128xi32, #tpu.memory_space<vmem>> -> memref<1x128xi32, #tpu.memory_space<vmem>>
          %dma_start3A_408 = tpu.memref_squeeze %dma_start3A_407 : memref<1x128xi32, #tpu.memory_space<vmem>> -> memref<128xi32, #tpu.memory_space<vmem>>
          %dma_start3A_409 = arith.constant 0 : i32
          %dma_start3A_410 = arith.constant 0 : i32
          %dma_start3A_411 = tpu.memref_slice %arg2[%dma_start3A_409, %dma_start3A_410] : memref<102400x16xf32, #tpu.memory_space<hbm>> -> memref<102400x16xf32, #tpu.memory_space<hbm>>
          tpu.enqueue_indirect_dma source(%dma_start3A_411 : memref<102400x16xf32, #tpu.memory_space<hbm>>) target(%dma_start3A_401 : memref<128x16xf32, #tpu.memory_space<vmem>>) offsets(%dma_start3A_408 : memref<128xi32, #tpu.memory_space<vmem>>) semaphore(%arg12 : memref<!tpu.dma_semaphore, #tpu.memory_space<semaphore_mem>>)
          %dma_start3A_412 = arith.constant 1 : i32
          %dma_start3A_413 = arith.constant 2 : i32
          %dma_start3A_414 = arith.constant 2 : i32
          %dma_start3A_415 = arith.constant 0 : i32
          %dma_start3A_416 = arith.constant 0 : i32
          %dma_start3A_417 = tpu.memref_slice %arg9[%dma_start3A_414, %dma_start3A_415, %dma_start3A_416] : memref<5x128x16xf32, #tpu.memory_space<vmem>> -> memref<1x128x16xf32, #tpu.memory_space<vmem>>
          %dma_start3A_418 = tpu.memref_squeeze %dma_start3A_417 : memref<1x128x16xf32, #tpu.memory_space<vmem>> -> memref<128x16xf32, #tpu.memory_space<vmem>>
          %dma_start3A_419 = arith.constant 0 : i32
          %dma_start3A_420 = arith.constant 0 : i32
          %dma_start3A_421 = tpu.memref_slice %arg7[%dma_start3A_412, %dma_start3A_419, %dma_start3A_420] : memref<2x5x128xi32, #tpu.memory_space<vmem>> -> memref<1x5x128xi32, #tpu.memory_space<vmem>>
          %dma_start3A_422 = tpu.memref_squeeze %dma_start3A_421 : memref<1x5x128xi32, #tpu.memory_space<vmem>> -> memref<5x128xi32, #tpu.memory_space<vmem>>
          %dma_start3A_423 = arith.constant 0 : i32
          %dma_start3A_424 = tpu.memref_slice %dma_start3A_422[%dma_start3A_413, %dma_start3A_423] : memref<5x128xi32, #tpu.memory_space<vmem>> -> memref<1x128xi32, #tpu.memory_space<vmem>>
          %dma_start3A_425 = tpu.memref_squeeze %dma_start3A_424 : memref<1x128xi32, #tpu.memory_space<vmem>> -> memref<128xi32, #tpu.memory_space<vmem>>
          %dma_start3A_426 = arith.constant 0 : i32
          %dma_start3A_427 = arith.constant 0 : i32
          %dma_start3A_428 = tpu.memref_slice %arg2[%dma_start3A_426, %dma_start3A_427] : memref<102400x16xf32, #tpu.memory_space<hbm>> -> memref<102400x16xf32, #tpu.memory_space<hbm>>
          tpu.enqueue_indirect_dma source(%dma_start3A_428 : memref<102400x16xf32, #tpu.memory_space<hbm>>) target(%dma_start3A_418 : memref<128x16xf32, #tpu.memory_space<vmem>>) offsets(%dma_start3A_425 : memref<128xi32, #tpu.memory_space<vmem>>) semaphore(%arg12 : memref<!tpu.dma_semaphore, #tpu.memory_space<semaphore_mem>>)
          %dma_start3A_429 = arith.constant 1 : i32
          %dma_start3A_430 = arith.constant 3 : i32
          %dma_start3A_431 = arith.constant 3 : i32
          %dma_start3A_432 = arith.constant 0 : i32
          %dma_start3A_433 = arith.constant 0 : i32
          %dma_start3A_434 = tpu.memref_slice %arg9[%dma_start3A_431, %dma_start3A_432, %dma_start3A_433] : memref<5x128x16xf32, #tpu.memory_space<vmem>> -> memref<1x128x16xf32, #tpu.memory_space<vmem>>
          %dma_start3A_435 = tpu.memref_squeeze %dma_start3A_434 : memref<1x128x16xf32, #tpu.memory_space<vmem>> -> memref<128x16xf32, #tpu.memory_space<vmem>>
          %dma_start3A_436 = arith.constant 0 : i32
          %dma_start3A_437 = arith.constant 0 : i32
          %dma_start3A_438 = tpu.memref_slice %arg7[%dma_start3A_429, %dma_start3A_436, %dma_start3A_437] : memref<2x5x128xi32, #tpu.memory_space<vmem>> -> memref<1x5x128xi32, #tpu.memory_space<vmem>>
          %dma_start3A_439 = tpu.memref_squeeze %dma_start3A_438 : memref<1x5x128xi32, #tpu.memory_space<vmem>> -> memref<5x128xi32, #tpu.memory_space<vmem>>
          %dma_start3A_440 = arith.constant 0 : i32
          %dma_start3A_441 = tpu.memref_slice %dma_start3A_439[%dma_start3A_430, %dma_start3A_440] : memref<5x128xi32, #tpu.memory_space<vmem>> -> memref<1x128xi32, #tpu.memory_space<vmem>>
          %dma_start3A_442 = tpu.memref_squeeze %dma_start3A_441 : memref<1x128xi32, #tpu.memory_space<vmem>> -> memref<128xi32, #tpu.memory_space<vmem>>
          %dma_start3A_443 = arith.constant 0 : i32
          %dma_start3A_444 = arith.constant 0 : i32
          %dma_start3A_445 = tpu.memref_slice %arg2[%dma_start3A_443, %dma_start3A_444] : memref<102400x16xf32, #tpu.memory_space<hbm>> -> memref<102400x16xf32, #tpu.memory_space<hbm>>
          tpu.enqueue_indirect_dma source(%dma_start3A_445 : memref<102400x16xf32, #tpu.memory_space<hbm>>) target(%dma_start3A_435 : memref<128x16xf32, #tpu.memory_space<vmem>>) offsets(%dma_start3A_442 : memref<128xi32, #tpu.memory_space<vmem>>) semaphore(%arg12 : memref<!tpu.dma_semaphore, #tpu.memory_space<semaphore_mem>>)
          %dma_start3A_446 = arith.constant 1 : i32
          %dma_start3A_447 = arith.constant 4 : i32
          %dma_start3A_448 = arith.constant 4 : i32
          %dma_start3A_449 = arith.constant 0 : i32
          %dma_start3A_450 = arith.constant 0 : i32
          %dma_start3A_451 = tpu.memref_slice %arg9[%dma_start3A_448, %dma_start3A_449, %dma_start3A_450] : memref<5x128x16xf32, #tpu.memory_space<vmem>> -> memref<1x128x16xf32, #tpu.memory_space<vmem>>
          %dma_start3A_452 = tpu.memref_squeeze %dma_start3A_451 : memref<1x128x16xf32, #tpu.memory_space<vmem>> -> memref<128x16xf32, #tpu.memory_space<vmem>>
          %dma_start3A_453 = arith.constant 0 : i32
          %dma_start3A_454 = arith.constant 0 : i32
          %dma_start3A_455 = tpu.memref_slice %arg7[%dma_start3A_446, %dma_start3A_453, %dma_start3A_454] : memref<2x5x128xi32, #tpu.memory_space<vmem>> -> memref<1x5x128xi32, #tpu.memory_space<vmem>>
          %dma_start3A_456 = tpu.memref_squeeze %dma_start3A_455 : memref<1x5x128xi32, #tpu.memory_space<vmem>> -> memref<5x128xi32, #tpu.memory_space<vmem>>
          %dma_start3A_457 = arith.constant 0 : i32
          %dma_start3A_458 = tpu.memref_slice %dma_start3A_456[%dma_start3A_447, %dma_start3A_457] : memref<5x128xi32, #tpu.memory_space<vmem>> -> memref<1x128xi32, #tpu.memory_space<vmem>>
          %dma_start3A_459 = tpu.memref_squeeze %dma_start3A_458 : memref<1x128xi32, #tpu.memory_space<vmem>> -> memref<128xi32, #tpu.memory_space<vmem>>
          %dma_start3A_460 = arith.constant 0 : i32
          %dma_start3A_461 = arith.constant 0 : i32
          %dma_start3A_462 = tpu.memref_slice %arg2[%dma_start3A_460, %dma_start3A_461] : memref<102400x16xf32, #tpu.memory_space<hbm>> -> memref<102400x16xf32, #tpu.memory_space<hbm>>
          tpu.enqueue_indirect_dma source(%dma_start3A_462 : memref<102400x16xf32, #tpu.memory_space<hbm>>) target(%dma_start3A_452 : memref<128x16xf32, #tpu.memory_space<vmem>>) offsets(%dma_start3A_459 : memref<128xi32, #tpu.memory_space<vmem>>) semaphore(%arg12 : memref<!tpu.dma_semaphore, #tpu.memory_space<semaphore_mem>>)
        } else {
        }
        %dma_start3A_282 = arith.constant 0 : i32
        %dma_start3A_283 = arith.constant 0 : i32
        %dma_start3A_284 = arith.constant 0 : i32
        %dma_start3A_285 = arith.constant 0 : i32
        %dma_start3A_286 = arith.constant 0 : i32
        %dma_start3A_287 = tpu.memref_slice %arg8[%dma_start3A_282, %dma_start3A_285, %dma_start3A_286] : memref<5x128x16xf32, #tpu.memory_space<vmem>> -> memref<1x128x16xf32, #tpu.memory_space<vmem>>
        %dma_start3A_288 = tpu.memref_squeeze %dma_start3A_287 : memref<1x128x16xf32, #tpu.memory_space<vmem>> -> memref<128x16xf32, #tpu.memory_space<vmem>>
        %dma_start3A_289 = arith.constant 0 : i32
        %dma_start3A_290 = arith.constant 0 : i32
        %dma_start3A_291 = tpu.memref_slice %arg6[%dma_start3A_283, %dma_start3A_289, %dma_start3A_290] : memref<2x5x128xi32, #tpu.memory_space<vmem>> -> memref<1x5x128xi32, #tpu.memory_space<vmem>>
        %dma_start3A_292 = tpu.memref_squeeze %dma_start3A_291 : memref<1x5x128xi32, #tpu.memory_space<vmem>> -> memref<5x128xi32, #tpu.memory_space<vmem>>
        %dma_start3A_293 = arith.constant 0 : i32
        %dma_start3A_294 = tpu.memref_slice %dma_start3A_292[%dma_start3A_284, %dma_start3A_293] : memref<5x128xi32, #tpu.memory_space<vmem>> -> memref<1x128xi32, #tpu.memory_space<vmem>>
        %dma_start3A_295 = tpu.memref_squeeze %dma_start3A_294 : memref<1x128xi32, #tpu.memory_space<vmem>> -> memref<128xi32, #tpu.memory_space<vmem>>
        %dma_start3A_296 = arith.constant 0 : i32
        %dma_start3A_297 = arith.constant 0 : i32
        %dma_start3A_298 = tpu.memref_slice %arg10[%dma_start3A_296, %dma_start3A_297] : memref<102400x16xf32, #tpu.memory_space<vmem_shared>> -> memref<102400x16xf32, #tpu.memory_space<vmem_shared>>
        tpu.enqueue_indirect_dma source(%dma_start3A_288 : memref<128x16xf32, #tpu.memory_space<vmem>>) target(%dma_start3A_298 : memref<102400x16xf32, #tpu.memory_space<vmem_shared>>) offsets(%dma_start3A_295 : memref<128xi32, #tpu.memory_space<vmem>>) semaphore(%arg13 : memref<!tpu.dma_semaphore, #tpu.memory_space<semaphore_mem>>) {add = true}
        %dma_start3A_299 = arith.constant 1 : i32
        %dma_start3A_300 = arith.constant 0 : i32
        %dma_start3A_301 = arith.constant 1 : i32
        %dma_start3A_302 = arith.constant 0 : i32
        %dma_start3A_303 = arith.constant 0 : i32
        %dma_start3A_304 = tpu.memref_slice %arg8[%dma_start3A_299, %dma_start3A_302, %dma_start3A_303] : memref<5x128x16xf32, #tpu.memory_space<vmem>> -> memref<1x128x16xf32, #tpu.memory_space<vmem>>
        %dma_start3A_305 = tpu.memref_squeeze %dma_start3A_304 : memref<1x128x16xf32, #tpu.memory_space<vmem>> -> memref<128x16xf32, #tpu.memory_space<vmem>>
        %dma_start3A_306 = arith.constant 0 : i32
        %dma_start3A_307 = arith.constant 0 : i32
        %dma_start3A_308 = tpu.memref_slice %arg6[%dma_start3A_300, %dma_start3A_306, %dma_start3A_307] : memref<2x5x128xi32, #tpu.memory_space<vmem>> -> memref<1x5x128xi32, #tpu.memory_space<vmem>>
        %dma_start3A_309 = tpu.memref_squeeze %dma_start3A_308 : memref<1x5x128xi32, #tpu.memory_space<vmem>> -> memref<5x128xi32, #tpu.memory_space<vmem>>
        %dma_start3A_310 = arith.constant 0 : i32
        %dma_start3A_311 = tpu.memref_slice %dma_start3A_309[%dma_start3A_301, %dma_start3A_310] : memref<5x128xi32, #tpu.memory_space<vmem>> -> memref<1x128xi32, #tpu.memory_space<vmem>>
        %dma_start3A_312 = tpu.memref_squeeze %dma_start3A_311 : memref<1x128xi32, #tpu.memory_space<vmem>> -> memref<128xi32, #tpu.memory_space<vmem>>
        %dma_start3A_313 = arith.constant 0 : i32
        %dma_start3A_314 = arith.constant 0 : i32
        %dma_start3A_315 = tpu.memref_slice %arg10[%dma_start3A_313, %dma_start3A_314] : memref<102400x16xf32, #tpu.memory_space<vmem_shared>> -> memref<102400x16xf32, #tpu.memory_space<vmem_shared>>
        tpu.enqueue_indirect_dma source(%dma_start3A_305 : memref<128x16xf32, #tpu.memory_space<vmem>>) target(%dma_start3A_315 : memref<102400x16xf32, #tpu.memory_space<vmem_shared>>) offsets(%dma_start3A_312 : memref<128xi32, #tpu.memory_space<vmem>>) semaphore(%arg13 : memref<!tpu.dma_semaphore, #tpu.memory_space<semaphore_mem>>) {add = true}
        %dma_start3A_316 = arith.constant 2 : i32
        %dma_start3A_317 = arith.constant 0 : i32
        %dma_start3A_318 = arith.constant 2 : i32
        %dma_start3A_319 = arith.constant 0 : i32
        %dma_start3A_320 = arith.constant 0 : i32
        %dma_start3A_321 = tpu.memref_slice %arg8[%dma_start3A_316, %dma_start3A_319, %dma_start3A_320] : memref<5x128x16xf32, #tpu.memory_space<vmem>> -> memref<1x128x16xf32, #tpu.memory_space<vmem>>
        %dma_start3A_322 = tpu.memref_squeeze %dma_start3A_321 : memref<1x128x16xf32, #tpu.memory_space<vmem>> -> memref<128x16xf32, #tpu.memory_space<vmem>>
        %dma_start3A_323 = arith.constant 0 : i32
        %dma_start3A_324 = arith.constant 0 : i32
        %dma_start3A_325 = tpu.memref_slice %arg6[%dma_start3A_317, %dma_start3A_323, %dma_start3A_324] : memref<2x5x128xi32, #tpu.memory_space<vmem>> -> memref<1x5x128xi32, #tpu.memory_space<vmem>>
        %dma_start3A_326 = tpu.memref_squeeze %dma_start3A_325 : memref<1x5x128xi32, #tpu.memory_space<vmem>> -> memref<5x128xi32, #tpu.memory_space<vmem>>
        %dma_start3A_327 = arith.constant 0 : i32
        %dma_start3A_328 = tpu.memref_slice %dma_start3A_326[%dma_start3A_318, %dma_start3A_327] : memref<5x128xi32, #tpu.memory_space<vmem>> -> memref<1x128xi32, #tpu.memory_space<vmem>>
        %dma_start3A_329 = tpu.memref_squeeze %dma_start3A_328 : memref<1x128xi32, #tpu.memory_space<vmem>> -> memref<128xi32, #tpu.memory_space<vmem>>
        %dma_start3A_330 = arith.constant 0 : i32
        %dma_start3A_331 = arith.constant 0 : i32
        %dma_start3A_332 = tpu.memref_slice %arg10[%dma_start3A_330, %dma_start3A_331] : memref<102400x16xf32, #tpu.memory_space<vmem_shared>> -> memref<102400x16xf32, #tpu.memory_space<vmem_shared>>
        tpu.enqueue_indirect_dma source(%dma_start3A_322 : memref<128x16xf32, #tpu.memory_space<vmem>>) target(%dma_start3A_332 : memref<102400x16xf32, #tpu.memory_space<vmem_shared>>) offsets(%dma_start3A_329 : memref<128xi32, #tpu.memory_space<vmem>>) semaphore(%arg13 : memref<!tpu.dma_semaphore, #tpu.memory_space<semaphore_mem>>) {add = true}
        %dma_start3A_333 = arith.constant 3 : i32
        %dma_start3A_334 = arith.constant 0 : i32
        %dma_start3A_335 = arith.constant 3 : i32
        %dma_start3A_336 = arith.constant 0 : i32
        %dma_start3A_337 = arith.constant 0 : i32
        %dma_start3A_338 = tpu.memref_slice %arg8[%dma_start3A_333, %dma_start3A_336, %dma_start3A_337] : memref<5x128x16xf32, #tpu.memory_space<vmem>> -> memref<1x128x16xf32, #tpu.memory_space<vmem>>
        %dma_start3A_339 = tpu.memref_squeeze %dma_start3A_338 : memref<1x128x16xf32, #tpu.memory_space<vmem>> -> memref<128x16xf32, #tpu.memory_space<vmem>>
        %dma_start3A_340 = arith.constant 0 : i32
        %dma_start3A_341 = arith.constant 0 : i32
        %dma_start3A_342 = tpu.memref_slice %arg6[%dma_start3A_334, %dma_start3A_340, %dma_start3A_341] : memref<2x5x128xi32, #tpu.memory_space<vmem>> -> memref<1x5x128xi32, #tpu.memory_space<vmem>>
        %dma_start3A_343 = tpu.memref_squeeze %dma_start3A_342 : memref<1x5x128xi32, #tpu.memory_space<vmem>> -> memref<5x128xi32, #tpu.memory_space<vmem>>
        %dma_start3A_344 = arith.constant 0 : i32
        %dma_start3A_345 = tpu.memref_slice %dma_start3A_343[%dma_start3A_335, %dma_start3A_344] : memref<5x128xi32, #tpu.memory_space<vmem>> -> memref<1x128xi32, #tpu.memory_space<vmem>>
        %dma_start3A_346 = tpu.memref_squeeze %dma_start3A_345 : memref<1x128xi32, #tpu.memory_space<vmem>> -> memref<128xi32, #tpu.memory_space<vmem>>
        %dma_start3A_347 = arith.constant 0 : i32
        %dma_start3A_348 = arith.constant 0 : i32
        %dma_start3A_349 = tpu.memref_slice %arg10[%dma_start3A_347, %dma_start3A_348] : memref<102400x16xf32, #tpu.memory_space<vmem_shared>> -> memref<102400x16xf32, #tpu.memory_space<vmem_shared>>
        tpu.enqueue_indirect_dma source(%dma_start3A_339 : memref<128x16xf32, #tpu.memory_space<vmem>>) target(%dma_start3A_349 : memref<102400x16xf32, #tpu.memory_space<vmem_shared>>) offsets(%dma_start3A_346 : memref<128xi32, #tpu.memory_space<vmem>>) semaphore(%arg13 : memref<!tpu.dma_semaphore, #tpu.memory_space<semaphore_mem>>) {add = true}
        %dma_start3A_350 = arith.constant 4 : i32
        %dma_start3A_351 = arith.constant 0 : i32
        %dma_start3A_352 = arith.constant 4 : i32
        %dma_start3A_353 = arith.constant 0 : i32
        %dma_start3A_354 = arith.constant 0 : i32
        %dma_start3A_355 = tpu.memref_slice %arg8[%dma_start3A_350, %dma_start3A_353, %dma_start3A_354] : memref<5x128x16xf32, #tpu.memory_space<vmem>> -> memref<1x128x16xf32, #tpu.memory_space<vmem>>
        %dma_start3A_356 = tpu.memref_squeeze %dma_start3A_355 : memref<1x128x16xf32, #tpu.memory_space<vmem>> -> memref<128x16xf32, #tpu.memory_space<vmem>>
        %dma_start3A_357 = arith.constant 0 : i32
        %dma_start3A_358 = arith.constant 0 : i32
        %dma_start3A_359 = tpu.memref_slice %arg6[%dma_start3A_351, %dma_start3A_357, %dma_start3A_358] : memref<2x5x128xi32, #tpu.memory_space<vmem>> -> memref<1x5x128xi32, #tpu.memory_space<vmem>>
        %dma_start3A_360 = tpu.memref_squeeze %dma_start3A_359 : memref<1x5x128xi32, #tpu.memory_space<vmem>> -> memref<5x128xi32, #tpu.memory_space<vmem>>
        %dma_start3A_361 = arith.constant 0 : i32
        %dma_start3A_362 = tpu.memref_slice %dma_start3A_360[%dma_start3A_352, %dma_start3A_361] : memref<5x128xi32, #tpu.memory_space<vmem>> -> memref<1x128xi32, #tpu.memory_space<vmem>>
        %dma_start3A_363 = tpu.memref_squeeze %dma_start3A_362 : memref<1x128xi32, #tpu.memory_space<vmem>> -> memref<128xi32, #tpu.memory_space<vmem>>
        %dma_start3A_364 = arith.constant 0 : i32
        %dma_start3A_365 = arith.constant 0 : i32
        %dma_start3A_366 = tpu.memref_slice %arg10[%dma_start3A_364, %dma_start3A_365] : memref<102400x16xf32, #tpu.memory_space<vmem_shared>> -> memref<102400x16xf32, #tpu.memory_space<vmem_shared>>
        tpu.enqueue_indirect_dma source(%dma_start3A_356 : memref<128x16xf32, #tpu.memory_space<vmem>>) target(%dma_start3A_366 : memref<102400x16xf32, #tpu.memory_space<vmem_shared>>) offsets(%dma_start3A_363 : memref<128xi32, #tpu.memory_space<vmem>>) semaphore(%arg13 : memref<!tpu.dma_semaphore, #tpu.memory_space<semaphore_mem>>) {add = true}
      } else {
      }
      %not3A_176 = arith.constant true
      %not3A_177 = arith.xori %eq3A_172, %not3A_176 : i1
      %convert_element_type3A_178 = arith.extui %not3A_177 : i1 to i32
      %cond3A_179 = arith.constant 0 : i32
      %cond3A_180 = arith.cmpi ne, %convert_element_type3A_178, %cond3A_179 : i32
      scf.if %cond3A_180 {
        %ge3A = arith.constant 1 : i32
        %ge3A_181 = arith.cmpi sge, %add3A_154, %ge3A : i32
        %convert_element_type3A_182 = arith.extui %ge3A_181 : i1 to i32
        %cond3A_183 = arith.constant 0 : i32
        %cond3A_184 = arith.cmpi ne, %convert_element_type3A_182, %cond3A_183 : i32
        scf.if %cond3A_184 {
          %dma_wait3A_367 = arith.constant 0 : i32
          %dma_wait3A_368 = arith.constant 0 : i32
          %dma_wait3A_369 = arith.constant 0 : i32
          %dma_wait3A_370 = arith.constant 0 : i32
          %dma_wait3A_371 = arith.constant 0 : i32
          %dma_wait3A_372 = tpu.memref_slice %arg8[%dma_wait3A_367, %dma_wait3A_370, %dma_wait3A_371] : memref<5x128x16xf32, #tpu.memory_space<vmem>> -> memref<1x128x16xf32, #tpu.memory_space<vmem>>
          %dma_wait3A_373 = tpu.memref_squeeze %dma_wait3A_372 : memref<1x128x16xf32, #tpu.memory_space<vmem>> -> memref<128x16xf32, #tpu.memory_space<vmem>>
          %dma_wait3A_374 = arith.constant 0 : i32
          %dma_wait3A_375 = arith.constant 0 : i32
          %dma_wait3A_376 = tpu.memref_slice %arg6[%dma_wait3A_368, %dma_wait3A_374, %dma_wait3A_375] : memref<2x5x128xi32, #tpu.memory_space<vmem>> -> memref<1x5x128xi32, #tpu.memory_space<vmem>>
          %dma_wait3A_377 = tpu.memref_squeeze %dma_wait3A_376 : memref<1x5x128xi32, #tpu.memory_space<vmem>> -> memref<5x128xi32, #tpu.memory_space<vmem>>
          %dma_wait3A_378 = arith.constant 0 : i32
          %dma_wait3A_379 = tpu.memref_slice %dma_wait3A_377[%dma_wait3A_369, %dma_wait3A_378] : memref<5x128xi32, #tpu.memory_space<vmem>> -> memref<1x128xi32, #tpu.memory_space<vmem>>
          %dma_wait3A_380 = tpu.memref_squeeze %dma_wait3A_379 : memref<1x128xi32, #tpu.memory_space<vmem>> -> memref<128xi32, #tpu.memory_space<vmem>>
          %dma_wait3A_381 = arith.constant 0 : i32
          %dma_wait3A_382 = arith.constant 0 : i32
          %dma_wait3A_383 = tpu.memref_slice %arg10[%dma_wait3A_381, %dma_wait3A_382] : memref<102400x16xf32, #tpu.memory_space<vmem_shared>> -> memref<102400x16xf32, #tpu.memory_space<vmem_shared>>
          tpu.wait_indirect_dma semaphore(%arg13 : memref<!tpu.dma_semaphore, #tpu.memory_space<semaphore_mem>>) src(%dma_wait3A_373 : memref<128x16xf32, #tpu.memory_space<vmem>>) dst(%dma_wait3A_383 : memref<102400x16xf32, #tpu.memory_space<vmem_shared>>)
          %dma_wait3A_384 = arith.constant 1 : i32
          %dma_wait3A_385 = arith.constant 0 : i32
          %dma_wait3A_386 = arith.constant 1 : i32
          %dma_wait3A_387 = arith.constant 0 : i32
          %dma_wait3A_388 = arith.constant 0 : i32
          %dma_wait3A_389 = tpu.memref_slice %arg8[%dma_wait3A_384, %dma_wait3A_387, %dma_wait3A_388] : memref<5x128x16xf32, #tpu.memory_space<vmem>> -> memref<1x128x16xf32, #tpu.memory_space<vmem>>
          %dma_wait3A_390 = tpu.memref_squeeze %dma_wait3A_389 : memref<1x128x16xf32, #tpu.memory_space<vmem>> -> memref<128x16xf32, #tpu.memory_space<vmem>>
          %dma_wait3A_391 = arith.constant 0 : i32
          %dma_wait3A_392 = arith.constant 0 : i32
          %dma_wait3A_393 = tpu.memref_slice %arg6[%dma_wait3A_385, %dma_wait3A_391, %dma_wait3A_392] : memref<2x5x128xi32, #tpu.memory_space<vmem>> -> memref<1x5x128xi32, #tpu.memory_space<vmem>>
          %dma_wait3A_394 = tpu.memref_squeeze %dma_wait3A_393 : memref<1x5x128xi32, #tpu.memory_space<vmem>> -> memref<5x128xi32, #tpu.memory_space<vmem>>
          %dma_wait3A_395 = arith.constant 0 : i32
          %dma_wait3A_396 = tpu.memref_slice %dma_wait3A_394[%dma_wait3A_386, %dma_wait3A_395] : memref<5x128xi32, #tpu.memory_space<vmem>> -> memref<1x128xi32, #tpu.memory_space<vmem>>
          %dma_wait3A_397 = tpu.memref_squeeze %dma_wait3A_396 : memref<1x128xi32, #tpu.memory_space<vmem>> -> memref<128xi32, #tpu.memory_space<vmem>>
          %dma_wait3A_398 = arith.constant 0 : i32
          %dma_wait3A_399 = arith.constant 0 : i32
          %dma_wait3A_400 = tpu.memref_slice %arg10[%dma_wait3A_398, %dma_wait3A_399] : memref<102400x16xf32, #tpu.memory_space<vmem_shared>> -> memref<102400x16xf32, #tpu.memory_space<vmem_shared>>
          tpu.wait_indirect_dma semaphore(%arg13 : memref<!tpu.dma_semaphore, #tpu.memory_space<semaphore_mem>>) src(%dma_wait3A_390 : memref<128x16xf32, #tpu.memory_space<vmem>>) dst(%dma_wait3A_400 : memref<102400x16xf32, #tpu.memory_space<vmem_shared>>)
          %dma_wait3A_401 = arith.constant 2 : i32
          %dma_wait3A_402 = arith.constant 0 : i32
          %dma_wait3A_403 = arith.constant 2 : i32
          %dma_wait3A_404 = arith.constant 0 : i32
          %dma_wait3A_405 = arith.constant 0 : i32
          %dma_wait3A_406 = tpu.memref_slice %arg8[%dma_wait3A_401, %dma_wait3A_404, %dma_wait3A_405] : memref<5x128x16xf32, #tpu.memory_space<vmem>> -> memref<1x128x16xf32, #tpu.memory_space<vmem>>
          %dma_wait3A_407 = tpu.memref_squeeze %dma_wait3A_406 : memref<1x128x16xf32, #tpu.memory_space<vmem>> -> memref<128x16xf32, #tpu.memory_space<vmem>>
          %dma_wait3A_408 = arith.constant 0 : i32
          %dma_wait3A_409 = arith.constant 0 : i32
          %dma_wait3A_410 = tpu.memref_slice %arg6[%dma_wait3A_402, %dma_wait3A_408, %dma_wait3A_409] : memref<2x5x128xi32, #tpu.memory_space<vmem>> -> memref<1x5x128xi32, #tpu.memory_space<vmem>>
          %dma_wait3A_411 = tpu.memref_squeeze %dma_wait3A_410 : memref<1x5x128xi32, #tpu.memory_space<vmem>> -> memref<5x128xi32, #tpu.memory_space<vmem>>
          %dma_wait3A_412 = arith.constant 0 : i32
          %dma_wait3A_413 = tpu.memref_slice %dma_wait3A_411[%dma_wait3A_403, %dma_wait3A_412] : memref<5x128xi32, #tpu.memory_space<vmem>> -> memref<1x128xi32, #tpu.memory_space<vmem>>
          %dma_wait3A_414 = tpu.memref_squeeze %dma_wait3A_413 : memref<1x128xi32, #tpu.memory_space<vmem>> -> memref<128xi32, #tpu.memory_space<vmem>>
          %dma_wait3A_415 = arith.constant 0 : i32
          %dma_wait3A_416 = arith.constant 0 : i32
          %dma_wait3A_417 = tpu.memref_slice %arg10[%dma_wait3A_415, %dma_wait3A_416] : memref<102400x16xf32, #tpu.memory_space<vmem_shared>> -> memref<102400x16xf32, #tpu.memory_space<vmem_shared>>
          tpu.wait_indirect_dma semaphore(%arg13 : memref<!tpu.dma_semaphore, #tpu.memory_space<semaphore_mem>>) src(%dma_wait3A_407 : memref<128x16xf32, #tpu.memory_space<vmem>>) dst(%dma_wait3A_417 : memref<102400x16xf32, #tpu.memory_space<vmem_shared>>)
          %dma_wait3A_418 = arith.constant 3 : i32
          %dma_wait3A_419 = arith.constant 0 : i32
          %dma_wait3A_420 = arith.constant 3 : i32
          %dma_wait3A_421 = arith.constant 0 : i32
          %dma_wait3A_422 = arith.constant 0 : i32
          %dma_wait3A_423 = tpu.memref_slice %arg8[%dma_wait3A_418, %dma_wait3A_421, %dma_wait3A_422] : memref<5x128x16xf32, #tpu.memory_space<vmem>> -> memref<1x128x16xf32, #tpu.memory_space<vmem>>
          %dma_wait3A_424 = tpu.memref_squeeze %dma_wait3A_423 : memref<1x128x16xf32, #tpu.memory_space<vmem>> -> memref<128x16xf32, #tpu.memory_space<vmem>>
          %dma_wait3A_425 = arith.constant 0 : i32
          %dma_wait3A_426 = arith.constant 0 : i32
          %dma_wait3A_427 = tpu.memref_slice %arg6[%dma_wait3A_419, %dma_wait3A_425, %dma_wait3A_426] : memref<2x5x128xi32, #tpu.memory_space<vmem>> -> memref<1x5x128xi32, #tpu.memory_space<vmem>>
          %dma_wait3A_428 = tpu.memref_squeeze %dma_wait3A_427 : memref<1x5x128xi32, #tpu.memory_space<vmem>> -> memref<5x128xi32, #tpu.memory_space<vmem>>
          %dma_wait3A_429 = arith.constant 0 : i32
          %dma_wait3A_430 = tpu.memref_slice %dma_wait3A_428[%dma_wait3A_420, %dma_wait3A_429] : memref<5x128xi32, #tpu.memory_space<vmem>> -> memref<1x128xi32, #tpu.memory_space<vmem>>
          %dma_wait3A_431 = tpu.memref_squeeze %dma_wait3A_430 : memref<1x128xi32, #tpu.memory_space<vmem>> -> memref<128xi32, #tpu.memory_space<vmem>>
          %dma_wait3A_432 = arith.constant 0 : i32
          %dma_wait3A_433 = arith.constant 0 : i32
          %dma_wait3A_434 = tpu.memref_slice %arg10[%dma_wait3A_432, %dma_wait3A_433] : memref<102400x16xf32, #tpu.memory_space<vmem_shared>> -> memref<102400x16xf32, #tpu.memory_space<vmem_shared>>
          tpu.wait_indirect_dma semaphore(%arg13 : memref<!tpu.dma_semaphore, #tpu.memory_space<semaphore_mem>>) src(%dma_wait3A_424 : memref<128x16xf32, #tpu.memory_space<vmem>>) dst(%dma_wait3A_434 : memref<102400x16xf32, #tpu.memory_space<vmem_shared>>)
          %dma_wait3A_435 = arith.constant 4 : i32
          %dma_wait3A_436 = arith.constant 0 : i32
          %dma_wait3A_437 = arith.constant 4 : i32
          %dma_wait3A_438 = arith.constant 0 : i32
          %dma_wait3A_439 = arith.constant 0 : i32
          %dma_wait3A_440 = tpu.memref_slice %arg8[%dma_wait3A_435, %dma_wait3A_438, %dma_wait3A_439] : memref<5x128x16xf32, #tpu.memory_space<vmem>> -> memref<1x128x16xf32, #tpu.memory_space<vmem>>
          %dma_wait3A_441 = tpu.memref_squeeze %dma_wait3A_440 : memref<1x128x16xf32, #tpu.memory_space<vmem>> -> memref<128x16xf32, #tpu.memory_space<vmem>>
          %dma_wait3A_442 = arith.constant 0 : i32
          %dma_wait3A_443 = arith.constant 0 : i32
          %dma_wait3A_444 = tpu.memref_slice %arg6[%dma_wait3A_436, %dma_wait3A_442, %dma_wait3A_443] : memref<2x5x128xi32, #tpu.memory_space<vmem>> -> memref<1x5x128xi32, #tpu.memory_space<vmem>>
          %dma_wait3A_445 = tpu.memref_squeeze %dma_wait3A_444 : memref<1x5x128xi32, #tpu.memory_space<vmem>> -> memref<5x128xi32, #tpu.memory_space<vmem>>
          %dma_wait3A_446 = arith.constant 0 : i32
          %dma_wait3A_447 = tpu.memref_slice %dma_wait3A_445[%dma_wait3A_437, %dma_wait3A_446] : memref<5x128xi32, #tpu.memory_space<vmem>> -> memref<1x128xi32, #tpu.memory_space<vmem>>
          %dma_wait3A_448 = tpu.memref_squeeze %dma_wait3A_447 : memref<1x128xi32, #tpu.memory_space<vmem>> -> memref<128xi32, #tpu.memory_space<vmem>>
          %dma_wait3A_449 = arith.constant 0 : i32
          %dma_wait3A_450 = arith.constant 0 : i32
          %dma_wait3A_451 = tpu.memref_slice %arg10[%dma_wait3A_449, %dma_wait3A_450] : memref<102400x16xf32, #tpu.memory_space<vmem_shared>> -> memref<102400x16xf32, #tpu.memory_space<vmem_shared>>
          tpu.wait_indirect_dma semaphore(%arg13 : memref<!tpu.dma_semaphore, #tpu.memory_space<semaphore_mem>>) src(%dma_wait3A_441 : memref<128x16xf32, #tpu.memory_space<vmem>>) dst(%dma_wait3A_451 : memref<102400x16xf32, #tpu.memory_space<vmem_shared>>)
        } else {
        }
        %add3A_185 = arith.constant 1 : i32
        %add3A_186 = arith.addi %add3A_154, %add3A_185 : i32
        %lt3A_187 = arith.cmpi slt, %add3A_186, %select_n3A : i32
        %convert_element_type3A_188 = arith.extui %lt3A_187 : i1 to i32
        %cond3A_189 = arith.constant 0 : i32
        %cond3A_190 = arith.cmpi ne, %convert_element_type3A_188, %cond3A_189 : i32
        scf.if %cond3A_190 {
          %add3A_367 = arith.constant 1 : i32
          %add3A_368 = arith.addi %add3A_154, %add3A_367 : i32
          %add3A_369 = arith.addi %mul3A_4, %add3A_368 : i32
          %mul3A_370 = arith.constant 5 : i32
          %mul3A_371 = arith.muli %add3A_369, %mul3A_370 : i32
          %dma_start3A_372 = arith.constant 0 : i32
          %dma_start3A_373 = arith.constant 0 : i32
          %dma_start3A_374 = tpu.memref_slice %arg3[%dma_start3A_372, %mul3A_371, %dma_start3A_373] : memref<2x50000x128xi32, #tpu.memory_space<hbm>> -> memref<2x5x128xi32, #tpu.memory_space<hbm>>
          %dma_start3A_375 = arith.constant 0 : i32
          %dma_start3A_376 = arith.constant 0 : i32
          %dma_start3A_377 = tpu.memref_slice %arg3[%dma_start3A_375, %mul3A_371, %dma_start3A_376] : memref<2x50000x128xi32, #tpu.memory_space<hbm>> -> memref<2x5x128xi32, #tpu.memory_space<hbm>>
          tpu.enqueue_dma source(%dma_start3A_377 : memref<2x5x128xi32, #tpu.memory_space<hbm>>) target(%arg6 : memref<2x5x128xi32, #tpu.memory_space<vmem>>) target_semaphore(%arg15 : memref<!tpu.dma_semaphore, #tpu.memory_space<semaphore_mem>>)
        } else {
        }
        %dma_wait3A_191 = arith.constant 1 : i32
        %dma_wait3A_192 = arith.constant 0 : i32
        %dma_wait3A_193 = arith.constant 0 : i32
        %dma_wait3A_194 = arith.constant 0 : i32
        %dma_wait3A_195 = arith.constant 0 : i32
        %dma_wait3A_196 = tpu.memref_slice %arg9[%dma_wait3A_193, %dma_wait3A_194, %dma_wait3A_195] : memref<5x128x16xf32, #tpu.memory_space<vmem>> -> memref<1x128x16xf32, #tpu.memory_space<vmem>>
        %dma_wait3A_197 = tpu.memref_squeeze %dma_wait3A_196 : memref<1x128x16xf32, #tpu.memory_space<vmem>> -> memref<128x16xf32, #tpu.memory_space<vmem>>
        %dma_wait3A_198 = arith.constant 0 : i32
        %dma_wait3A_199 = arith.constant 0 : i32
        %dma_wait3A_200 = tpu.memref_slice %arg7[%dma_wait3A_191, %dma_wait3A_198, %dma_wait3A_199] : memref<2x5x128xi32, #tpu.memory_space<vmem>> -> memref<1x5x128xi32, #tpu.memory_space<vmem>>
        %dma_wait3A_201 = tpu.memref_squeeze %dma_wait3A_200 : memref<1x5x128xi32, #tpu.memory_space<vmem>> -> memref<5x128xi32, #tpu.memory_space<vmem>>
        %dma_wait3A_202 = arith.constant 0 : i32
        %dma_wait3A_203 = tpu.memref_slice %dma_wait3A_201[%dma_wait3A_192, %dma_wait3A_202] : memref<5x128xi32, #tpu.memory_space<vmem>> -> memref<1x128xi32, #tpu.memory_space<vmem>>
        %dma_wait3A_204 = tpu.memref_squeeze %dma_wait3A_203 : memref<1x128xi32, #tpu.memory_space<vmem>> -> memref<128xi32, #tpu.memory_space<vmem>>
        %dma_wait3A_205 = arith.constant 0 : i32
        %dma_wait3A_206 = arith.constant 0 : i32
        %dma_wait3A_207 = tpu.memref_slice %arg2[%dma_wait3A_205, %dma_wait3A_206] : memref<102400x16xf32, #tpu.memory_space<hbm>> -> memref<102400x16xf32, #tpu.memory_space<hbm>>
        tpu.wait_indirect_dma semaphore(%arg12 : memref<!tpu.dma_semaphore, #tpu.memory_space<semaphore_mem>>) src(%dma_wait3A_207 : memref<102400x16xf32, #tpu.memory_space<hbm>>) dst(%dma_wait3A_197 : memref<128x16xf32, #tpu.memory_space<vmem>>)
        %dma_wait3A_208 = arith.constant 1 : i32
        %dma_wait3A_209 = arith.constant 1 : i32
        %dma_wait3A_210 = arith.constant 1 : i32
        %dma_wait3A_211 = arith.constant 0 : i32
        %dma_wait3A_212 = arith.constant 0 : i32
        %dma_wait3A_213 = tpu.memref_slice %arg9[%dma_wait3A_210, %dma_wait3A_211, %dma_wait3A_212] : memref<5x128x16xf32, #tpu.memory_space<vmem>> -> memref<1x128x16xf32, #tpu.memory_space<vmem>>
        %dma_wait3A_214 = tpu.memref_squeeze %dma_wait3A_213 : memref<1x128x16xf32, #tpu.memory_space<vmem>> -> memref<128x16xf32, #tpu.memory_space<vmem>>
        %dma_wait3A_215 = arith.constant 0 : i32
        %dma_wait3A_216 = arith.constant 0 : i32
        %dma_wait3A_217 = tpu.memref_slice %arg7[%dma_wait3A_208, %dma_wait3A_215, %dma_wait3A_216] : memref<2x5x128xi32, #tpu.memory_space<vmem>> -> memref<1x5x128xi32, #tpu.memory_space<vmem>>
        %dma_wait3A_218 = tpu.memref_squeeze %dma_wait3A_217 : memref<1x5x128xi32, #tpu.memory_space<vmem>> -> memref<5x128xi32, #tpu.memory_space<vmem>>
        %dma_wait3A_219 = arith.constant 0 : i32
        %dma_wait3A_220 = tpu.memref_slice %dma_wait3A_218[%dma_wait3A_209, %dma_wait3A_219] : memref<5x128xi32, #tpu.memory_space<vmem>> -> memref<1x128xi32, #tpu.memory_space<vmem>>
        %dma_wait3A_221 = tpu.memref_squeeze %dma_wait3A_220 : memref<1x128xi32, #tpu.memory_space<vmem>> -> memref<128xi32, #tpu.memory_space<vmem>>
        %dma_wait3A_222 = arith.constant 0 : i32
        %dma_wait3A_223 = arith.constant 0 : i32
        %dma_wait3A_224 = tpu.memref_slice %arg2[%dma_wait3A_222, %dma_wait3A_223] : memref<102400x16xf32, #tpu.memory_space<hbm>> -> memref<102400x16xf32, #tpu.memory_space<hbm>>
        tpu.wait_indirect_dma semaphore(%arg12 : memref<!tpu.dma_semaphore, #tpu.memory_space<semaphore_mem>>) src(%dma_wait3A_224 : memref<102400x16xf32, #tpu.memory_space<hbm>>) dst(%dma_wait3A_214 : memref<128x16xf32, #tpu.memory_space<vmem>>)
        %dma_wait3A_225 = arith.constant 1 : i32
        %dma_wait3A_226 = arith.constant 2 : i32
        %dma_wait3A_227 = arith.constant 2 : i32
        %dma_wait3A_228 = arith.constant 0 : i32
        %dma_wait3A_229 = arith.constant 0 : i32
        %dma_wait3A_230 = tpu.memref_slice %arg9[%dma_wait3A_227, %dma_wait3A_228, %dma_wait3A_229] : memref<5x128x16xf32, #tpu.memory_space<vmem>> -> memref<1x128x16xf32, #tpu.memory_space<vmem>>
        %dma_wait3A_231 = tpu.memref_squeeze %dma_wait3A_230 : memref<1x128x16xf32, #tpu.memory_space<vmem>> -> memref<128x16xf32, #tpu.memory_space<vmem>>
        %dma_wait3A_232 = arith.constant 0 : i32
        %dma_wait3A_233 = arith.constant 0 : i32
        %dma_wait3A_234 = tpu.memref_slice %arg7[%dma_wait3A_225, %dma_wait3A_232, %dma_wait3A_233] : memref<2x5x128xi32, #tpu.memory_space<vmem>> -> memref<1x5x128xi32, #tpu.memory_space<vmem>>
        %dma_wait3A_235 = tpu.memref_squeeze %dma_wait3A_234 : memref<1x5x128xi32, #tpu.memory_space<vmem>> -> memref<5x128xi32, #tpu.memory_space<vmem>>
        %dma_wait3A_236 = arith.constant 0 : i32
        %dma_wait3A_237 = tpu.memref_slice %dma_wait3A_235[%dma_wait3A_226, %dma_wait3A_236] : memref<5x128xi32, #tpu.memory_space<vmem>> -> memref<1x128xi32, #tpu.memory_space<vmem>>
        %dma_wait3A_238 = tpu.memref_squeeze %dma_wait3A_237 : memref<1x128xi32, #tpu.memory_space<vmem>> -> memref<128xi32, #tpu.memory_space<vmem>>
        %dma_wait3A_239 = arith.constant 0 : i32
        %dma_wait3A_240 = arith.constant 0 : i32
        %dma_wait3A_241 = tpu.memref_slice %arg2[%dma_wait3A_239, %dma_wait3A_240] : memref<102400x16xf32, #tpu.memory_space<hbm>> -> memref<102400x16xf32, #tpu.memory_space<hbm>>
        tpu.wait_indirect_dma semaphore(%arg12 : memref<!tpu.dma_semaphore, #tpu.memory_space<semaphore_mem>>) src(%dma_wait3A_241 : memref<102400x16xf32, #tpu.memory_space<hbm>>) dst(%dma_wait3A_231 : memref<128x16xf32, #tpu.memory_space<vmem>>)
        %dma_wait3A_242 = arith.constant 1 : i32
        %dma_wait3A_243 = arith.constant 3 : i32
        %dma_wait3A_244 = arith.constant 3 : i32
        %dma_wait3A_245 = arith.constant 0 : i32
        %dma_wait3A_246 = arith.constant 0 : i32
        %dma_wait3A_247 = tpu.memref_slice %arg9[%dma_wait3A_244, %dma_wait3A_245, %dma_wait3A_246] : memref<5x128x16xf32, #tpu.memory_space<vmem>> -> memref<1x128x16xf32, #tpu.memory_space<vmem>>
        %dma_wait3A_248 = tpu.memref_squeeze %dma_wait3A_247 : memref<1x128x16xf32, #tpu.memory_space<vmem>> -> memref<128x16xf32, #tpu.memory_space<vmem>>
        %dma_wait3A_249 = arith.constant 0 : i32
        %dma_wait3A_250 = arith.constant 0 : i32
        %dma_wait3A_251 = tpu.memref_slice %arg7[%dma_wait3A_242, %dma_wait3A_249, %dma_wait3A_250] : memref<2x5x128xi32, #tpu.memory_space<vmem>> -> memref<1x5x128xi32, #tpu.memory_space<vmem>>
        %dma_wait3A_252 = tpu.memref_squeeze %dma_wait3A_251 : memref<1x5x128xi32, #tpu.memory_space<vmem>> -> memref<5x128xi32, #tpu.memory_space<vmem>>
        %dma_wait3A_253 = arith.constant 0 : i32
        %dma_wait3A_254 = tpu.memref_slice %dma_wait3A_252[%dma_wait3A_243, %dma_wait3A_253] : memref<5x128xi32, #tpu.memory_space<vmem>> -> memref<1x128xi32, #tpu.memory_space<vmem>>
        %dma_wait3A_255 = tpu.memref_squeeze %dma_wait3A_254 : memref<1x128xi32, #tpu.memory_space<vmem>> -> memref<128xi32, #tpu.memory_space<vmem>>
        %dma_wait3A_256 = arith.constant 0 : i32
        %dma_wait3A_257 = arith.constant 0 : i32
        %dma_wait3A_258 = tpu.memref_slice %arg2[%dma_wait3A_256, %dma_wait3A_257] : memref<102400x16xf32, #tpu.memory_space<hbm>> -> memref<102400x16xf32, #tpu.memory_space<hbm>>
        tpu.wait_indirect_dma semaphore(%arg12 : memref<!tpu.dma_semaphore, #tpu.memory_space<semaphore_mem>>) src(%dma_wait3A_258 : memref<102400x16xf32, #tpu.memory_space<hbm>>) dst(%dma_wait3A_248 : memref<128x16xf32, #tpu.memory_space<vmem>>)
        %dma_wait3A_259 = arith.constant 1 : i32
        %dma_wait3A_260 = arith.constant 4 : i32
        %dma_wait3A_261 = arith.constant 4 : i32
        %dma_wait3A_262 = arith.constant 0 : i32
        %dma_wait3A_263 = arith.constant 0 : i32
        %dma_wait3A_264 = tpu.memref_slice %arg9[%dma_wait3A_261, %dma_wait3A_262, %dma_wait3A_263] : memref<5x128x16xf32, #tpu.memory_space<vmem>> -> memref<1x128x16xf32, #tpu.memory_space<vmem>>
        %dma_wait3A_265 = tpu.memref_squeeze %dma_wait3A_264 : memref<1x128x16xf32, #tpu.memory_space<vmem>> -> memref<128x16xf32, #tpu.memory_space<vmem>>
        %dma_wait3A_266 = arith.constant 0 : i32
        %dma_wait3A_267 = arith.constant 0 : i32
        %dma_wait3A_268 = tpu.memref_slice %arg7[%dma_wait3A_259, %dma_wait3A_266, %dma_wait3A_267] : memref<2x5x128xi32, #tpu.memory_space<vmem>> -> memref<1x5x128xi32, #tpu.memory_space<vmem>>
        %dma_wait3A_269 = tpu.memref_squeeze %dma_wait3A_268 : memref<1x5x128xi32, #tpu.memory_space<vmem>> -> memref<5x128xi32, #tpu.memory_space<vmem>>
        %dma_wait3A_270 = arith.constant 0 : i32
        %dma_wait3A_271 = tpu.memref_slice %dma_wait3A_269[%dma_wait3A_260, %dma_wait3A_270] : memref<5x128xi32, #tpu.memory_space<vmem>> -> memref<1x128xi32, #tpu.memory_space<vmem>>
        %dma_wait3A_272 = tpu.memref_squeeze %dma_wait3A_271 : memref<1x128xi32, #tpu.memory_space<vmem>> -> memref<128xi32, #tpu.memory_space<vmem>>
        %dma_wait3A_273 = arith.constant 0 : i32
        %dma_wait3A_274 = arith.constant 0 : i32
        %dma_wait3A_275 = tpu.memref_slice %arg2[%dma_wait3A_273, %dma_wait3A_274] : memref<102400x16xf32, #tpu.memory_space<hbm>> -> memref<102400x16xf32, #tpu.memory_space<hbm>>
        tpu.wait_indirect_dma semaphore(%arg12 : memref<!tpu.dma_semaphore, #tpu.memory_space<semaphore_mem>>) src(%dma_wait3A_275 : memref<102400x16xf32, #tpu.memory_space<hbm>>) dst(%dma_wait3A_265 : memref<128x16xf32, #tpu.memory_space<vmem>>)
        %add3A_276 = arith.constant 1 : i32
        %add3A_277 = arith.addi %add3A_154, %add3A_276 : i32
        %lt3A_278 = arith.cmpi slt, %add3A_277, %select_n3A : i32
        %convert_element_type3A_279 = arith.extui %lt3A_278 : i1 to i32
        %cond3A_280 = arith.constant 0 : i32
        %cond3A_281 = arith.cmpi ne, %convert_element_type3A_279, %cond3A_280 : i32
        scf.if %cond3A_281 {
          %add3A_367 = arith.constant 1 : i32
          %add3A_368 = arith.addi %add3A_154, %add3A_367 : i32
          %add3A_369 = arith.addi %mul3A_4, %add3A_368 : i32
          %mul3A_370 = arith.constant 5 : i32
          %mul3A_371 = arith.muli %add3A_369, %mul3A_370 : i32
          %dma_wait3A_372 = arith.constant 0 : i32
          %dma_wait3A_373 = arith.constant 0 : i32
          %dma_wait3A_374 = tpu.memref_slice %arg3[%dma_wait3A_372, %mul3A_371, %dma_wait3A_373] : memref<2x50000x128xi32, #tpu.memory_space<hbm>> -> memref<2x5x128xi32, #tpu.memory_space<hbm>>
          %dma_wait3A_375 = arith.constant 0 : i32
          %dma_wait3A_376 = arith.constant 0 : i32
          %dma_wait3A_377 = tpu.memref_slice %arg3[%dma_wait3A_375, %mul3A_371, %dma_wait3A_376] : memref<2x50000x128xi32, #tpu.memory_space<hbm>> -> memref<2x5x128xi32, #tpu.memory_space<hbm>>
          tpu.wait_dma2 semaphore(%arg15 : memref<!tpu.dma_semaphore, #tpu.memory_space<semaphore_mem>>) src(%dma_wait3A_377 : memref<2x5x128xi32, #tpu.memory_space<hbm>>) dst(%arg6 : memref<2x5x128xi32, #tpu.memory_space<vmem>>)
          %dma_start3A_378 = arith.constant 1 : i32
          %dma_start3A_379 = arith.constant 0 : i32
          %dma_start3A_380 = arith.constant 0 : i32
          %dma_start3A_381 = arith.constant 0 : i32
          %dma_start3A_382 = arith.constant 0 : i32
          %dma_start3A_383 = tpu.memref_slice %arg8[%dma_start3A_380, %dma_start3A_381, %dma_start3A_382] : memref<5x128x16xf32, #tpu.memory_space<vmem>> -> memref<1x128x16xf32, #tpu.memory_space<vmem>>
          %dma_start3A_384 = tpu.memref_squeeze %dma_start3A_383 : memref<1x128x16xf32, #tpu.memory_space<vmem>> -> memref<128x16xf32, #tpu.memory_space<vmem>>
          %dma_start3A_385 = arith.constant 0 : i32
          %dma_start3A_386 = arith.constant 0 : i32
          %dma_start3A_387 = tpu.memref_slice %arg6[%dma_start3A_378, %dma_start3A_385, %dma_start3A_386] : memref<2x5x128xi32, #tpu.memory_space<vmem>> -> memref<1x5x128xi32, #tpu.memory_space<vmem>>
          %dma_start3A_388 = tpu.memref_squeeze %dma_start3A_387 : memref<1x5x128xi32, #tpu.memory_space<vmem>> -> memref<5x128xi32, #tpu.memory_space<vmem>>
          %dma_start3A_389 = arith.constant 0 : i32
          %dma_start3A_390 = tpu.memref_slice %dma_start3A_388[%dma_start3A_379, %dma_start3A_389] : memref<5x128xi32, #tpu.memory_space<vmem>> -> memref<1x128xi32, #tpu.memory_space<vmem>>
          %dma_start3A_391 = tpu.memref_squeeze %dma_start3A_390 : memref<1x128xi32, #tpu.memory_space<vmem>> -> memref<128xi32, #tpu.memory_space<vmem>>
          %dma_start3A_392 = arith.constant 0 : i32
          %dma_start3A_393 = arith.constant 0 : i32
          %dma_start3A_394 = tpu.memref_slice %arg2[%dma_start3A_392, %dma_start3A_393] : memref<102400x16xf32, #tpu.memory_space<hbm>> -> memref<102400x16xf32, #tpu.memory_space<hbm>>
          tpu.enqueue_indirect_dma source(%dma_start3A_394 : memref<102400x16xf32, #tpu.memory_space<hbm>>) target(%dma_start3A_384 : memref<128x16xf32, #tpu.memory_space<vmem>>) offsets(%dma_start3A_391 : memref<128xi32, #tpu.memory_space<vmem>>) semaphore(%arg11 : memref<!tpu.dma_semaphore, #tpu.memory_space<semaphore_mem>>)
          %dma_start3A_395 = arith.constant 1 : i32
          %dma_start3A_396 = arith.constant 1 : i32
          %dma_start3A_397 = arith.constant 1 : i32
          %dma_start3A_398 = arith.constant 0 : i32
          %dma_start3A_399 = arith.constant 0 : i32
          %dma_start3A_400 = tpu.memref_slice %arg8[%dma_start3A_397, %dma_start3A_398, %dma_start3A_399] : memref<5x128x16xf32, #tpu.memory_space<vmem>> -> memref<1x128x16xf32, #tpu.memory_space<vmem>>
          %dma_start3A_401 = tpu.memref_squeeze %dma_start3A_400 : memref<1x128x16xf32, #tpu.memory_space<vmem>> -> memref<128x16xf32, #tpu.memory_space<vmem>>
          %dma_start3A_402 = arith.constant 0 : i32
          %dma_start3A_403 = arith.constant 0 : i32
          %dma_start3A_404 = tpu.memref_slice %arg6[%dma_start3A_395, %dma_start3A_402, %dma_start3A_403] : memref<2x5x128xi32, #tpu.memory_space<vmem>> -> memref<1x5x128xi32, #tpu.memory_space<vmem>>
          %dma_start3A_405 = tpu.memref_squeeze %dma_start3A_404 : memref<1x5x128xi32, #tpu.memory_space<vmem>> -> memref<5x128xi32, #tpu.memory_space<vmem>>
          %dma_start3A_406 = arith.constant 0 : i32
          %dma_start3A_407 = tpu.memref_slice %dma_start3A_405[%dma_start3A_396, %dma_start3A_406] : memref<5x128xi32, #tpu.memory_space<vmem>> -> memref<1x128xi32, #tpu.memory_space<vmem>>
          %dma_start3A_408 = tpu.memref_squeeze %dma_start3A_407 : memref<1x128xi32, #tpu.memory_space<vmem>> -> memref<128xi32, #tpu.memory_space<vmem>>
          %dma_start3A_409 = arith.constant 0 : i32
          %dma_start3A_410 = arith.constant 0 : i32
          %dma_start3A_411 = tpu.memref_slice %arg2[%dma_start3A_409, %dma_start3A_410] : memref<102400x16xf32, #tpu.memory_space<hbm>> -> memref<102400x16xf32, #tpu.memory_space<hbm>>
          tpu.enqueue_indirect_dma source(%dma_start3A_411 : memref<102400x16xf32, #tpu.memory_space<hbm>>) target(%dma_start3A_401 : memref<128x16xf32, #tpu.memory_space<vmem>>) offsets(%dma_start3A_408 : memref<128xi32, #tpu.memory_space<vmem>>) semaphore(%arg11 : memref<!tpu.dma_semaphore, #tpu.memory_space<semaphore_mem>>)
          %dma_start3A_412 = arith.constant 1 : i32
          %dma_start3A_413 = arith.constant 2 : i32
          %dma_start3A_414 = arith.constant 2 : i32
          %dma_start3A_415 = arith.constant 0 : i32
          %dma_start3A_416 = arith.constant 0 : i32
          %dma_start3A_417 = tpu.memref_slice %arg8[%dma_start3A_414, %dma_start3A_415, %dma_start3A_416] : memref<5x128x16xf32, #tpu.memory_space<vmem>> -> memref<1x128x16xf32, #tpu.memory_space<vmem>>
          %dma_start3A_418 = tpu.memref_squeeze %dma_start3A_417 : memref<1x128x16xf32, #tpu.memory_space<vmem>> -> memref<128x16xf32, #tpu.memory_space<vmem>>
          %dma_start3A_419 = arith.constant 0 : i32
          %dma_start3A_420 = arith.constant 0 : i32
          %dma_start3A_421 = tpu.memref_slice %arg6[%dma_start3A_412, %dma_start3A_419, %dma_start3A_420] : memref<2x5x128xi32, #tpu.memory_space<vmem>> -> memref<1x5x128xi32, #tpu.memory_space<vmem>>
          %dma_start3A_422 = tpu.memref_squeeze %dma_start3A_421 : memref<1x5x128xi32, #tpu.memory_space<vmem>> -> memref<5x128xi32, #tpu.memory_space<vmem>>
          %dma_start3A_423 = arith.constant 0 : i32
          %dma_start3A_424 = tpu.memref_slice %dma_start3A_422[%dma_start3A_413, %dma_start3A_423] : memref<5x128xi32, #tpu.memory_space<vmem>> -> memref<1x128xi32, #tpu.memory_space<vmem>>
          %dma_start3A_425 = tpu.memref_squeeze %dma_start3A_424 : memref<1x128xi32, #tpu.memory_space<vmem>> -> memref<128xi32, #tpu.memory_space<vmem>>
          %dma_start3A_426 = arith.constant 0 : i32
          %dma_start3A_427 = arith.constant 0 : i32
          %dma_start3A_428 = tpu.memref_slice %arg2[%dma_start3A_426, %dma_start3A_427] : memref<102400x16xf32, #tpu.memory_space<hbm>> -> memref<102400x16xf32, #tpu.memory_space<hbm>>
          tpu.enqueue_indirect_dma source(%dma_start3A_428 : memref<102400x16xf32, #tpu.memory_space<hbm>>) target(%dma_start3A_418 : memref<128x16xf32, #tpu.memory_space<vmem>>) offsets(%dma_start3A_425 : memref<128xi32, #tpu.memory_space<vmem>>) semaphore(%arg11 : memref<!tpu.dma_semaphore, #tpu.memory_space<semaphore_mem>>)
          %dma_start3A_429 = arith.constant 1 : i32
          %dma_start3A_430 = arith.constant 3 : i32
          %dma_start3A_431 = arith.constant 3 : i32
          %dma_start3A_432 = arith.constant 0 : i32
          %dma_start3A_433 = arith.constant 0 : i32
          %dma_start3A_434 = tpu.memref_slice %arg8[%dma_start3A_431, %dma_start3A_432, %dma_start3A_433] : memref<5x128x16xf32, #tpu.memory_space<vmem>> -> memref<1x128x16xf32, #tpu.memory_space<vmem>>
          %dma_start3A_435 = tpu.memref_squeeze %dma_start3A_434 : memref<1x128x16xf32, #tpu.memory_space<vmem>> -> memref<128x16xf32, #tpu.memory_space<vmem>>
          %dma_start3A_436 = arith.constant 0 : i32
          %dma_start3A_437 = arith.constant 0 : i32
          %dma_start3A_438 = tpu.memref_slice %arg6[%dma_start3A_429, %dma_start3A_436, %dma_start3A_437] : memref<2x5x128xi32, #tpu.memory_space<vmem>> -> memref<1x5x128xi32, #tpu.memory_space<vmem>>
          %dma_start3A_439 = tpu.memref_squeeze %dma_start3A_438 : memref<1x5x128xi32, #tpu.memory_space<vmem>> -> memref<5x128xi32, #tpu.memory_space<vmem>>
          %dma_start3A_440 = arith.constant 0 : i32
          %dma_start3A_441 = tpu.memref_slice %dma_start3A_439[%dma_start3A_430, %dma_start3A_440] : memref<5x128xi32, #tpu.memory_space<vmem>> -> memref<1x128xi32, #tpu.memory_space<vmem>>
          %dma_start3A_442 = tpu.memref_squeeze %dma_start3A_441 : memref<1x128xi32, #tpu.memory_space<vmem>> -> memref<128xi32, #tpu.memory_space<vmem>>
          %dma_start3A_443 = arith.constant 0 : i32
          %dma_start3A_444 = arith.constant 0 : i32
          %dma_start3A_445 = tpu.memref_slice %arg2[%dma_start3A_443, %dma_start3A_444] : memref<102400x16xf32, #tpu.memory_space<hbm>> -> memref<102400x16xf32, #tpu.memory_space<hbm>>
          tpu.enqueue_indirect_dma source(%dma_start3A_445 : memref<102400x16xf32, #tpu.memory_space<hbm>>) target(%dma_start3A_435 : memref<128x16xf32, #tpu.memory_space<vmem>>) offsets(%dma_start3A_442 : memref<128xi32, #tpu.memory_space<vmem>>) semaphore(%arg11 : memref<!tpu.dma_semaphore, #tpu.memory_space<semaphore_mem>>)
          %dma_start3A_446 = arith.constant 1 : i32
          %dma_start3A_447 = arith.constant 4 : i32
          %dma_start3A_448 = arith.constant 4 : i32
          %dma_start3A_449 = arith.constant 0 : i32
          %dma_start3A_450 = arith.constant 0 : i32
          %dma_start3A_451 = tpu.memref_slice %arg8[%dma_start3A_448, %dma_start3A_449, %dma_start3A_450] : memref<5x128x16xf32, #tpu.memory_space<vmem>> -> memref<1x128x16xf32, #tpu.memory_space<vmem>>
          %dma_start3A_452 = tpu.memref_squeeze %dma_start3A_451 : memref<1x128x16xf32, #tpu.memory_space<vmem>> -> memref<128x16xf32, #tpu.memory_space<vmem>>
          %dma_start3A_453 = arith.constant 0 : i32
          %dma_start3A_454 = arith.constant 0 : i32
          %dma_start3A_455 = tpu.memref_slice %arg6[%dma_start3A_446, %dma_start3A_453, %dma_start3A_454] : memref<2x5x128xi32, #tpu.memory_space<vmem>> -> memref<1x5x128xi32, #tpu.memory_space<vmem>>
          %dma_start3A_456 = tpu.memref_squeeze %dma_start3A_455 : memref<1x5x128xi32, #tpu.memory_space<vmem>> -> memref<5x128xi32, #tpu.memory_space<vmem>>
          %dma_start3A_457 = arith.constant 0 : i32
          %dma_start3A_458 = tpu.memref_slice %dma_start3A_456[%dma_start3A_447, %dma_start3A_457] : memref<5x128xi32, #tpu.memory_space<vmem>> -> memref<1x128xi32, #tpu.memory_space<vmem>>
          %dma_start3A_459 = tpu.memref_squeeze %dma_start3A_458 : memref<1x128xi32, #tpu.memory_space<vmem>> -> memref<128xi32, #tpu.memory_space<vmem>>
          %dma_start3A_460 = arith.constant 0 : i32
          %dma_start3A_461 = arith.constant 0 : i32
          %dma_start3A_462 = tpu.memref_slice %arg2[%dma_start3A_460, %dma_start3A_461] : memref<102400x16xf32, #tpu.memory_space<hbm>> -> memref<102400x16xf32, #tpu.memory_space<hbm>>
          tpu.enqueue_indirect_dma source(%dma_start3A_462 : memref<102400x16xf32, #tpu.memory_space<hbm>>) target(%dma_start3A_452 : memref<128x16xf32, #tpu.memory_space<vmem>>) offsets(%dma_start3A_459 : memref<128xi32, #tpu.memory_space<vmem>>) semaphore(%arg11 : memref<!tpu.dma_semaphore, #tpu.memory_space<semaphore_mem>>)
        } else {
        }
        %dma_start3A_282 = arith.constant 0 : i32
        %dma_start3A_283 = arith.constant 0 : i32
        %dma_start3A_284 = arith.constant 0 : i32
        %dma_start3A_285 = arith.constant 0 : i32
        %dma_start3A_286 = arith.constant 0 : i32
        %dma_start3A_287 = tpu.memref_slice %arg9[%dma_start3A_282, %dma_start3A_285, %dma_start3A_286] : memref<5x128x16xf32, #tpu.memory_space<vmem>> -> memref<1x128x16xf32, #tpu.memory_space<vmem>>
        %dma_start3A_288 = tpu.memref_squeeze %dma_start3A_287 : memref<1x128x16xf32, #tpu.memory_space<vmem>> -> memref<128x16xf32, #tpu.memory_space<vmem>>
        %dma_start3A_289 = arith.constant 0 : i32
        %dma_start3A_290 = arith.constant 0 : i32
        %dma_start3A_291 = tpu.memref_slice %arg7[%dma_start3A_283, %dma_start3A_289, %dma_start3A_290] : memref<2x5x128xi32, #tpu.memory_space<vmem>> -> memref<1x5x128xi32, #tpu.memory_space<vmem>>
        %dma_start3A_292 = tpu.memref_squeeze %dma_start3A_291 : memref<1x5x128xi32, #tpu.memory_space<vmem>> -> memref<5x128xi32, #tpu.memory_space<vmem>>
        %dma_start3A_293 = arith.constant 0 : i32
        %dma_start3A_294 = tpu.memref_slice %dma_start3A_292[%dma_start3A_284, %dma_start3A_293] : memref<5x128xi32, #tpu.memory_space<vmem>> -> memref<1x128xi32, #tpu.memory_space<vmem>>
        %dma_start3A_295 = tpu.memref_squeeze %dma_start3A_294 : memref<1x128xi32, #tpu.memory_space<vmem>> -> memref<128xi32, #tpu.memory_space<vmem>>
        %dma_start3A_296 = arith.constant 0 : i32
        %dma_start3A_297 = arith.constant 0 : i32
        %dma_start3A_298 = tpu.memref_slice %arg10[%dma_start3A_296, %dma_start3A_297] : memref<102400x16xf32, #tpu.memory_space<vmem_shared>> -> memref<102400x16xf32, #tpu.memory_space<vmem_shared>>
        tpu.enqueue_indirect_dma source(%dma_start3A_288 : memref<128x16xf32, #tpu.memory_space<vmem>>) target(%dma_start3A_298 : memref<102400x16xf32, #tpu.memory_space<vmem_shared>>) offsets(%dma_start3A_295 : memref<128xi32, #tpu.memory_space<vmem>>) semaphore(%arg14 : memref<!tpu.dma_semaphore, #tpu.memory_space<semaphore_mem>>) {add = true}
        %dma_start3A_299 = arith.constant 1 : i32
        %dma_start3A_300 = arith.constant 0 : i32
        %dma_start3A_301 = arith.constant 1 : i32
        %dma_start3A_302 = arith.constant 0 : i32
        %dma_start3A_303 = arith.constant 0 : i32
        %dma_start3A_304 = tpu.memref_slice %arg9[%dma_start3A_299, %dma_start3A_302, %dma_start3A_303] : memref<5x128x16xf32, #tpu.memory_space<vmem>> -> memref<1x128x16xf32, #tpu.memory_space<vmem>>
        %dma_start3A_305 = tpu.memref_squeeze %dma_start3A_304 : memref<1x128x16xf32, #tpu.memory_space<vmem>> -> memref<128x16xf32, #tpu.memory_space<vmem>>
        %dma_start3A_306 = arith.constant 0 : i32
        %dma_start3A_307 = arith.constant 0 : i32
        %dma_start3A_308 = tpu.memref_slice %arg7[%dma_start3A_300, %dma_start3A_306, %dma_start3A_307] : memref<2x5x128xi32, #tpu.memory_space<vmem>> -> memref<1x5x128xi32, #tpu.memory_space<vmem>>
        %dma_start3A_309 = tpu.memref_squeeze %dma_start3A_308 : memref<1x5x128xi32, #tpu.memory_space<vmem>> -> memref<5x128xi32, #tpu.memory_space<vmem>>
        %dma_start3A_310 = arith.constant 0 : i32
        %dma_start3A_311 = tpu.memref_slice %dma_start3A_309[%dma_start3A_301, %dma_start3A_310] : memref<5x128xi32, #tpu.memory_space<vmem>> -> memref<1x128xi32, #tpu.memory_space<vmem>>
        %dma_start3A_312 = tpu.memref_squeeze %dma_start3A_311 : memref<1x128xi32, #tpu.memory_space<vmem>> -> memref<128xi32, #tpu.memory_space<vmem>>
        %dma_start3A_313 = arith.constant 0 : i32
        %dma_start3A_314 = arith.constant 0 : i32
        %dma_start3A_315 = tpu.memref_slice %arg10[%dma_start3A_313, %dma_start3A_314] : memref<102400x16xf32, #tpu.memory_space<vmem_shared>> -> memref<102400x16xf32, #tpu.memory_space<vmem_shared>>
        tpu.enqueue_indirect_dma source(%dma_start3A_305 : memref<128x16xf32, #tpu.memory_space<vmem>>) target(%dma_start3A_315 : memref<102400x16xf32, #tpu.memory_space<vmem_shared>>) offsets(%dma_start3A_312 : memref<128xi32, #tpu.memory_space<vmem>>) semaphore(%arg14 : memref<!tpu.dma_semaphore, #tpu.memory_space<semaphore_mem>>) {add = true}
        %dma_start3A_316 = arith.constant 2 : i32
        %dma_start3A_317 = arith.constant 0 : i32
        %dma_start3A_318 = arith.constant 2 : i32
        %dma_start3A_319 = arith.constant 0 : i32
        %dma_start3A_320 = arith.constant 0 : i32
        %dma_start3A_321 = tpu.memref_slice %arg9[%dma_start3A_316, %dma_start3A_319, %dma_start3A_320] : memref<5x128x16xf32, #tpu.memory_space<vmem>> -> memref<1x128x16xf32, #tpu.memory_space<vmem>>
        %dma_start3A_322 = tpu.memref_squeeze %dma_start3A_321 : memref<1x128x16xf32, #tpu.memory_space<vmem>> -> memref<128x16xf32, #tpu.memory_space<vmem>>
        %dma_start3A_323 = arith.constant 0 : i32
        %dma_start3A_324 = arith.constant 0 : i32
        %dma_start3A_325 = tpu.memref_slice %arg7[%dma_start3A_317, %dma_start3A_323, %dma_start3A_324] : memref<2x5x128xi32, #tpu.memory_space<vmem>> -> memref<1x5x128xi32, #tpu.memory_space<vmem>>
        %dma_start3A_326 = tpu.memref_squeeze %dma_start3A_325 : memref<1x5x128xi32, #tpu.memory_space<vmem>> -> memref<5x128xi32, #tpu.memory_space<vmem>>
        %dma_start3A_327 = arith.constant 0 : i32
        %dma_start3A_328 = tpu.memref_slice %dma_start3A_326[%dma_start3A_318, %dma_start3A_327] : memref<5x128xi32, #tpu.memory_space<vmem>> -> memref<1x128xi32, #tpu.memory_space<vmem>>
        %dma_start3A_329 = tpu.memref_squeeze %dma_start3A_328 : memref<1x128xi32, #tpu.memory_space<vmem>> -> memref<128xi32, #tpu.memory_space<vmem>>
        %dma_start3A_330 = arith.constant 0 : i32
        %dma_start3A_331 = arith.constant 0 : i32
        %dma_start3A_332 = tpu.memref_slice %arg10[%dma_start3A_330, %dma_start3A_331] : memref<102400x16xf32, #tpu.memory_space<vmem_shared>> -> memref<102400x16xf32, #tpu.memory_space<vmem_shared>>
        tpu.enqueue_indirect_dma source(%dma_start3A_322 : memref<128x16xf32, #tpu.memory_space<vmem>>) target(%dma_start3A_332 : memref<102400x16xf32, #tpu.memory_space<vmem_shared>>) offsets(%dma_start3A_329 : memref<128xi32, #tpu.memory_space<vmem>>) semaphore(%arg14 : memref<!tpu.dma_semaphore, #tpu.memory_space<semaphore_mem>>) {add = true}
        %dma_start3A_333 = arith.constant 3 : i32
        %dma_start3A_334 = arith.constant 0 : i32
        %dma_start3A_335 = arith.constant 3 : i32
        %dma_start3A_336 = arith.constant 0 : i32
        %dma_start3A_337 = arith.constant 0 : i32
        %dma_start3A_338 = tpu.memref_slice %arg9[%dma_start3A_333, %dma_start3A_336, %dma_start3A_337] : memref<5x128x16xf32, #tpu.memory_space<vmem>> -> memref<1x128x16xf32, #tpu.memory_space<vmem>>
        %dma_start3A_339 = tpu.memref_squeeze %dma_start3A_338 : memref<1x128x16xf32, #tpu.memory_space<vmem>> -> memref<128x16xf32, #tpu.memory_space<vmem>>
        %dma_start3A_340 = arith.constant 0 : i32
        %dma_start3A_341 = arith.constant 0 : i32
        %dma_start3A_342 = tpu.memref_slice %arg7[%dma_start3A_334, %dma_start3A_340, %dma_start3A_341] : memref<2x5x128xi32, #tpu.memory_space<vmem>> -> memref<1x5x128xi32, #tpu.memory_space<vmem>>
        %dma_start3A_343 = tpu.memref_squeeze %dma_start3A_342 : memref<1x5x128xi32, #tpu.memory_space<vmem>> -> memref<5x128xi32, #tpu.memory_space<vmem>>
        %dma_start3A_344 = arith.constant 0 : i32
        %dma_start3A_345 = tpu.memref_slice %dma_start3A_343[%dma_start3A_335, %dma_start3A_344] : memref<5x128xi32, #tpu.memory_space<vmem>> -> memref<1x128xi32, #tpu.memory_space<vmem>>
        %dma_start3A_346 = tpu.memref_squeeze %dma_start3A_345 : memref<1x128xi32, #tpu.memory_space<vmem>> -> memref<128xi32, #tpu.memory_space<vmem>>
        %dma_start3A_347 = arith.constant 0 : i32
        %dma_start3A_348 = arith.constant 0 : i32
        %dma_start3A_349 = tpu.memref_slice %arg10[%dma_start3A_347, %dma_start3A_348] : memref<102400x16xf32, #tpu.memory_space<vmem_shared>> -> memref<102400x16xf32, #tpu.memory_space<vmem_shared>>
        tpu.enqueue_indirect_dma source(%dma_start3A_339 : memref<128x16xf32, #tpu.memory_space<vmem>>) target(%dma_start3A_349 : memref<102400x16xf32, #tpu.memory_space<vmem_shared>>) offsets(%dma_start3A_346 : memref<128xi32, #tpu.memory_space<vmem>>) semaphore(%arg14 : memref<!tpu.dma_semaphore, #tpu.memory_space<semaphore_mem>>) {add = true}
        %dma_start3A_350 = arith.constant 4 : i32
        %dma_start3A_351 = arith.constant 0 : i32
        %dma_start3A_352 = arith.constant 4 : i32
        %dma_start3A_353 = arith.constant 0 : i32
        %dma_start3A_354 = arith.constant 0 : i32
        %dma_start3A_355 = tpu.memref_slice %arg9[%dma_start3A_350, %dma_start3A_353, %dma_start3A_354] : memref<5x128x16xf32, #tpu.memory_space<vmem>> -> memref<1x128x16xf32, #tpu.memory_space<vmem>>
        %dma_start3A_356 = tpu.memref_squeeze %dma_start3A_355 : memref<1x128x16xf32, #tpu.memory_space<vmem>> -> memref<128x16xf32, #tpu.memory_space<vmem>>
        %dma_start3A_357 = arith.constant 0 : i32
        %dma_start3A_358 = arith.constant 0 : i32
        %dma_start3A_359 = tpu.memref_slice %arg7[%dma_start3A_351, %dma_start3A_357, %dma_start3A_358] : memref<2x5x128xi32, #tpu.memory_space<vmem>> -> memref<1x5x128xi32, #tpu.memory_space<vmem>>
        %dma_start3A_360 = tpu.memref_squeeze %dma_start3A_359 : memref<1x5x128xi32, #tpu.memory_space<vmem>> -> memref<5x128xi32, #tpu.memory_space<vmem>>
        %dma_start3A_361 = arith.constant 0 : i32
        %dma_start3A_362 = tpu.memref_slice %dma_start3A_360[%dma_start3A_352, %dma_start3A_361] : memref<5x128xi32, #tpu.memory_space<vmem>> -> memref<1x128xi32, #tpu.memory_space<vmem>>
        %dma_start3A_363 = tpu.memref_squeeze %dma_start3A_362 : memref<1x128xi32, #tpu.memory_space<vmem>> -> memref<128xi32, #tpu.memory_space<vmem>>
        %dma_start3A_364 = arith.constant 0 : i32
        %dma_start3A_365 = arith.constant 0 : i32
        %dma_start3A_366 = tpu.memref_slice %arg10[%dma_start3A_364, %dma_start3A_365] : memref<102400x16xf32, #tpu.memory_space<vmem_shared>> -> memref<102400x16xf32, #tpu.memory_space<vmem_shared>>
        tpu.enqueue_indirect_dma source(%dma_start3A_356 : memref<128x16xf32, #tpu.memory_space<vmem>>) target(%dma_start3A_366 : memref<102400x16xf32, #tpu.memory_space<vmem_shared>>) offsets(%dma_start3A_363 : memref<128xi32, #tpu.memory_space<vmem>>) semaphore(%arg14 : memref<!tpu.dma_semaphore, #tpu.memory_space<semaphore_mem>>) {add = true}
      } else {
      }
    }
    %sub3A_126 = arith.constant 1 : i32
    %sub3A_127 = arith.subi %select_n3A, %sub3A_126 : i32
    %jit3A_128 = arith.constant 2 : i32
    %eq3A_129 = arith.constant 0 : i32
    %eq3A_130 = arith.cmpi eq, %jit3A_128, %eq3A_129 : i32
    %jit3A_131 = arith.constant 1 : i32
    %select_n3A_132 = arith.select %eq3A_130, %jit3A_131, %jit3A_128 : i32
    %rem3A = arith.remsi %sub3A_127, %select_n3A_132 : i32
    %ne3A = arith.constant 0 : i32
    %ne3A_133 = arith.cmpi ne, %rem3A, %ne3A : i32
    %lt3A = arith.constant 0 : i32
    %lt3A_134 = arith.cmpi slt, %rem3A, %lt3A : i32
    %lt3A_135 = arith.constant 0 : i32
    %lt3A_136 = arith.cmpi slt, %select_n3A_132, %lt3A_135 : i32
    %ne3A_137 = arith.xori %lt3A_134, %lt3A_136 : i1
    %and3A = arith.andi %ne3A_137, %ne3A_133 : i1
    %add3A_138 = arith.addi %rem3A, %select_n3A_132 : i32
    %select_n3A_139 = arith.select %and3A, %add3A_138, %rem3A : i32
    %eq3A_140 = arith.constant 0 : i32
    %eq3A_141 = arith.cmpi eq, %select_n3A_139, %eq3A_140 : i32
    %convert_element_type3A = arith.extui %eq3A_141 : i1 to i32
    %cond3A = arith.constant 0 : i32
    %cond3A_142 = arith.cmpi ne, %convert_element_type3A, %cond3A : i32
    scf.if %cond3A_142 {
      %dma_wait3A_152 = arith.constant 0 : i32
      %dma_wait3A_153 = arith.constant 0 : i32
      %dma_wait3A_154 = arith.constant 0 : i32
      %dma_wait3A_155 = arith.constant 0 : i32
      %dma_wait3A_156 = arith.constant 0 : i32
      %dma_wait3A_157 = tpu.memref_slice %arg8[%dma_wait3A_152, %dma_wait3A_155, %dma_wait3A_156] : memref<5x128x16xf32, #tpu.memory_space<vmem>> -> memref<1x128x16xf32, #tpu.memory_space<vmem>>
      %dma_wait3A_158 = tpu.memref_squeeze %dma_wait3A_157 : memref<1x128x16xf32, #tpu.memory_space<vmem>> -> memref<128x16xf32, #tpu.memory_space<vmem>>
      %dma_wait3A_159 = arith.constant 0 : i32
      %dma_wait3A_160 = arith.constant 0 : i32
      %dma_wait3A_161 = tpu.memref_slice %arg6[%dma_wait3A_153, %dma_wait3A_159, %dma_wait3A_160] : memref<2x5x128xi32, #tpu.memory_space<vmem>> -> memref<1x5x128xi32, #tpu.memory_space<vmem>>
      %dma_wait3A_162 = tpu.memref_squeeze %dma_wait3A_161 : memref<1x5x128xi32, #tpu.memory_space<vmem>> -> memref<5x128xi32, #tpu.memory_space<vmem>>
      %dma_wait3A_163 = arith.constant 0 : i32
      %dma_wait3A_164 = tpu.memref_slice %dma_wait3A_162[%dma_wait3A_154, %dma_wait3A_163] : memref<5x128xi32, #tpu.memory_space<vmem>> -> memref<1x128xi32, #tpu.memory_space<vmem>>
      %dma_wait3A_165 = tpu.memref_squeeze %dma_wait3A_164 : memref<1x128xi32, #tpu.memory_space<vmem>> -> memref<128xi32, #tpu.memory_space<vmem>>
      %dma_wait3A_166 = arith.constant 0 : i32
      %dma_wait3A_167 = arith.constant 0 : i32
      %dma_wait3A_168 = tpu.memref_slice %arg10[%dma_wait3A_166, %dma_wait3A_167] : memref<102400x16xf32, #tpu.memory_space<vmem_shared>> -> memref<102400x16xf32, #tpu.memory_space<vmem_shared>>
      tpu.wait_indirect_dma semaphore(%arg13 : memref<!tpu.dma_semaphore, #tpu.memory_space<semaphore_mem>>) src(%dma_wait3A_158 : memref<128x16xf32, #tpu.memory_space<vmem>>) dst(%dma_wait3A_168 : memref<102400x16xf32, #tpu.memory_space<vmem_shared>>)
      %dma_wait3A_169 = arith.constant 1 : i32
      %dma_wait3A_170 = arith.constant 0 : i32
      %dma_wait3A_171 = arith.constant 1 : i32
      %dma_wait3A_172 = arith.constant 0 : i32
      %dma_wait3A_173 = arith.constant 0 : i32
      %dma_wait3A_174 = tpu.memref_slice %arg8[%dma_wait3A_169, %dma_wait3A_172, %dma_wait3A_173] : memref<5x128x16xf32, #tpu.memory_space<vmem>> -> memref<1x128x16xf32, #tpu.memory_space<vmem>>
      %dma_wait3A_175 = tpu.memref_squeeze %dma_wait3A_174 : memref<1x128x16xf32, #tpu.memory_space<vmem>> -> memref<128x16xf32, #tpu.memory_space<vmem>>
      %dma_wait3A_176 = arith.constant 0 : i32
      %dma_wait3A_177 = arith.constant 0 : i32
      %dma_wait3A_178 = tpu.memref_slice %arg6[%dma_wait3A_170, %dma_wait3A_176, %dma_wait3A_177] : memref<2x5x128xi32, #tpu.memory_space<vmem>> -> memref<1x5x128xi32, #tpu.memory_space<vmem>>
      %dma_wait3A_179 = tpu.memref_squeeze %dma_wait3A_178 : memref<1x5x128xi32, #tpu.memory_space<vmem>> -> memref<5x128xi32, #tpu.memory_space<vmem>>
      %dma_wait3A_180 = arith.constant 0 : i32
      %dma_wait3A_181 = tpu.memref_slice %dma_wait3A_179[%dma_wait3A_171, %dma_wait3A_180] : memref<5x128xi32, #tpu.memory_space<vmem>> -> memref<1x128xi32, #tpu.memory_space<vmem>>
      %dma_wait3A_182 = tpu.memref_squeeze %dma_wait3A_181 : memref<1x128xi32, #tpu.memory_space<vmem>> -> memref<128xi32, #tpu.memory_space<vmem>>
      %dma_wait3A_183 = arith.constant 0 : i32
      %dma_wait3A_184 = arith.constant 0 : i32
      %dma_wait3A_185 = tpu.memref_slice %arg10[%dma_wait3A_183, %dma_wait3A_184] : memref<102400x16xf32, #tpu.memory_space<vmem_shared>> -> memref<102400x16xf32, #tpu.memory_space<vmem_shared>>
      tpu.wait_indirect_dma semaphore(%arg13 : memref<!tpu.dma_semaphore, #tpu.memory_space<semaphore_mem>>) src(%dma_wait3A_175 : memref<128x16xf32, #tpu.memory_space<vmem>>) dst(%dma_wait3A_185 : memref<102400x16xf32, #tpu.memory_space<vmem_shared>>)
      %dma_wait3A_186 = arith.constant 2 : i32
      %dma_wait3A_187 = arith.constant 0 : i32
      %dma_wait3A_188 = arith.constant 2 : i32
      %dma_wait3A_189 = arith.constant 0 : i32
      %dma_wait3A_190 = arith.constant 0 : i32
      %dma_wait3A_191 = tpu.memref_slice %arg8[%dma_wait3A_186, %dma_wait3A_189, %dma_wait3A_190] : memref<5x128x16xf32, #tpu.memory_space<vmem>> -> memref<1x128x16xf32, #tpu.memory_space<vmem>>
      %dma_wait3A_192 = tpu.memref_squeeze %dma_wait3A_191 : memref<1x128x16xf32, #tpu.memory_space<vmem>> -> memref<128x16xf32, #tpu.memory_space<vmem>>
      %dma_wait3A_193 = arith.constant 0 : i32
      %dma_wait3A_194 = arith.constant 0 : i32
      %dma_wait3A_195 = tpu.memref_slice %arg6[%dma_wait3A_187, %dma_wait3A_193, %dma_wait3A_194] : memref<2x5x128xi32, #tpu.memory_space<vmem>> -> memref<1x5x128xi32, #tpu.memory_space<vmem>>
      %dma_wait3A_196 = tpu.memref_squeeze %dma_wait3A_195 : memref<1x5x128xi32, #tpu.memory_space<vmem>> -> memref<5x128xi32, #tpu.memory_space<vmem>>
      %dma_wait3A_197 = arith.constant 0 : i32
      %dma_wait3A_198 = tpu.memref_slice %dma_wait3A_196[%dma_wait3A_188, %dma_wait3A_197] : memref<5x128xi32, #tpu.memory_space<vmem>> -> memref<1x128xi32, #tpu.memory_space<vmem>>
      %dma_wait3A_199 = tpu.memref_squeeze %dma_wait3A_198 : memref<1x128xi32, #tpu.memory_space<vmem>> -> memref<128xi32, #tpu.memory_space<vmem>>
      %dma_wait3A_200 = arith.constant 0 : i32
      %dma_wait3A_201 = arith.constant 0 : i32
      %dma_wait3A_202 = tpu.memref_slice %arg10[%dma_wait3A_200, %dma_wait3A_201] : memref<102400x16xf32, #tpu.memory_space<vmem_shared>> -> memref<102400x16xf32, #tpu.memory_space<vmem_shared>>
      tpu.wait_indirect_dma semaphore(%arg13 : memref<!tpu.dma_semaphore, #tpu.memory_space<semaphore_mem>>) src(%dma_wait3A_192 : memref<128x16xf32, #tpu.memory_space<vmem>>) dst(%dma_wait3A_202 : memref<102400x16xf32, #tpu.memory_space<vmem_shared>>)
      %dma_wait3A_203 = arith.constant 3 : i32
      %dma_wait3A_204 = arith.constant 0 : i32
      %dma_wait3A_205 = arith.constant 3 : i32
      %dma_wait3A_206 = arith.constant 0 : i32
      %dma_wait3A_207 = arith.constant 0 : i32
      %dma_wait3A_208 = tpu.memref_slice %arg8[%dma_wait3A_203, %dma_wait3A_206, %dma_wait3A_207] : memref<5x128x16xf32, #tpu.memory_space<vmem>> -> memref<1x128x16xf32, #tpu.memory_space<vmem>>
      %dma_wait3A_209 = tpu.memref_squeeze %dma_wait3A_208 : memref<1x128x16xf32, #tpu.memory_space<vmem>> -> memref<128x16xf32, #tpu.memory_space<vmem>>
      %dma_wait3A_210 = arith.constant 0 : i32
      %dma_wait3A_211 = arith.constant 0 : i32
      %dma_wait3A_212 = tpu.memref_slice %arg6[%dma_wait3A_204, %dma_wait3A_210, %dma_wait3A_211] : memref<2x5x128xi32, #tpu.memory_space<vmem>> -> memref<1x5x128xi32, #tpu.memory_space<vmem>>
      %dma_wait3A_213 = tpu.memref_squeeze %dma_wait3A_212 : memref<1x5x128xi32, #tpu.memory_space<vmem>> -> memref<5x128xi32, #tpu.memory_space<vmem>>
      %dma_wait3A_214 = arith.constant 0 : i32
      %dma_wait3A_215 = tpu.memref_slice %dma_wait3A_213[%dma_wait3A_205, %dma_wait3A_214] : memref<5x128xi32, #tpu.memory_space<vmem>> -> memref<1x128xi32, #tpu.memory_space<vmem>>
      %dma_wait3A_216 = tpu.memref_squeeze %dma_wait3A_215 : memref<1x128xi32, #tpu.memory_space<vmem>> -> memref<128xi32, #tpu.memory_space<vmem>>
      %dma_wait3A_217 = arith.constant 0 : i32
      %dma_wait3A_218 = arith.constant 0 : i32
      %dma_wait3A_219 = tpu.memref_slice %arg10[%dma_wait3A_217, %dma_wait3A_218] : memref<102400x16xf32, #tpu.memory_space<vmem_shared>> -> memref<102400x16xf32, #tpu.memory_space<vmem_shared>>
      tpu.wait_indirect_dma semaphore(%arg13 : memref<!tpu.dma_semaphore, #tpu.memory_space<semaphore_mem>>) src(%dma_wait3A_209 : memref<128x16xf32, #tpu.memory_space<vmem>>) dst(%dma_wait3A_219 : memref<102400x16xf32, #tpu.memory_space<vmem_shared>>)
      %dma_wait3A_220 = arith.constant 4 : i32
      %dma_wait3A_221 = arith.constant 0 : i32
      %dma_wait3A_222 = arith.constant 4 : i32
      %dma_wait3A_223 = arith.constant 0 : i32
      %dma_wait3A_224 = arith.constant 0 : i32
      %dma_wait3A_225 = tpu.memref_slice %arg8[%dma_wait3A_220, %dma_wait3A_223, %dma_wait3A_224] : memref<5x128x16xf32, #tpu.memory_space<vmem>> -> memref<1x128x16xf32, #tpu.memory_space<vmem>>
      %dma_wait3A_226 = tpu.memref_squeeze %dma_wait3A_225 : memref<1x128x16xf32, #tpu.memory_space<vmem>> -> memref<128x16xf32, #tpu.memory_space<vmem>>
      %dma_wait3A_227 = arith.constant 0 : i32
      %dma_wait3A_228 = arith.constant 0 : i32
      %dma_wait3A_229 = tpu.memref_slice %arg6[%dma_wait3A_221, %dma_wait3A_227, %dma_wait3A_228] : memref<2x5x128xi32, #tpu.memory_space<vmem>> -> memref<1x5x128xi32, #tpu.memory_space<vmem>>
      %dma_wait3A_230 = tpu.memref_squeeze %dma_wait3A_229 : memref<1x5x128xi32, #tpu.memory_space<vmem>> -> memref<5x128xi32, #tpu.memory_space<vmem>>
      %dma_wait3A_231 = arith.constant 0 : i32
      %dma_wait3A_232 = tpu.memref_slice %dma_wait3A_230[%dma_wait3A_222, %dma_wait3A_231] : memref<5x128xi32, #tpu.memory_space<vmem>> -> memref<1x128xi32, #tpu.memory_space<vmem>>
      %dma_wait3A_233 = tpu.memref_squeeze %dma_wait3A_232 : memref<1x128xi32, #tpu.memory_space<vmem>> -> memref<128xi32, #tpu.memory_space<vmem>>
      %dma_wait3A_234 = arith.constant 0 : i32
      %dma_wait3A_235 = arith.constant 0 : i32
      %dma_wait3A_236 = tpu.memref_slice %arg10[%dma_wait3A_234, %dma_wait3A_235] : memref<102400x16xf32, #tpu.memory_space<vmem_shared>> -> memref<102400x16xf32, #tpu.memory_space<vmem_shared>>
      tpu.wait_indirect_dma semaphore(%arg13 : memref<!tpu.dma_semaphore, #tpu.memory_space<semaphore_mem>>) src(%dma_wait3A_226 : memref<128x16xf32, #tpu.memory_space<vmem>>) dst(%dma_wait3A_236 : memref<102400x16xf32, #tpu.memory_space<vmem_shared>>)
    } else {
    }
    %not3A = arith.constant true
    %not3A_143 = arith.xori %eq3A_141, %not3A : i1
    %convert_element_type3A_144 = arith.extui %not3A_143 : i1 to i32
    %cond3A_145 = arith.constant 0 : i32
    %cond3A_146 = arith.cmpi ne, %convert_element_type3A_144, %cond3A_145 : i32
    scf.if %cond3A_146 {
      %dma_wait3A_152 = arith.constant 0 : i32
      %dma_wait3A_153 = arith.constant 0 : i32
      %dma_wait3A_154 = arith.constant 0 : i32
      %dma_wait3A_155 = arith.constant 0 : i32
      %dma_wait3A_156 = arith.constant 0 : i32
      %dma_wait3A_157 = tpu.memref_slice %arg9[%dma_wait3A_152, %dma_wait3A_155, %dma_wait3A_156] : memref<5x128x16xf32, #tpu.memory_space<vmem>> -> memref<1x128x16xf32, #tpu.memory_space<vmem>>
      %dma_wait3A_158 = tpu.memref_squeeze %dma_wait3A_157 : memref<1x128x16xf32, #tpu.memory_space<vmem>> -> memref<128x16xf32, #tpu.memory_space<vmem>>
      %dma_wait3A_159 = arith.constant 0 : i32
      %dma_wait3A_160 = arith.constant 0 : i32
      %dma_wait3A_161 = tpu.memref_slice %arg7[%dma_wait3A_153, %dma_wait3A_159, %dma_wait3A_160] : memref<2x5x128xi32, #tpu.memory_space<vmem>> -> memref<1x5x128xi32, #tpu.memory_space<vmem>>
      %dma_wait3A_162 = tpu.memref_squeeze %dma_wait3A_161 : memref<1x5x128xi32, #tpu.memory_space<vmem>> -> memref<5x128xi32, #tpu.memory_space<vmem>>
      %dma_wait3A_163 = arith.constant 0 : i32
      %dma_wait3A_164 = tpu.memref_slice %dma_wait3A_162[%dma_wait3A_154, %dma_wait3A_163] : memref<5x128xi32, #tpu.memory_space<vmem>> -> memref<1x128xi32, #tpu.memory_space<vmem>>
      %dma_wait3A_165 = tpu.memref_squeeze %dma_wait3A_164 : memref<1x128xi32, #tpu.memory_space<vmem>> -> memref<128xi32, #tpu.memory_space<vmem>>
      %dma_wait3A_166 = arith.constant 0 : i32
      %dma_wait3A_167 = arith.constant 0 : i32
      %dma_wait3A_168 = tpu.memref_slice %arg10[%dma_wait3A_166, %dma_wait3A_167] : memref<102400x16xf32, #tpu.memory_space<vmem_shared>> -> memref<102400x16xf32, #tpu.memory_space<vmem_shared>>
      tpu.wait_indirect_dma semaphore(%arg14 : memref<!tpu.dma_semaphore, #tpu.memory_space<semaphore_mem>>) src(%dma_wait3A_158 : memref<128x16xf32, #tpu.memory_space<vmem>>) dst(%dma_wait3A_168 : memref<102400x16xf32, #tpu.memory_space<vmem_shared>>)
      %dma_wait3A_169 = arith.constant 1 : i32
      %dma_wait3A_170 = arith.constant 0 : i32
      %dma_wait3A_171 = arith.constant 1 : i32
      %dma_wait3A_172 = arith.constant 0 : i32
      %dma_wait3A_173 = arith.constant 0 : i32
      %dma_wait3A_174 = tpu.memref_slice %arg9[%dma_wait3A_169, %dma_wait3A_172, %dma_wait3A_173] : memref<5x128x16xf32, #tpu.memory_space<vmem>> -> memref<1x128x16xf32, #tpu.memory_space<vmem>>
      %dma_wait3A_175 = tpu.memref_squeeze %dma_wait3A_174 : memref<1x128x16xf32, #tpu.memory_space<vmem>> -> memref<128x16xf32, #tpu.memory_space<vmem>>
      %dma_wait3A_176 = arith.constant 0 : i32
      %dma_wait3A_177 = arith.constant 0 : i32
      %dma_wait3A_178 = tpu.memref_slice %arg7[%dma_wait3A_170, %dma_wait3A_176, %dma_wait3A_177] : memref<2x5x128xi32, #tpu.memory_space<vmem>> -> memref<1x5x128xi32, #tpu.memory_space<vmem>>
      %dma_wait3A_179 = tpu.memref_squeeze %dma_wait3A_178 : memref<1x5x128xi32, #tpu.memory_space<vmem>> -> memref<5x128xi32, #tpu.memory_space<vmem>>
      %dma_wait3A_180 = arith.constant 0 : i32
      %dma_wait3A_181 = tpu.memref_slice %dma_wait3A_179[%dma_wait3A_171, %dma_wait3A_180] : memref<5x128xi32, #tpu.memory_space<vmem>> -> memref<1x128xi32, #tpu.memory_space<vmem>>
      %dma_wait3A_182 = tpu.memref_squeeze %dma_wait3A_181 : memref<1x128xi32, #tpu.memory_space<vmem>> -> memref<128xi32, #tpu.memory_space<vmem>>
      %dma_wait3A_183 = arith.constant 0 : i32
      %dma_wait3A_184 = arith.constant 0 : i32
      %dma_wait3A_185 = tpu.memref_slice %arg10[%dma_wait3A_183, %dma_wait3A_184] : memref<102400x16xf32, #tpu.memory_space<vmem_shared>> -> memref<102400x16xf32, #tpu.memory_space<vmem_shared>>
      tpu.wait_indirect_dma semaphore(%arg14 : memref<!tpu.dma_semaphore, #tpu.memory_space<semaphore_mem>>) src(%dma_wait3A_175 : memref<128x16xf32, #tpu.memory_space<vmem>>) dst(%dma_wait3A_185 : memref<102400x16xf32, #tpu.memory_space<vmem_shared>>)
      %dma_wait3A_186 = arith.constant 2 : i32
      %dma_wait3A_187 = arith.constant 0 : i32
      %dma_wait3A_188 = arith.constant 2 : i32
      %dma_wait3A_189 = arith.constant 0 : i32
      %dma_wait3A_190 = arith.constant 0 : i32
      %dma_wait3A_191 = tpu.memref_slice %arg9[%dma_wait3A_186, %dma_wait3A_189, %dma_wait3A_190] : memref<5x128x16xf32, #tpu.memory_space<vmem>> -> memref<1x128x16xf32, #tpu.memory_space<vmem>>
      %dma_wait3A_192 = tpu.memref_squeeze %dma_wait3A_191 : memref<1x128x16xf32, #tpu.memory_space<vmem>> -> memref<128x16xf32, #tpu.memory_space<vmem>>
      %dma_wait3A_193 = arith.constant 0 : i32
      %dma_wait3A_194 = arith.constant 0 : i32
      %dma_wait3A_195 = tpu.memref_slice %arg7[%dma_wait3A_187, %dma_wait3A_193, %dma_wait3A_194] : memref<2x5x128xi32, #tpu.memory_space<vmem>> -> memref<1x5x128xi32, #tpu.memory_space<vmem>>
      %dma_wait3A_196 = tpu.memref_squeeze %dma_wait3A_195 : memref<1x5x128xi32, #tpu.memory_space<vmem>> -> memref<5x128xi32, #tpu.memory_space<vmem>>
      %dma_wait3A_197 = arith.constant 0 : i32
      %dma_wait3A_198 = tpu.memref_slice %dma_wait3A_196[%dma_wait3A_188, %dma_wait3A_197] : memref<5x128xi32, #tpu.memory_space<vmem>> -> memref<1x128xi32, #tpu.memory_space<vmem>>
      %dma_wait3A_199 = tpu.memref_squeeze %dma_wait3A_198 : memref<1x128xi32, #tpu.memory_space<vmem>> -> memref<128xi32, #tpu.memory_space<vmem>>
      %dma_wait3A_200 = arith.constant 0 : i32
      %dma_wait3A_201 = arith.constant 0 : i32
      %dma_wait3A_202 = tpu.memref_slice %arg10[%dma_wait3A_200, %dma_wait3A_201] : memref<102400x16xf32, #tpu.memory_space<vmem_shared>> -> memref<102400x16xf32, #tpu.memory_space<vmem_shared>>
      tpu.wait_indirect_dma semaphore(%arg14 : memref<!tpu.dma_semaphore, #tpu.memory_space<semaphore_mem>>) src(%dma_wait3A_192 : memref<128x16xf32, #tpu.memory_space<vmem>>) dst(%dma_wait3A_202 : memref<102400x16xf32, #tpu.memory_space<vmem_shared>>)
      %dma_wait3A_203 = arith.constant 3 : i32
      %dma_wait3A_204 = arith.constant 0 : i32
      %dma_wait3A_205 = arith.constant 3 : i32
      %dma_wait3A_206 = arith.constant 0 : i32
      %dma_wait3A_207 = arith.constant 0 : i32
      %dma_wait3A_208 = tpu.memref_slice %arg9[%dma_wait3A_203, %dma_wait3A_206, %dma_wait3A_207] : memref<5x128x16xf32, #tpu.memory_space<vmem>> -> memref<1x128x16xf32, #tpu.memory_space<vmem>>
      %dma_wait3A_209 = tpu.memref_squeeze %dma_wait3A_208 : memref<1x128x16xf32, #tpu.memory_space<vmem>> -> memref<128x16xf32, #tpu.memory_space<vmem>>
      %dma_wait3A_210 = arith.constant 0 : i32
      %dma_wait3A_211 = arith.constant 0 : i32
      %dma_wait3A_212 = tpu.memref_slice %arg7[%dma_wait3A_204, %dma_wait3A_210, %dma_wait3A_211] : memref<2x5x128xi32, #tpu.memory_space<vmem>> -> memref<1x5x128xi32, #tpu.memory_space<vmem>>
      %dma_wait3A_213 = tpu.memref_squeeze %dma_wait3A_212 : memref<1x5x128xi32, #tpu.memory_space<vmem>> -> memref<5x128xi32, #tpu.memory_space<vmem>>
      %dma_wait3A_214 = arith.constant 0 : i32
      %dma_wait3A_215 = tpu.memref_slice %dma_wait3A_213[%dma_wait3A_205, %dma_wait3A_214] : memref<5x128xi32, #tpu.memory_space<vmem>> -> memref<1x128xi32, #tpu.memory_space<vmem>>
      %dma_wait3A_216 = tpu.memref_squeeze %dma_wait3A_215 : memref<1x128xi32, #tpu.memory_space<vmem>> -> memref<128xi32, #tpu.memory_space<vmem>>
      %dma_wait3A_217 = arith.constant 0 : i32
      %dma_wait3A_218 = arith.constant 0 : i32
      %dma_wait3A_219 = tpu.memref_slice %arg10[%dma_wait3A_217, %dma_wait3A_218] : memref<102400x16xf32, #tpu.memory_space<vmem_shared>> -> memref<102400x16xf32, #tpu.memory_space<vmem_shared>>
      tpu.wait_indirect_dma semaphore(%arg14 : memref<!tpu.dma_semaphore, #tpu.memory_space<semaphore_mem>>) src(%dma_wait3A_209 : memref<128x16xf32, #tpu.memory_space<vmem>>) dst(%dma_wait3A_219 : memref<102400x16xf32, #tpu.memory_space<vmem_shared>>)
      %dma_wait3A_220 = arith.constant 4 : i32
      %dma_wait3A_221 = arith.constant 0 : i32
      %dma_wait3A_222 = arith.constant 4 : i32
      %dma_wait3A_223 = arith.constant 0 : i32
      %dma_wait3A_224 = arith.constant 0 : i32
      %dma_wait3A_225 = tpu.memref_slice %arg9[%dma_wait3A_220, %dma_wait3A_223, %dma_wait3A_224] : memref<5x128x16xf32, #tpu.memory_space<vmem>> -> memref<1x128x16xf32, #tpu.memory_space<vmem>>
      %dma_wait3A_226 = tpu.memref_squeeze %dma_wait3A_225 : memref<1x128x16xf32, #tpu.memory_space<vmem>> -> memref<128x16xf32, #tpu.memory_space<vmem>>
      %dma_wait3A_227 = arith.constant 0 : i32
      %dma_wait3A_228 = arith.constant 0 : i32
      %dma_wait3A_229 = tpu.memref_slice %arg7[%dma_wait3A_221, %dma_wait3A_227, %dma_wait3A_228] : memref<2x5x128xi32, #tpu.memory_space<vmem>> -> memref<1x5x128xi32, #tpu.memory_space<vmem>>
      %dma_wait3A_230 = tpu.memref_squeeze %dma_wait3A_229 : memref<1x5x128xi32, #tpu.memory_space<vmem>> -> memref<5x128xi32, #tpu.memory_space<vmem>>
      %dma_wait3A_231 = arith.constant 0 : i32
      %dma_wait3A_232 = tpu.memref_slice %dma_wait3A_230[%dma_wait3A_222, %dma_wait3A_231] : memref<5x128xi32, #tpu.memory_space<vmem>> -> memref<1x128xi32, #tpu.memory_space<vmem>>
      %dma_wait3A_233 = tpu.memref_squeeze %dma_wait3A_232 : memref<1x128xi32, #tpu.memory_space<vmem>> -> memref<128xi32, #tpu.memory_space<vmem>>
      %dma_wait3A_234 = arith.constant 0 : i32
      %dma_wait3A_235 = arith.constant 0 : i32
      %dma_wait3A_236 = tpu.memref_slice %arg10[%dma_wait3A_234, %dma_wait3A_235] : memref<102400x16xf32, #tpu.memory_space<vmem_shared>> -> memref<102400x16xf32, #tpu.memory_space<vmem_shared>>
      tpu.wait_indirect_dma semaphore(%arg14 : memref<!tpu.dma_semaphore, #tpu.memory_space<semaphore_mem>>) src(%dma_wait3A_226 : memref<128x16xf32, #tpu.memory_space<vmem>>) dst(%dma_wait3A_236 : memref<102400x16xf32, #tpu.memory_space<vmem_shared>>)
    } else {
    }
    %barrier3A_147 = arith.constant 0 : index
    tpu.barrier barrier_id(%barrier3A_147)
    %mul3A_148 = arith.constant 6400 : i32
    %mul3A_149 = arith.muli %arg1, %mul3A_148 : i32
    %mul3A_150 = arith.constant 6400 : i32
    %mul3A_151 = arith.muli %arg1, %mul3A_150 : i32
    "tpu.region"() ({
      %run_scoped3A = tpu.sem_alloc : memref<!tpu.dma_semaphore, #tpu.memory_space<semaphore_mem>>
      %dma_start3A_152 = arith.constant 0 : i32
      %dma_start3A_153 = arith.constant 0 : i32
      %dma_start3A_154 = tpu.memref_slice %arg5[%arg0, %dma_start3A_152, %dma_start3A_153] : memref<2x102400x16xf32, #tpu.memory_space<hbm>> -> memref<1x102400x16xf32, #tpu.memory_space<hbm>>
      %dma_start3A_155 = tpu.memref_squeeze %dma_start3A_154 : memref<1x102400x16xf32, #tpu.memory_space<hbm>> -> memref<102400x16xf32, #tpu.memory_space<hbm>>
      %dma_start3A_156 = arith.constant 0 : i32
      %dma_start3A_157 = tpu.memref_slice %dma_start3A_155[%mul3A_151, %dma_start3A_156] : memref<102400x16xf32, #tpu.memory_space<hbm>> -> memref<6400x16xf32, #tpu.memory_space<hbm>>
      %dma_start3A_158 = arith.constant 0 : i32
      %dma_start3A_159 = tpu.memref_slice %arg10[%mul3A_149, %dma_start3A_158] : memref<102400x16xf32, #tpu.memory_space<vmem_shared>> -> memref<6400x16xf32, #tpu.memory_space<vmem_shared>>
      tpu.enqueue_dma source(%dma_start3A_159 : memref<6400x16xf32, #tpu.memory_space<vmem_shared>>) target(%dma_start3A_157 : memref<6400x16xf32, #tpu.memory_space<hbm>>) target_semaphore(%run_scoped3A : memref<!tpu.dma_semaphore, #tpu.memory_space<semaphore_mem>>)
      %dma_wait3A_160 = arith.constant 0 : i32
      %dma_wait3A_161 = arith.constant 0 : i32
      %dma_wait3A_162 = tpu.memref_slice %arg5[%arg0, %dma_wait3A_160, %dma_wait3A_161] : memref<2x102400x16xf32, #tpu.memory_space<hbm>> -> memref<1x102400x16xf32, #tpu.memory_space<hbm>>
      %dma_wait3A_163 = tpu.memref_squeeze %dma_wait3A_162 : memref<1x102400x16xf32, #tpu.memory_space<hbm>> -> memref<102400x16xf32, #tpu.memory_space<hbm>>
      %dma_wait3A_164 = arith.constant 0 : i32
      %dma_wait3A_165 = tpu.memref_slice %dma_wait3A_163[%mul3A_151, %dma_wait3A_164] : memref<102400x16xf32, #tpu.memory_space<hbm>> -> memref<6400x16xf32, #tpu.memory_space<hbm>>
      %dma_wait3A_166 = arith.constant 0 : i32
      %dma_wait3A_167 = tpu.memref_slice %arg10[%mul3A_149, %dma_wait3A_166] : memref<102400x16xf32, #tpu.memory_space<vmem_shared>> -> memref<6400x16xf32, #tpu.memory_space<vmem_shared>>
      tpu.wait_dma2 semaphore(%run_scoped3A : memref<!tpu.dma_semaphore, #tpu.memory_space<semaphore_mem>>) src(%dma_wait3A_167 : memref<6400x16xf32, #tpu.memory_space<vmem_shared>>) dst(%dma_wait3A_165 : memref<6400x16xf32, #tpu.memory_space<hbm>>)
      tpu.yield
    }) : () -> ()
    return
  }
}

module attributes {stable_mosaic.version = 14 : i64} {
  func.func @_mlp_body(%arg0: i32, %arg1: memref<2x256x128xf32, #tpu.memory_space<vmem>>, %arg2: memref<256x128xf32, #tpu.memory_space<vmem>>, %arg3: memref<128x1024xf32, #tpu.memory_space<vmem>>, %arg4: memref<128x128xf32, #tpu.memory_space<vmem>>, %arg5: memref<1x1024xf32, #tpu.memory_space<vmem>>, %arg6: memref<128x128xf32, #tpu.memory_space<vmem>>, %arg7: memref<1x128xf32, #tpu.memory_space<vmem>>, %arg8: memref<128x128xf32, #tpu.memory_space<vmem>>, %arg9: memref<1x128xf32, #tpu.memory_space<vmem>>, %arg10: memref<1x128xf32, #tpu.memory_space<vmem>>, %arg11: memref<1x1xf32, #tpu.memory_space<vmem>>, %arg12: memref<1x1xf32, #tpu.memory_space<vmem>>, %arg13: memref<1x128xf32, #tpu.memory_space<vmem>>) attributes {dimension_semantics = [#tpu.dimension_semantics<arbitrary>], iteration_bounds = array<i64: 50>, scalar_prefetch = 0 : i64, scratch_operands = 1 : i64, tpu.core_type = #tpu.core_type<tc>, window_params = [{transform_indices = @transform_0, window_bounds = array<i64: 2, 256, 128>}, {transform_indices = @transform_1, window_bounds = array<i64: 256, 128>}, {pipeline_mode = #tpu.pipeline_mode<synchronous>, transform_indices = @transform_2, window_bounds = array<i64: 128, 1024>}, {pipeline_mode = #tpu.pipeline_mode<synchronous>, transform_indices = @transform_3, window_bounds = array<i64: 128, 128>}, {pipeline_mode = #tpu.pipeline_mode<synchronous>, transform_indices = @transform_4, window_bounds = array<i64: 1, 1024>}, {pipeline_mode = #tpu.pipeline_mode<synchronous>, transform_indices = @transform_5, window_bounds = array<i64: 128, 128>}, {pipeline_mode = #tpu.pipeline_mode<synchronous>, transform_indices = @transform_6, window_bounds = array<i64: 1, 128>}, {pipeline_mode = #tpu.pipeline_mode<synchronous>, transform_indices = @transform_7, window_bounds = array<i64: 128, 128>}, {pipeline_mode = #tpu.pipeline_mode<synchronous>, transform_indices = @transform_8, window_bounds = array<i64: 1, 128>}, {pipeline_mode = #tpu.pipeline_mode<synchronous>, transform_indices = @transform_9, window_bounds = array<i64: 1, 128>}, {pipeline_mode = #tpu.pipeline_mode<synchronous>, transform_indices = @transform_10, window_bounds = array<i64: 1, 1>}, {pipeline_mode = #tpu.pipeline_mode<synchronous>, transform_indices = @transform_11, window_bounds = array<i64: 1, 1>}]} {
    %get3A = arith.constant 0 : index
    %get3A_0 = arith.constant 0 : index
    %get3A_1 = arith.constant 0 : index
    %get3A_2 = vector.load %arg1[%get3A, %get3A_0, %get3A_1] : memref<2x256x128xf32, #tpu.memory_space<vmem>>, vector<1x256x128xf32>
    %get3A_3 = vector.shape_cast %get3A_2 : vector<1x256x128xf32> to vector<256x128xf32>
    %get3A_4 = arith.constant 1 : index
    %get3A_5 = arith.constant 0 : index
    %get3A_6 = arith.constant 0 : index
    %get3A_7 = vector.load %arg1[%get3A_4, %get3A_5, %get3A_6] : memref<2x256x128xf32, #tpu.memory_space<vmem>>, vector<1x256x128xf32>
    %get3A_8 = vector.shape_cast %get3A_7 : vector<1x256x128xf32> to vector<256x128xf32>
    %add3A = arith.addf %get3A_3, %get3A_8 : vector<256x128xf32>
    %get3A_9 = arith.constant 0 : index
    %get3A_10 = arith.constant 0 : index
    %get3A_11 = vector.load %arg4[%get3A_9, %get3A_10] : memref<128x128xf32, #tpu.memory_space<vmem>>, vector<128x128xf32>
    %dot_general3A = arith.constant dense<0.000000e+00> : vector<256x128xf32>
    %dot_general3A_12 = tpu.matmul %add3A, %get3A_11, %dot_general3A {dimension_numbers = #tpu.dot_dimension_numbers<[1], [0], [0], [1], [0, 0, 1, 1], [], []>, transpose_lhs_hint = false} : vector<256x128xf32>, vector<128x128xf32>, vector<256x128xf32> -> vector<256x128xf32>
    %max3A = arith.constant 1.000000e+00 : f32
    %max3A_13 = vector.broadcast %max3A : f32 to vector<256x128xf32>
    %max3A_14 = arith.maximumf %dot_general3A_12, %max3A_13 : vector<256x128xf32>
    %get3A_15 = arith.constant 0 : index
    %get3A_16 = arith.constant 0 : index
    %get3A_17 = vector.load %arg2[%get3A_15, %get3A_16] : memref<256x128xf32, #tpu.memory_space<vmem>>, vector<256x128xf32>
    %div3A = arith.divf %add3A, %max3A_14 : vector<256x128xf32>
    %add3A_18 = arith.addf %get3A_17, %div3A : vector<256x128xf32>
    %get3A_19 = arith.constant 0 : index
    %get3A_20 = arith.constant 0 : index
    %get3A_21 = vector.load %arg3[%get3A_19, %get3A_20] : memref<128x1024xf32, #tpu.memory_space<vmem>>, vector<128x1024xf32>
    %dot_general3A_22 = arith.constant dense<0.000000e+00> : vector<256x1024xf32>
    %dot_general3A_23 = tpu.matmul %add3A_18, %get3A_21, %dot_general3A_22 {dimension_numbers = #tpu.dot_dimension_numbers<[1], [0], [0], [1], [0, 0, 1, 1], [], []>, transpose_lhs_hint = false} : vector<256x128xf32>, vector<128x1024xf32>, vector<256x1024xf32> -> vector<256x1024xf32>
    %get3A_24 = arith.constant 0 : index
    %get3A_25 = arith.constant 0 : index
    %get3A_26 = vector.load %arg5[%get3A_24, %get3A_25] : memref<1x1024xf32, #tpu.memory_space<vmem>>, vector<1x1024xf32>
    %add3A_27 = vector.broadcast %get3A_26 : vector<1x1024xf32> to vector<256x1024xf32>
    %add3A_28 = arith.addf %dot_general3A_23, %add3A_27 : vector<256x1024xf32>
    %max3A_29 = arith.constant 0.000000e+00 : f32
    %max3A_30 = vector.broadcast %max3A_29 : f32 to vector<256x1024xf32>
    %max3A_31 = arith.maximumf %add3A_28, %max3A_30 : vector<256x1024xf32>
    %reshape3A = vector.shape_cast %max3A_31 : vector<256x1024xf32> to vector<2048x128xf32>
    %get3A_32 = arith.constant 0 : index
    %get3A_33 = arith.constant 0 : index
    %get3A_34 = vector.load %arg6[%get3A_32, %get3A_33] : memref<128x128xf32, #tpu.memory_space<vmem>>, vector<128x128xf32>
    %dot_general3A_35 = arith.constant dense<0.000000e+00> : vector<2048x128xf32>
    %dot_general3A_36 = tpu.matmul %reshape3A, %get3A_34, %dot_general3A_35 {dimension_numbers = #tpu.dot_dimension_numbers<[1], [0], [0], [1], [0, 0, 1, 1], [], []>, transpose_lhs_hint = false} : vector<2048x128xf32>, vector<128x128xf32>, vector<2048x128xf32> -> vector<2048x128xf32>
    %get3A_37 = arith.constant 0 : index
    %get3A_38 = arith.constant 0 : index
    %get3A_39 = vector.load %arg7[%get3A_37, %get3A_38] : memref<1x128xf32, #tpu.memory_space<vmem>>, vector<1x128xf32>
    %add3A_40 = vector.broadcast %get3A_39 : vector<1x128xf32> to vector<2048x128xf32>
    %add3A_41 = arith.addf %dot_general3A_36, %add3A_40 : vector<2048x128xf32>
    %max3A_42 = arith.constant 0.000000e+00 : f32
    %max3A_43 = vector.broadcast %max3A_42 : f32 to vector<2048x128xf32>
    %max3A_44 = arith.maximumf %add3A_41, %max3A_43 : vector<2048x128xf32>
    %get3A_45 = arith.constant 0 : index
    %get3A_46 = arith.constant 0 : index
    %get3A_47 = vector.load %arg8[%get3A_45, %get3A_46] : memref<128x128xf32, #tpu.memory_space<vmem>>, vector<128x128xf32>
    %dot_general3A_48 = arith.constant dense<0.000000e+00> : vector<2048x128xf32>
    %dot_general3A_49 = tpu.matmul %max3A_44, %get3A_47, %dot_general3A_48 {dimension_numbers = #tpu.dot_dimension_numbers<[1], [0], [0], [1], [0, 0, 1, 1], [], []>, transpose_lhs_hint = false} : vector<2048x128xf32>, vector<128x128xf32>, vector<2048x128xf32> -> vector<2048x128xf32>
    %get3A_50 = arith.constant 0 : index
    %get3A_51 = arith.constant 0 : index
    %get3A_52 = vector.load %arg9[%get3A_50, %get3A_51] : memref<1x128xf32, #tpu.memory_space<vmem>>, vector<1x128xf32>
    %add3A_53 = vector.broadcast %get3A_52 : vector<1x128xf32> to vector<2048x128xf32>
    %add3A_54 = arith.addf %dot_general3A_49, %add3A_53 : vector<2048x128xf32>
    %max3A_55 = arith.constant 0.000000e+00 : f32
    %max3A_56 = vector.broadcast %max3A_55 : f32 to vector<2048x128xf32>
    %max3A_57 = arith.maximumf %add3A_54, %max3A_56 : vector<2048x128xf32>
    %iota3A = tpu.iota {dimensions = array<i32: 0>} : vector<2048x128xi32>
    %mul3A = arith.constant 2048 : i32
    %mul3A_58 = arith.muli %arg0, %mul3A : i32
    %add3A_59 = vector.broadcast %mul3A_58 : i32 to vector<2048x128xi32>
    %add3A_60 = arith.addi %iota3A, %add3A_59 : vector<2048x128xi32>
    %lt3A = arith.constant 100000 : i32
    %lt3A_61 = vector.broadcast %lt3A : i32 to vector<2048x128xi32>
    %lt3A_62 = arith.cmpi slt, %add3A_60, %lt3A_61 : vector<2048x128xi32>
    %jit3A = arith.constant 0.000000e+00 : f32
    %broadcast_in_dim3A = vector.broadcast %jit3A : f32 to vector<2048x128xf32>
    %select_n3A = arith.select %lt3A_62, %max3A_57, %broadcast_in_dim3A : vector<2048x128xi1>, vector<2048x128xf32>
    %reduce_sum3A = arith.constant dense<0.000000e+00> : vector<128xf32>
    %reduce_sum3A_63 = vector.multi_reduction <add>, %select_n3A, %reduce_sum3A [0] : vector<2048x128xf32> to vector<128xf32>
    %broadcast_in_dim3A_64 = vector.shape_cast %reduce_sum3A_63 : vector<128xf32> to vector<1x128xf32>
    %eq3A = arith.constant 0 : i32
    %eq3A_65 = arith.cmpi eq, %arg0, %eq3A : i32
    %convert_element_type3A = arith.extui %eq3A_65 : i1 to i32
    %cond3A = arith.constant 0 : i32
    %cond3A_66 = arith.cmpi ne, %convert_element_type3A, %cond3A : i32
    scf.if %cond3A_66 {
      %swap3A = arith.constant 0 : index
      %swap3A_76 = arith.constant 0 : index
      %swap3A_77 = vector.load %arg13[%swap3A, %swap3A_76] : memref<1x128xf32, #tpu.memory_space<vmem>>, vector<1x128xf32>
      tpu.vector_store %arg13[%swap3A, %swap3A_76], %broadcast_in_dim3A_64 {strides = array<i32>} : memref<1x128xf32, #tpu.memory_space<vmem>>, vector<1x128xf32>,
    } else {
    }
    %gt3A = arith.constant 0 : i32
    %gt3A_67 = arith.cmpi sgt, %arg0, %gt3A : i32
    %convert_element_type3A_68 = arith.extui %gt3A_67 : i1 to i32
    %cond3A_69 = arith.constant 0 : i32
    %cond3A_70 = arith.cmpi ne, %convert_element_type3A_68, %cond3A_69 : i32
    scf.if %cond3A_70 {
      %get3A_76 = arith.constant 0 : index
      %get3A_77 = arith.constant 0 : index
      %get3A_78 = vector.load %arg13[%get3A_76, %get3A_77] : memref<1x128xf32, #tpu.memory_space<vmem>>, vector<1x128xf32>
      %add3A_79 = arith.addf %get3A_78, %broadcast_in_dim3A_64 : vector<1x128xf32>
      %swap3A = arith.constant 0 : index
      %swap3A_80 = arith.constant 0 : index
      %swap3A_81 = vector.load %arg13[%swap3A, %swap3A_80] : memref<1x128xf32, #tpu.memory_space<vmem>>, vector<1x128xf32>
      tpu.vector_store %arg13[%swap3A, %swap3A_80], %add3A_79 {strides = array<i32>} : memref<1x128xf32, #tpu.memory_space<vmem>>, vector<1x128xf32>,
    } else {
    }
    %eq3A_71 = arith.constant 49 : i32
    %eq3A_72 = arith.cmpi eq, %arg0, %eq3A_71 : i32
    %convert_element_type3A_73 = arith.extui %eq3A_72 : i1 to i32
    %cond3A_74 = arith.constant 0 : i32
    %cond3A_75 = arith.cmpi ne, %convert_element_type3A_73, %cond3A_74 : i32
    scf.if %cond3A_75 {
      %get3A_76 = arith.constant 0 : index
      %get3A_77 = arith.constant 0 : index
      %get3A_78 = vector.load %arg13[%get3A_76, %get3A_77] : memref<1x128xf32, #tpu.memory_space<vmem>>, vector<1x128xf32>
      %div3A_79 = arith.constant 1.000000e+05 : f32
      %div3A_80 = vector.broadcast %div3A_79 : f32 to vector<1x128xf32>
      %div3A_81 = arith.divf %get3A_78, %div3A_80 : vector<1x128xf32>
      %get3A_82 = arith.constant 0 : index
      %get3A_83 = arith.constant 0 : index
      %get3A_84 = vector.load %arg10[%get3A_82, %get3A_83] : memref<1x128xf32, #tpu.memory_space<vmem>>, vector<1x128xf32>
      %mul3A_85 = arith.mulf %div3A_81, %get3A_84 : vector<1x128xf32>
      %reduce_sum3A_86 = arith.constant dense<0.000000e+00> : vector<1xf32>
      %reduce_sum3A_87 = vector.multi_reduction <add>, %mul3A_85, %reduce_sum3A_86 [1] : vector<1x128xf32> to vector<1xf32>
      %broadcast_in_dim3A_88 = vector.shape_cast %reduce_sum3A_87 : vector<1xf32> to vector<1x1xf32>
      %get3A_89 = arith.constant 0 : index
      %get3A_90 = arith.constant 0 : index
      %get3A_91 = vector.load %arg11[%get3A_89, %get3A_90] : memref<1x1xf32, #tpu.memory_space<vmem>>, vector<1x1xf32>
      %add3A_92 = arith.addf %broadcast_in_dim3A_88, %get3A_91 : vector<1x1xf32>
      %tanh3A = math.tanh %add3A_92 : vector<1x1xf32>
      %swap3A = arith.constant 0 : index
      %swap3A_93 = arith.constant 0 : index
      %swap3A_94 = vector.load %arg12[%swap3A, %swap3A_93] : memref<1x1xf32, #tpu.memory_space<vmem>>, vector<1x1xf32>
      tpu.vector_store %arg12[%swap3A, %swap3A_93], %tanh3A {strides = array<i32>} : memref<1x1xf32, #tpu.memory_space<vmem>>, vector<1x1xf32>,
    } else {
    }
    return
  }
  func.func @transform_0(%arg0: i32) -> (i32, i32, i32) {
    %c0_i32 = arith.constant 0 : i32
    %c0_i32_0 = arith.constant 0 : i32
    %c0_i32_1 = arith.constant 0 : i32
    return %c0_i32, %arg0, %c0_i32_0 : i32, i32, i32
  }
  func.func @transform_1(%arg0: i32) -> (i32, i32) {
    %c0_i32 = arith.constant 0 : i32
    %c0_i32_0 = arith.constant 0 : i32
    return %arg0, %c0_i32 : i32, i32
  }
  func.func @transform_2(%arg0: i32) -> (i32, i32) {
    %c0_i32 = arith.constant 0 : i32
    %c0_i32_0 = arith.constant 0 : i32
    %c0_i32_1 = arith.constant 0 : i32
    return %c0_i32, %c0_i32_0 : i32, i32
  }
  func.func @transform_3(%arg0: i32) -> (i32, i32) {
    %c0_i32 = arith.constant 0 : i32
    %c0_i32_0 = arith.constant 0 : i32
    %c0_i32_1 = arith.constant 0 : i32
    return %c0_i32, %c0_i32_0 : i32, i32
  }
  func.func @transform_4(%arg0: i32) -> (i32, i32) {
    %c0_i32 = arith.constant 0 : i32
    %c0_i32_0 = arith.constant 0 : i32
    %c0_i32_1 = arith.constant 0 : i32
    return %c0_i32, %c0_i32_0 : i32, i32
  }
  func.func @transform_5(%arg0: i32) -> (i32, i32) {
    %c0_i32 = arith.constant 0 : i32
    %c0_i32_0 = arith.constant 0 : i32
    %c0_i32_1 = arith.constant 0 : i32
    return %c0_i32, %c0_i32_0 : i32, i32
  }
  func.func @transform_6(%arg0: i32) -> (i32, i32) {
    %c0_i32 = arith.constant 0 : i32
    %c0_i32_0 = arith.constant 0 : i32
    %c0_i32_1 = arith.constant 0 : i32
    return %c0_i32, %c0_i32_0 : i32, i32
  }
  func.func @transform_7(%arg0: i32) -> (i32, i32) {
    %c0_i32 = arith.constant 0 : i32
    %c0_i32_0 = arith.constant 0 : i32
    %c0_i32_1 = arith.constant 0 : i32
    return %c0_i32, %c0_i32_0 : i32, i32
  }
  func.func @transform_8(%arg0: i32) -> (i32, i32) {
    %c0_i32 = arith.constant 0 : i32
    %c0_i32_0 = arith.constant 0 : i32
    %c0_i32_1 = arith.constant 0 : i32
    return %c0_i32, %c0_i32_0 : i32, i32
  }
  func.func @transform_9(%arg0: i32) -> (i32, i32) {
    %c0_i32 = arith.constant 0 : i32
    %c0_i32_0 = arith.constant 0 : i32
    %c0_i32_1 = arith.constant 0 : i32
    return %c0_i32, %c0_i32_0 : i32, i32
  }
  func.func @transform_10(%arg0: i32) -> (i32, i32) {
    %c0_i32 = arith.constant 0 : i32
    %c0_i32_0 = arith.constant 0 : i32
    %c0_i32_1 = arith.constant 0 : i32
    return %c0_i32, %c0_i32_0 : i32, i32
  }
  func.func @transform_11(%arg0: i32) -> (i32, i32) {
    %c0_i32 = arith.constant 0 : i32
    %c0_i32_0 = arith.constant 0 : i32
    %c0_i32_1 = arith.constant 0 : i32
    return %c0_i32, %c0_i32_0 : i32, i32
  }
}

</mosaic_0001>

<sc_bundles>
// kernel: kernel.4.cloned.1.call-start
scs
__scs_entry_jumppad:
0x0: {  	(pc) =	sbr.rel $0x88, $3  }
0x1: {  	(tag) =	ssettag $0x0;
	lr =	simm.s32 $0x1  }
0x2: {  	[smem:$0x3F97] =	sst lr;
	_ =	strace $0xD0000000  }
0x3: {  	_ = 	snop  }
0x4: {  	_ = 	snop  }
0x5: {  	_ = 	snop  }
0x6: {  	_ = 	snop  }
0x7: {  	_ = 	snop  }
__scs_overlays_trampoline_lowered:
0x8: {  	[smem:$0x3FA6] =	sst s0  }
0x9: {  	[smem:$0x3FA7] =	sst s1  }
0xa: {  	[smem:$0x3FA8] =	sst s2  }
0xb: {  	[smem:$0x3FA9] =	sst s3  }
0xc: {  	[smem:$0x3FAA] =	sst s4  }
0xd: {  	[smem:$0x3FAB] =	sst s5  }
0xe: {  	[smem:$0x3FAC] =	sst s6  }
0xf: {  	[smem:$0x3FAD] =	sst s7  }
0x10: {  	[smem:$0x3FAE] =	sst s8  }
0x11: {  	[smem:$0x3FAF] =	sst s9;
	s0 =	simm.s32 @!p0 $0x0  }
0x12: {  	s1 =	sld [smem:$0x3F95];
	s0 =	simm.s32 @p0 $0x1  }
0x13: {  	[smem:$0x3FB0] =	sst s0;
	s0 =	simm.s32 @!p1 $0x0  }
0x14: {  	s2 =	sld [smem:$0x3F94];
	s0 =	simm.s32 @p1 $0x1  }
0x15: {  	[smem:$0x3FB1] =	sst s0;
	s0 =	simm.s32 @!p2 $0x0  }
0x16: {  	s3 =	sld [smem:$0x3FDB];
	s0 =	simm.s32 @p2 $0x1  }
0x17: {  	s4 =	simm.s32 $0x1BF5;
	[smem:$0x3FB3] =	sst s0  }
0x18: {  	s0 =	sld [smem:$0x3F96];
	_ =	swait.ge [sflag:s4], $0x0  }
0x19: {  	s7 =	sld [smem:$0x3F97]  }
0x1a: {  	s8 =	sadd.s32 $0xFFFFE003, lr  }
0x1b: {  	s9 =	sadd.s32 $0xFFFFFEF7, lr;
	s5 =	simm.s32 $0xFFFFFFFF;
	p2 =	slt.u32 s8, $0xFFFFF086  }
0x1c: {  	p1 =	slt.u32 s9, $0xF7A;
	s5 =	simm.s32 @!p2 $0x0  }
0x1d: {  	s5 =	simm.s32 @p1 $0x1;
	p0 =	seq.s32 s7, s2  }
0x1e: {  	s7 =	smul.u32 @!p0 $0xF7A, s2;
	p2 =	seq.s32 @!p0 s5, $0x0  }
0x1f: {  	s9 =	smul.u32 $0xF7A, s1;
	s8 =	simm.s32 @!p0 $0x1BF5;
	p2 =	por !p2, p0  }
0x20: {  	[sflag:s8] =	ssyncset.s32 @!p0 $0xFFFFF086;
	s6 =	sadd.s32 @!p0 s3, s7;
	s7 =	simm.s32 @!p0 $0x108  }
0x21: {  	s3 =	sadd.s32 s3, s9;
	s6 =	sadd.s32 @!p0 $0x88, s6;
	s7 =	simm.s32 @p2 $0x1082  }
0x22: {  	[simem:s7], [sflag:s8] =	dma.local @!p0 [hbm:s6], $0xF7A  }
0x23: {  	s9 =	sor.u32 $0xD0000000, s2;
	s6 =	simm.s32 $0x108;
	_ =	swait.ge @!p0 [sflag:s8], $0x0  }
0x24: {  	s3 =	sadd.s32 $0x88, s3;
	s6 =	simm.s32 @!p1 $0x1082;
	[sflag:s4] =	ssyncset.s32 $0xFFFFF086  }
0x25: {  	[simem:s6], [sflag:s4] =	dma.local [hbm:s3], $0xF7A  }
0x26: {  	[smem:$0x3F97] =	sst s1;
	(tag) =	ssettag s2;
	_ =	strace s9  }
0x27: {  	s1 =	sld [smem:$0x3FA7]  }
0x28: {  	s2 =	sld [smem:$0x3FA8]  }
0x29: {  	s4 =	sld [smem:$0x3FAA]  }
0x2a: {  	p0 =	seq.s32 s5, $0x0;
	s5 =	sld [smem:$0x3FAB]  }
0x2b: {  	s6 =	sld [smem:$0x3FAC]  }
0x2c: {  	s7 =	sld [smem:$0x3FAD]  }
0x2d: {  	s3 =	simm.s32 $0x108;
	s8 =	sld [smem:$0x3FAE]  }
0x2e: {  	s3 =	simm.s32 @!p0 $0x1082;
	s9 =	sld [smem:$0x3FAF]  }
0x2f: {  	lr =	sadd.s32 s0, s3;
	s0 =	sld [smem:$0x3FA6]  }
0x30: {  	s3 =	sld [smem:$0x3FA9]  }
0x31: {  	[smem:$0x3FB2] =	sst s10  }
0x32: {  	s10 =	sld [smem:$0x3FB0];
	_ =	sdelay $0x3  }
0x33: {  	p0 =	seq.s32 s10, $0x1;
	s10 =	sld [smem:$0x3FB2];
	_ =	sdelay $0x3  }
0x34: {  	[smem:$0x3FB2] =	sst s10  }
0x35: {  	s10 =	sld [smem:$0x3FB1];
	_ =	sdelay $0x3  }
0x36: {  	p1 =	seq.s32 s10, $0x1;
	s10 =	sld [smem:$0x3FB2];
	_ =	sdelay $0x3  }
0x37: {  	[smem:$0x3FB2] =	sst s10  }
0x38: {  	s10 =	sld [smem:$0x3FB3]  }
0x39: {  	_ = 	snop;
	(pc) =	sbr.ind lr, $3  }
0x3a: {  	_ = 	snop  }
0x3b: {  	_ = 	snop  }
0x3c: {  	p2 =	seq.s32 s10, $0x1;
	s10 =	sld [smem:$0x3FB2]  }
0x3d: {  	_ =	shalt  }
0x3e: {  	_ =	shalt  }
0x3f: {  	_ =	shalt  }
0x40: {  	_ =	shalt  }
0x41: {  	_ =	shalt  }
0x42: {  	_ =	shalt  }
0x43: {  	_ =	shalt  }
0x44: {  	_ =	shalt  }
0x45: {  	_ =	shalt  }
0x46: {  	_ =	shalt  }
0x47: {  	_ =	shalt  }
0x48: {  	_ =	shalt  }
0x49: {  	_ =	shalt  }
0x4a: {  	_ =	shalt  }
0x4b: {  	_ =	shalt  }
0x4c: {  	_ =	shalt  }
0x4d: {  	_ =	shalt  }
0x4e: {  	_ =	shalt  }
0x4f: {  	_ =	shalt  }
0x50: {  	_ =	shalt  }
0x51: {  	_ =	shalt  }
0x52: {  	_ =	shalt  }
0x53: {  	_ =	shalt  }
0x54: {  	_ =	shalt  }
0x55: {  	_ =	shalt  }
0x56: {  	_ =	shalt  }
0x57: {  	_ =	shalt  }
0x58: {  	_ =	shalt  }
0x59: {  	_ =	shalt  }
0x5a: {  	_ =	shalt  }
0x5b: {  	_ =	shalt  }
0x5c: {  	_ =	shalt  }
0x5d: {  	_ =	shalt  }
0x5e: {  	_ =	shalt  }
0x5f: {  	_ =	shalt  }
0x60: {  	_ =	shalt  }
0x61: {  	_ =	shalt  }
0x62: {  	_ =	shalt  }
0x63: {  	_ =	shalt  }
0x64: {  	_ =	shalt  }
0x65: {  	_ =	shalt  }
0x66: {  	_ =	shalt  }
0x67: {  	_ =	shalt  }
0x68: {  	_ =	shalt  }
0x69: {  	_ =	shalt  }
0x6a: {  	_ =	shalt  }
0x6b: {  	_ =	shalt  }
0x6c: {  	_ =	shalt  }
0x6d: {  	_ =	shalt  }
0x6e: {  	_ =	shalt  }
0x6f: {  	_ =	shalt  }
0x70: {  	_ =	shalt  }
0x71: {  	_ =	shalt  }
0x72: {  	_ =	shalt  }
0x73: {  	_ =	shalt  }
0x74: {  	_ =	shalt  }
0x75: {  	_ =	shalt  }
0x76: {  	_ =	shalt  }
0x77: {  	_ =	shalt  }
0x78: {  	_ =	shalt  }
0x79: {  	_ =	shalt  }
0x7a: {  	_ =	shalt  }
0x7b: {  	_ =	shalt  }
0x7c: {  	_ =	shalt  }
0x7d: {  	_ =	shalt  }
0x7e: {  	_ =	shalt  }
0x7f: {  	_ =	shalt  }
0x80: {  	_ =	shalt  }
0x81: {  	_ =	shalt  }
0x82: {  	_ =	shalt  }
0x83: {  	_ =	shalt  }
0x84: {  	_ =	shalt  }
0x85: {  	_ =	shalt  }
0x86: {  	_ =	shalt  }
0x87: {  	_ =	shalt  }
.Lfunc_end0:
.L_simem_size_0:
called_computation.1_lowered:
.L_overlay_start_0:
0x88: {  	s2 =	sld [smem:$0x3FD9]  }
0x89: {  	s3 =	sld [smem:$0x3FFE];
	_ =	sdelay $0x1  }
0x8a: {  	s1 =	srdreg.scid  }
0x8b: {  	s0 =	sand.u32 $0x1, s1  }
0x8c: {  	s16 =	sshll.u32 s0, $0xA;
	s2 =	sadd.s32 s3, s2  }
0x8d: {  	s2 =	sadd.s32 s2, s16  }
0x8e: {  	[smem:$0x3FBE] =	sst s2  }
0x8f: {  	_ = 	snop  }
0x90: {  	(tm) =	ssettm $0x1  }
0x91: {  	s17 =	sld [smem:$0x3FFB];
	_ =	sdelay $0x3  }
0x92: {  	_ =	strace s17  }
0x93: {  	s2 =	sld [smem:$0x3FFC];
	_ =	sdelay $0x3  }
0x94: {  	_ =	strace s2  }
0x95: {  	s2 =	sld [smem:$0x3FFD];
	_ =	sdelay $0x3  }
0x96: {  	_ =	strace s2  }
0x97: {  	_ =	strace $0x8FFFFFFF  }
0x98: {  	s18 =	sld [smem:$0x3FDB];
	_ =	sdelay $0x1  }
0x99: {  	s19 =	simm.s32 $_scs_section_size  }
0x9a: {  	s4 =	simm.s32 $_size__tile_overlayer_lowered;
	s5 =	simm.s32 $_tile_overlayer_lowered  }
0x9b: {  	s22 =	simm.s32 $0x1BFF;
	s21 =	sshll.u32 s5, $0x1;
	s2 =	sadd.s32 s19, s18  }
0x9c: {  	s6 =	simm.s32 $0x0;
	s20 =	sshll.u32 s4, $0x1;
	s4 =	sadd.s32 s21, s2  }
0x9d: {  	[timem:s6], [sflag:s22] =	dma.local [hbm:s4], s20  }
0x9e: {  	_ =	swait.ge [sflag:s22], s20  }
0x9f: {  	s3 =	ssub.s32 $0x0, s20;
	[sflag:s22] =	ssyncset.done $0x0  }
0xa0: {  	[sflag:s22] =	ssyncadd.s32 s3;
	_ =	sdelay $0x1  }
0xa1: {  	s23 =	simm.s32 $0x1B8B  }
0xa2: {  	_ =	swait.ge [sflag:s23], $0x1  }
0xa3: {  	[sflag:s23] =	ssyncset.done $0x0  }
0xa4: {  	s25 =	simm.s32 $0x1B8E;
	s24 =	sld [smem:$0x3FFE];
	[sflag:s23] =	ssyncadd.s32 $0xFFFFFFFF  }
0xa5: {  	s26 =	simm.s32 $execute0_lowered;
	[smem:$0x3FD2] =	sst s25  }
0xa6: {  	s4 =	sshll.u32 s26, $0x1;
	_ =	strace $0x80000049;
	[dreg:$0x1] =	wrdreg $0xFFFFFFFF  }
0xa7: {  	s28 =	simm.s32 $_size_execute0_lowered;
	s2 =	sadd.s32 s2, s4;
	[dreg:$0x0] =	wrdreg $0x0  }
0xa8: {  	s4 =	sshll.u32 s28, $0x1;
	[dreg:$0x2] =	wrdreg s2  }
0xa9: {  	[dreg:$0x3] =	wrdreg s4  }
0xaa: {  	[dreg:$0x4] =	wrdreg $0xC0  }
0xab: {  	_ =	task [dreg:s6], $0x5FFFF  }
0xac: {  	[dreg:$0x1] =	wrdreg $0xFFFFFFFF  }
0xad: {  	[dreg:$0x0] =	wrdreg $0x60  }
0xae: {  	[dreg:$0x2] =	wrdreg s24  }
0xaf: {  	[dreg:$0x3] =	wrdreg $0x5A000  }
0xb0: {  	[dreg:$0x4] =	wrdreg $0x9  }
0xb1: {  	_ =	task.clear_ibuf [dreg:s6], $0x5FFFF;
	_ =	strace $0x90000049  }
0xb2: {  	s29 =	simm.s32 $0x9;
	_ =	strace $0x8000004B  }
0xb3: {  	_ =	swait.ge [sflag:s29], $0x1  }
0xb4: {  	[sflag:s29] =	ssyncadd.s32 $0xFFFFFFFF  }
0xb5: {  	_ =	strace $0x9000004B  }
0xb6: {  	_ =	sfence  }
0xb7: {  	s30 =	sld [smem:$0x0];
	_ =	sdelay $0x2  }
0xb8: {  	s31 =	sshll.u32 s1, $0xD;
	s1 =	sshrl.u32 s1, $0x2  }
0xb9: {  	s3 =	sand.u32 $0x4000, s31;
	s1 =	sadd.s32 s1, s30  }
0xba: {  	s0 =	sor.u32 s3, s0;
	s1 =	sshll.u32 s1, $0x11  }
0xbb: {  	s0 =	sor.u32 s1, s0  }
0xbc: {  	s0 =	sadd.s32 $0x8F2B, s0  }
0xbd: {  	[sflag:s0] =	ssyncadd.remote.s32 $0x1  }
0xbe: {  	_ =	sfence.sel $0xFFFF  }
0xbf: {  	[dreg:$0x0] =	wrdreg $0xFFFFFFFF;
	(pc) =	sbr.abs _section_cstart, $3  }
0xc0: {  	[dreg:$0x1] =	wrdreg $0xFFFFFFFF  }
0xc1: {  	_ =	task.clear_ibuf [dreg:s6], $0x2FFFF;
	_ =	strace $0x9FFFFFFF  }
0xc2: {  	(tm) =	ssettm $0x7FFFFFFF  }
0xc3: {  	_ =	shalt  }
tec
execute0_lowered:
.L_overlay_start_1:
0x0: {  	(tag) =	ssettag $0x1  }
0x1: {  	s0 =	rddreg [dreg:$0x0]  }
0x2: {  	s1 =	rddreg [dreg:$0x1];
	s2 =	simm.s32 $0x0;
	s4 =	srdreg.scid  }
0x3: {  	s20 =	stileid.u32;
	s13 =	simm.s32 $0x7;
	s17 =	simm.s32 $0x80  }
0x4: {  	s18 =	simm.s32 $0xA00;
	s28 =	simm.s32 $0x2A00;
	s29 =	simm.s32 $0x1  }
0x5: {  	s31 =	simm.s32 $0x180;
	s15 =	simm.s32 $0x2;
	s14 =	simm.s32 $0x680  }
0x6: {  	s16 =	simm.s32 $0x5200;
	s30 =	simm.s32 $0x0;
	s3 =	sadd.s32 $0x318400, s0  }
0x7: {  	[smem:$0x7FF] =	sst s2;
	s5 =	sadd.s32 $0x1A00, s0;
	s19 =	sadd.s32 $0x188400, s0  }
0x8: {  	s4 =	sand.u32 $0x1, s4;
	s10 =	smul.u32 $0x19000, s20;
	s23 =	sshll.u32 s20, $0x6  }
0x9: {  	_ =	strace $0x8000004A;
	[dreg:$0x3] =	wrdreg s19;
	s6 =	smul.u32 $0x32000, s4  }
0xa: {  	s7 =	ssub.s32 $0x2, s4;
	s4 =	sshll.u32 s4, $0x4;
	s12 =	sor.u32 $0x1C07, s23  }
0xb: {  	s19 =	simm.s32 $0x500;
	s23 =	simm.s32 $0x580;
	[dreg:$0x9] =	wrdreg s30  }
0xc: {  	s8 =	sshrl.u32 s7, $0x1;
	s4 =	sor.u32 s20, s4;
	s22 =	sadd.s32 s10, s1  }
0xd: {  	s25 =	sshrl.u32 s10, $0x3;
	s20 =	simm.s32 $0x1200;
	s10 =	simm.s32 $0x4200  }
0xe: {  	[dreg:$0x4] =	wrdreg s12;
	s0 =	sadd.s32 s6, s0;
	s21 =	ssub.s32 s7, s8  }
0xf: {  	s11 =	smul.u32 $0x61D0, s4;
	p0 =	seq.s32 s4, $0x1F;
	s8 =	simm.s32 $0x129  }
0x10: {  	s9 =	smul.u32 $0x139, s4;
	s7 =	sshrl.u32 s22, $0x3;
	s22 =	simm.s32 $0x1A00  }
0x11: {  	s4 =	simm.s32 $0x3;
	s6 =	simm.s32 $0x600;
	s8 =	simm.s32 @!p0 $0x139  }
.Ltmp0:
0x12: {  	s0 =	sadd.s32 $0x18B600, s0;
	s26 =	smax.u32 s21, $0x1;
	(pc) =	sbr.rel .LBB2_1-.Ltmp0, $4  }
0x13: {  	s21 =	simm.s32 $0x3200;
	[dreg:$0x7] =	wrdreg s7;
	s24 =	sadd.s32 s5, s11  }
0x14: {  	[dreg:$0x6] =	wrdreg s26;
	s0 =	sadd.s32 s25, s0;
	s25 =	simm.s32 $0x2200  }
0x15: {  	s26 =	simm.s32 $0x3A00;
	s11 =	simm.s32 $0x4A00;
	[dreg:$0x5] =	wrdreg s24  }
0x16: {  	[dreg:$0x8] =	wrdreg s0;
	s0 =	simm.s32 $0x200;
	s24 =	simm.s32 $0x700  }
.LBB2_6:
0x17: {  	_ =	swait.ge [sflag:s4], $0x800  }
0x18: {  	[sflag:s4] =	ssyncset.done $0x0  }
0x19: {  	[sflag:s4] =	ssyncadd.s32 $0xFFFFF800  }
0x1a: {  	_ =	swait.ge [sflag:s4], $0x800  }
0x1b: {  	[sflag:s4] =	ssyncset.done $0x0  }
0x1c: {  	[sflag:s4] =	ssyncadd.s32 $0xFFFFF800  }
0x1d: {  	_ =	swait.ge [sflag:s4], $0x800  }
0x1e: {  	[sflag:s4] =	ssyncset.done $0x0  }
0x1f: {  	[sflag:s4] =	ssyncadd.s32 $0xFFFFF800  }
0x20: {  	_ =	swait.ge [sflag:s4], $0x800  }
0x21: {  	[sflag:s4] =	ssyncset.done $0x0  }
0x22: {  	[sflag:s4] =	ssyncadd.s32 $0xFFFFF800  }
0x23: {  	_ =	swait.ge [sflag:s4], $0x800  }
0x24: {  	[sflag:s4] =	ssyncset.done $0x0  }
0x25: {  	[sflag:s4] =	ssyncadd.s32 $0xFFFFF800  }
0x26: {  	[bflag:$0x0] =	sbarrier.arrive $0xFFFF  }
0x27: {  	s12 =	rddreg [dreg:$0x4]  }
0x28: {  	s7 =	rddreg [dreg:$0x7]  }
0x29: {  	s13 =	simm.s32 $0x7;
	s2 =	rddreg [dreg:$0x8]  }
0x2a: {  	[hbm:s2], [sflag:s12] =	dma.local [spmem:s7], $0x3200  }
0x2b: {  	_ =	swait.ge [sflag:s13], $0x3200  }
0x2c: {  	s30 =	rddreg [dreg:$0x9]  }
0x2d: {  	s2 =	rddreg [dreg:$0x6];
	s30 =	sadd.s32 $0x1, s30  }
0x2e: {  	p0 =	sne.s32 s30, s2  }
.Ltmp1:
0x2f: {  	_ = 	snop;
	(pc) =	sbr.rel @!p0 .LBB2_7-.Ltmp1, $3  }
0x30: {  	_ =	sdelay $0x1  }
0x31: {  	[sflag:s13] =	ssyncset.done $0x0  }
0x32: {  	[sflag:s13] =	ssyncadd.s32 $0xFFFFCE00;
	[dreg:$0x9] =	wrdreg s30  }
.LBB2_1:
0x33: {  	s2 =	rddreg [dreg:$0x3]  }
0x34: {  	[spmem:s7], [sflag:s12] =	dma.local [hbm:s2], $0x3200  }
0x35: {  	_ =	swait.ge [sflag:s13], $0x3200  }
0x36: {  	[sflag:s13] =	ssyncset.done $0x0  }
0x37: {  	[sflag:s13] =	ssyncadd.s32 $0xFFFFCE00  }
0x38: {  	s30 =	simm.s32 $0x61A800;
	[bflag:$0x0] =	sbarrier.arrive $0xFFFF  }
0x39: {  	s7 =	simm.s32 $0x0;
	s12 =	simm.s32 $0x280;
	s13 =	rddreg [dreg:$0x5]  }
0x3a: {  	[tilespmem:s7], [sflag:$0x5] =	stream.strided.gather [hbm4b:s13+s12], $0x500, s30, s12, $0x38;
	[tilespmem:$0x1EA00] =	vst v63  }
0x3b: {  	s30 =	simm.s32 $0x5  }
0x3c: {  	_ =	swait.ge [sflag:s30], $0x500  }
0x3d: {  	[sflag:s30] =	ssyncset.done $0x0  }
0x3e: {  	[sflag:s30] =	ssyncadd.s32 $0xFFFFFB00  }
0x3f: {  	[tilespmem:s18], [sflag:$0x1] =	stream.indirect.gather [hbm4b:s3+s17], $0x10, s12, s17, $0xb8;
	[tilespmem:$0x1EA00] =	vst v63  }
0x40: {  	s7 =	simm.s32 $0x300  }
0x41: {  	[tilespmem:s20], [sflag:$0x1] =	stream.indirect.gather [hbm4b:s3+s17], $0x10, s7, s17, $0xb8;
	[tilespmem:$0x1EA00] =	vst v63  }
0x42: {  	s12 =	simm.s32 $0x380  }
0x43: {  	[tilespmem:s22], [sflag:$0x1] =	stream.indirect.gather [hbm4b:s3+s17], $0x10, s12, s17, $0xb8;
	[tilespmem:$0x1EA00] =	vst v63  }
.Ltmp2:
0x44: {  	_ = 	snop;
	(pc) =	sbr.rel .LBB2_2-.Ltmp2, $4  }
0x45: {  	s13 =	simm.s32 $0x400  }
0x46: {  	[tilespmem:s25], [sflag:$0x1] =	stream.indirect.gather [hbm4b:s3+s17], $0x10, s13, s17, $0xb8;
	[tilespmem:$0x1EA00] =	vst v63  }
0x47: {  	s30 =	simm.s32 $0x480;
	s12 =	simm.s32 $0x0  }
0x48: {  	[tilespmem:s28], [sflag:$0x1] =	stream.indirect.gather [hbm4b:s3+s17], $0x10, s30, s17, $0xb8;
	[tilespmem:$0x1EA00] =	vst v63  }
.LBB2_4:
0x49: {  	_ =	swait.ge [sflag:s4], $0x800  }
0x4a: {  	[sflag:s4] =	ssyncset.done $0x0  }
0x4b: {  	[sflag:s4] =	ssyncadd.s32 $0xFFFFF800  }
0x4c: {  	_ =	swait.ge [sflag:s4], $0x800  }
0x4d: {  	[sflag:s4] =	ssyncset.done $0x0  }
0x4e: {  	[sflag:s4] =	ssyncadd.s32 $0xFFFFF800  }
0x4f: {  	_ =	swait.ge [sflag:s4], $0x800  }
0x50: {  	[sflag:s4] =	ssyncset.done $0x0  }
0x51: {  	[sflag:s4] =	ssyncadd.s32 $0xFFFFF800  }
0x52: {  	s12 =	sadd.s32 $0x1, s12;
	_ =	swait.ge [sflag:s4], $0x800  }
0x53: {  	p0 =	sge.u32 s12, s8;
	[sflag:s4] =	ssyncset.done $0x0  }
0x54: {  	s2 =	sadd.s32 @!p0 s9, s12;
	[sflag:s4] =	ssyncadd.s32 $0xFFFFF800  }
0x55: {  	s2 =	smul.u32 @!p0 $0x50, s2;
	_ =	swait.ge [sflag:s4], $0x800  }
0x56: {  	s7 =	simm.s32 @!p0 $0x280;
	s13 =	simm.s32 @!p0 $0x61A800;
	[sflag:s4] =	ssyncset.done $0x0  }
0x57: {  	s30 =	simm.s32 @!p0 $0x0;
	s2 =	sadd.s32 @!p0 s5, s2;
	[sflag:s4] =	ssyncadd.s32 $0xFFFFF800  }
0x58: {  	[tilespmem:s30], [sflag:$0x5] =	stream.strided.gather @!p0 [hbm4b:s2+s7], $0x500, s13, s7, $0x38;
	[tilespmem:$0x1EA00] =	vst v63  }
0x59: {  	_ =	swait.ge [sflag:s15], $0x800  }
0x5a: {  	[sflag:s15] =	ssyncset.done $0x0  }
0x5b: {  	[sflag:s15] =	ssyncadd.s32 $0xFFFFF800  }
0x5c: {  	_ =	swait.ge [sflag:s15], $0x800  }
0x5d: {  	[sflag:s15] =	ssyncset.done $0x0  }
0x5e: {  	[sflag:s15] =	ssyncadd.s32 $0xFFFFF800  }
0x5f: {  	_ =	swait.ge [sflag:s15], $0x800  }
0x60: {  	[sflag:s15] =	ssyncset.done $0x0  }
0x61: {  	[sflag:s15] =	ssyncadd.s32 $0xFFFFF800  }
0x62: {  	_ =	swait.ge [sflag:s15], $0x800  }
0x63: {  	[sflag:s15] =	ssyncset.done $0x0  }
0x64: {  	[sflag:s15] =	ssyncadd.s32 $0xFFFFF800  }
0x65: {  	_ =	swait.ge [sflag:s15], $0x800  }
0x66: {  	[sflag:s15] =	ssyncset.done $0x0  }
0x67: {  	s2 =	simm.s32 @!p0 $0x5;
	[sflag:s15] =	ssyncadd.s32 $0xFFFFF800  }
0x68: {  	_ =	swait.ge @!p0 [sflag:s2], $0x500  }
0x69: {  	[sflag:s2] =	ssyncset.done @!p0 $0x0  }
0x6a: {  	s13 =	simm.s32 @!p0 $0xA00;
	[sflag:s2] =	ssyncadd.s32 @!p0 $0xFFFFFB00;
	s2 =	simm.s32 @!p0 $0x80  }
0x6b: {  	[tilespmem:s13], [sflag:$0x1] =	stream.indirect.gather @!p0 [hbm4b:s3+s2], $0x10, s7, s2, $0xb8;
	[tilespmem:$0x1EA00] =	vst v63  }
0x6c: {  	s7 =	simm.s32 @!p0 $0x300;
	s13 =	simm.s32 @!p0 $0x1200  }
0x6d: {  	[tilespmem:s13], [sflag:$0x1] =	stream.indirect.gather @!p0 [hbm4b:s3+s2], $0x10, s7, s2, $0xb8;
	[tilespmem:$0x1EA00] =	vst v63  }
0x6e: {  	s7 =	simm.s32 @!p0 $0x380;
	s13 =	simm.s32 @!p0 $0x1A00  }
0x6f: {  	[tilespmem:s13], [sflag:$0x1] =	stream.indirect.gather @!p0 [hbm4b:s3+s2], $0x10, s7, s2, $0xb8;
	[tilespmem:$0x1EA00] =	vst v63  }
0x70: {  	s7 =	simm.s32 @!p0 $0x400;
	s13 =	simm.s32 @!p0 $0x2200  }
0x71: {  	[tilespmem:s13], [sflag:$0x1] =	stream.indirect.gather @!p0 [hbm4b:s3+s2], $0x10, s7, s2, $0xb8;
	[tilespmem:$0x1EA00] =	vst v63  }
0x72: {  	s7 =	simm.s32 @!p0 $0x480;
	s13 =	simm.s32 @!p0 $0x2A00  }
0x73: {  	[tilespmem:s13], [sflag:$0x1] =	stream.indirect.gather @!p0 [hbm4b:s3+s2], $0x10, s7, s2, $0xb8;
	[tilespmem:$0x1EA00] =	vst v63  }
0x74: {  	_ = 	snop  }
0x75: {  	[spmem:s1] =	stream.indirect.scatter.add.f32 [tilespmem:s21], [sflag:$0x4], $0x10, s19, s17, $0xb8;
	[tilespmem:$0x1EA00] =	vst v63  }
0x76: {  	_ = 	snop  }
0x77: {  	[spmem:s1] =	stream.indirect.scatter.add.f32 [tilespmem:s26], [sflag:$0x4], $0x10, s23, s17, $0xb8;
	[tilespmem:$0x1EA00] =	vst v63  }
0x78: {  	_ = 	snop  }
0x79: {  	[spmem:s1] =	stream.indirect.scatter.add.f32 [tilespmem:s10], [sflag:$0x4], $0x10, s6, s17, $0xb8;
	[tilespmem:$0x1EA00] =	vst v63  }
0x7a: {  	_ = 	snop  }
0x7b: {  	[spmem:s1] =	stream.indirect.scatter.add.f32 [tilespmem:s11], [sflag:$0x4], $0x10, s14, s17, $0xb8;
	[tilespmem:$0x1EA00] =	vst v63  }
0x7c: {  	_ = 	snop  }
0x7d: {  	[spmem:s1] =	stream.indirect.scatter.add.f32 [tilespmem:s16], [sflag:$0x4], $0x10, s24, s17, $0xb8;
	[tilespmem:$0x1EA00] =	vst v63  }
.LBB2_5:
0x7e: {  	p0 =	sne.s32 s12, s8  }
.Ltmp3:
0x7f: {  	_ = 	snop;
	(pc) =	sbr.rel @!p0 .LBB2_6-.Ltmp3, $1  }
0x80: {  	_ =	sdelay $0x3  }
.LBB2_2:
0x81: {  	s13 =	sand.u32 $0x1, s12  }
0x82: {  	p0 =	seq.s32 s13, $0x1  }
.Ltmp4:
0x83: {  	_ = 	snop;
	(pc) =	sbr.rel @p0 .LBB2_4-.Ltmp4, $1  }
0x84: {  	_ =	sdelay $0x3  }
0x85: {  	p1 =	seq.s32 s12, $0x0  }
0x86: {  	s13 =	simm.s32 @!p1 $0x4  }
0x87: {  	_ =	swait.ge @!p1 [sflag:s13], $0x800  }
0x88: {  	[sflag:s13] =	ssyncset.done @!p1 $0x0  }
0x89: {  	[sflag:s13] =	ssyncadd.s32 @!p1 $0xFFFFF800  }
0x8a: {  	_ =	swait.ge @!p1 [sflag:s13], $0x800  }
0x8b: {  	[sflag:s13] =	ssyncset.done @!p1 $0x0  }
0x8c: {  	[sflag:s13] =	ssyncadd.s32 @!p1 $0xFFFFF800  }
0x8d: {  	_ =	swait.ge @!p1 [sflag:s13], $0x800  }
0x8e: {  	[sflag:s13] =	ssyncset.done @!p1 $0x0  }
0x8f: {  	[sflag:s13] =	ssyncadd.s32 @!p1 $0xFFFFF800  }
0x90: {  	s12 =	sor.u32 $0x1, s12;
	_ =	swait.ge @!p1 [sflag:s13], $0x800  }
0x91: {  	p0 =	sge.u32 s12, s8;
	[sflag:s13] =	ssyncset.done @!p1 $0x0  }
0x92: {  	s2 =	sadd.s32 @!p0 s9, s12;
	[sflag:s13] =	ssyncadd.s32 @!p1 $0xFFFFF800  }
0x93: {  	s2 =	smul.u32 @!p0 $0x50, s2;
	_ =	swait.ge @!p1 [sflag:s13], $0x800  }
0x94: {  	s7 =	simm.s32 @!p0 $0x61A800;
	s30 =	simm.s32 @!p0 $0x500;
	[sflag:s13] =	ssyncset.done @!p1 $0x0  }
0x95: {  	s2 =	sadd.s32 @!p0 s5, s2;
	[sflag:s13] =	ssyncadd.s32 @!p1 $0xFFFFF800;
	s13 =	simm.s32 @!p0 $0x280  }
0x96: {  	[tilespmem:s30], [sflag:$0x6] =	stream.strided.gather @!p0 [hbm4b:s2+s13], $0x500, s7, s13, $0x38;
	[tilespmem:$0x1EA00] =	vst v63  }
0x97: {  	_ =	swait.ge [sflag:s29], $0x800  }
0x98: {  	[sflag:s29] =	ssyncset.done $0x0  }
0x99: {  	[sflag:s29] =	ssyncadd.s32 $0xFFFFF800  }
0x9a: {  	_ =	swait.ge [sflag:s29], $0x800  }
0x9b: {  	[sflag:s29] =	ssyncset.done $0x0  }
0x9c: {  	[sflag:s29] =	ssyncadd.s32 $0xFFFFF800  }
0x9d: {  	_ =	swait.ge [sflag:s29], $0x800  }
0x9e: {  	[sflag:s29] =	ssyncset.done $0x0  }
0x9f: {  	[sflag:s29] =	ssyncadd.s32 $0xFFFFF800  }
0xa0: {  	_ =	swait.ge [sflag:s29], $0x800  }
0xa1: {  	[sflag:s29] =	ssyncset.done $0x0  }
0xa2: {  	[sflag:s29] =	ssyncadd.s32 $0xFFFFF800  }
0xa3: {  	_ =	swait.ge [sflag:s29], $0x800  }
0xa4: {  	[sflag:s29] =	ssyncset.done $0x0  }
0xa5: {  	s2 =	simm.s32 @!p0 $0x6;
	[sflag:s29] =	ssyncadd.s32 $0xFFFFF800  }
0xa6: {  	_ =	swait.ge @!p0 [sflag:s2], $0x500  }
0xa7: {  	s7 =	simm.s32 @!p0 $0x780;
	[sflag:s2] =	ssyncset.done @!p0 $0x0  }
0xa8: {  	s13 =	simm.s32 @!p0 $0x3200;
	[sflag:s2] =	ssyncadd.s32 @!p0 $0xFFFFFB00;
	s2 =	simm.s32 @!p0 $0x80  }
0xa9: {  	[tilespmem:s13], [sflag:$0x2] =	stream.indirect.gather @!p0 [hbm4b:s3+s2], $0x10, s7, s2, $0xb8;
	[tilespmem:$0x1EA00] =	vst v63  }
0xaa: {  	s7 =	simm.s32 @!p0 $0x800;
	s13 =	simm.s32 @!p0 $0x3A00  }
0xab: {  	[tilespmem:s13], [sflag:$0x2] =	stream.indirect.gather @!p0 [hbm4b:s3+s2], $0x10, s7, s2, $0xb8;
	[tilespmem:$0x1EA00] =	vst v63  }
0xac: {  	s7 =	simm.s32 @!p0 $0x880;
	s13 =	simm.s32 @!p0 $0x4200  }
0xad: {  	[tilespmem:s13], [sflag:$0x2] =	stream.indirect.gather @!p0 [hbm4b:s3+s2], $0x10, s7, s2, $0xb8;
	[tilespmem:$0x1EA00] =	vst v63  }
0xae: {  	s7 =	simm.s32 @!p0 $0x900;
	s13 =	simm.s32 @!p0 $0x4A00  }
0xaf: {  	[tilespmem:s13], [sflag:$0x2] =	stream.indirect.gather @!p0 [hbm4b:s3+s2], $0x10, s7, s2, $0xb8;
	[tilespmem:$0x1EA00] =	vst v63  }
0xb0: {  	s7 =	simm.s32 @!p0 $0x980;
	s13 =	simm.s32 @!p0 $0x5200  }
0xb1: {  	[tilespmem:s13], [sflag:$0x2] =	stream.indirect.gather @!p0 [hbm4b:s3+s2], $0x10, s7, s2, $0xb8;
	[tilespmem:$0x1EA00] =	vst v63  }
0xb2: {  	s13 =	simm.s32 $0x0  }
0xb3: {  	[spmem:s1] =	stream.indirect.scatter.add.f32 [tilespmem:s18], [sflag:$0x3], $0x10, s13, s17, $0xb8;
	[tilespmem:$0x1EA00] =	vst v63  }
0xb4: {  	_ = 	snop  }
0xb5: {  	[spmem:s1] =	stream.indirect.scatter.add.f32 [tilespmem:s20], [sflag:$0x3], $0x10, s17, s17, $0xb8;
	[tilespmem:$0x1EA00] =	vst v63  }
0xb6: {  	s30 =	simm.s32 $0x100  }
0xb7: {  	[spmem:s1] =	stream.indirect.scatter.add.f32 [tilespmem:s22], [sflag:$0x3], $0x10, s30, s17, $0xb8;
	[tilespmem:$0x1EA00] =	vst v63  }
.Ltmp5:
0xb8: {  	_ = 	snop;
	(pc) =	sbr.rel .LBB2_5-.Ltmp5, $4  }
0xb9: {  	_ = 	snop  }
0xba: {  	[spmem:s1] =	stream.indirect.scatter.add.f32 [tilespmem:s25], [sflag:$0x3], $0x10, s31, s17, $0xb8;
	[tilespmem:$0x1EA00] =	vst v63  }
0xbb: {  	_ = 	snop  }
0xbc: {  	[spmem:s1] =	stream.indirect.scatter.add.f32 [tilespmem:s28], [sflag:$0x3], $0x10, s0, s17, $0xb8;
	[tilespmem:$0x1EA00] =	vst v63  }
.LBB2_7:
0xbd: {  	_ =	sfence.sel $0x180000  }
0xbe: {  	[bflag:$0x0] =	sbarrier.arrive $0xFFFF  }
0xbf: {  	_ =	strace $0x9000004A  }
0xc0: {  	s0 =	stileid.u32;
	[bflag:$0x2] =	sbarrier.arrive $0xFFFF  }
0xc1: {  	p0 =	sne.s32 s0, $0x0;
	s0 =	rddreg [dreg:$0x2]  }
0xc2: {  	s0 =	sadd.s32 @!p0 $0x100000, s0  }
0xc3: {  	[sflag:s0] =	ssyncadd.tile.s32 @!p0 $0x1;
	_ =	shalt  }
.Lfunc_end2:
_tile_overlayer_lowered:
.L_overlay_start_2:
0xc4: {  	(tag) =	ssettag $0x2  }
0xc5: {  	s0 =	rddreg [dreg:$0x0];
	s2 =	stileid.u32  }
0xc6: {  	s1 =	rddreg [dreg:$0x1];
	p0 =	sne.s32 s2, $0x0  }
0xc7: {  	s3 =	rddreg [dreg:$0x2];
	[bflag:$0x3] =	sbarrier.arrive $0xFFFF;
	s2 =	simm.s32 @!p0 $0x1C07  }
0xc8: {  	[timem:s3], [sflag:s2] =	dma.local @!p0 [hbm:s0], s1  }
0xc9: {  	s0 =	simm.s32 @!p0 $0x7  }
0xca: {  	_ =	swait.ge @!p0 [sflag:s0], s1  }
0xcb: {  	s1 =	ssub.s32 @!p0 $0x0, s1;
	[sflag:s0] =	ssyncset.done @!p0 $0x0  }
0xcc: {  	[sflag:s0] =	ssyncadd.s32 @!p0 s1  }
0xcd: {  	[bflag:$0x3] =	sbarrier.arrive $0xFFFF  }
0xce: {  	_ =	shalt  }

// kernel: sparse-core-data-format-call.cloned.1.call-start
scs
called_computation_lowered:
.L_overlay_start_0:
0x0: {  	s2 =	sld [smem:$0x3FD9]  }
0x1: {  	s3 =	sld [smem:$0x3FFE];
	_ =	sdelay $0x1  }
0x2: {  	s1 =	srdreg.scid  }
0x3: {  	s0 =	sand.u32 $0x1, s1  }
0x4: {  	s18 =	sshll.u32 s0, $0xA;
	s2 =	sadd.s32 s3, s2  }
0x5: {  	s2 =	sadd.s32 s2, s18  }
0x6: {  	[smem:$0x3FBE] =	sst s2  }
0x7: {  	_ = 	snop  }
0x8: {  	s2 =	sld [smem:$0x3FC8];
	(tm) =	ssettm $0x1  }
0x9: {  	s19 =	sld [smem:$0x3FFB];
	_ =	sdelay $0x3  }
0xa: {  	_ =	strace s19  }
0xb: {  	s3 =	sld [smem:$0x3FFC];
	_ =	sdelay $0x3  }
0xc: {  	_ =	strace s3  }
0xd: {  	s3 =	sld [smem:$0x3FFD];
	_ =	sdelay $0x3  }
0xe: {  	_ =	strace s3  }
0xf: {  	_ =	strace $0x8FFFFFFF  }
0x10: {  	s20 =	sld [smem:$0x3FDB];
	_ =	sdelay $0x1  }
0x11: {  	s4 =	simm.s32 $_scs_section_size  }
0x12: {  	s5 =	simm.s32 $_size__tile_overlayer_lowered;
	s6 =	simm.s32 $_tile_overlayer_lowered  }
0x13: {  	s23 =	simm.s32 $0x1BFF;
	s22 =	sshll.u32 s6, $0x1;
	s3 =	sadd.s32 s4, s20  }
0x14: {  	s7 =	simm.s32 $0x0;
	s21 =	sshll.u32 s5, $0x1;
	s5 =	sadd.s32 s22, s3  }
0x15: {  	[timem:s7], [sflag:s23] =	dma.local [hbm:s5], s21  }
0x16: {  	_ =	swait.ge [sflag:s23], s21  }
0x17: {  	s4 =	ssub.s32 $0x0, s21;
	[sflag:s23] =	ssyncset.done $0x0  }
0x18: {  	[sflag:s23] =	ssyncadd.s32 s4;
	_ =	sdelay $0x1  }
0x19: {  	s24 =	simm.s32 $0x1B8B  }
0x1a: {  	_ =	swait.ge [sflag:s24], $0x1  }
0x1b: {  	[sflag:s24] =	ssyncset.done $0x0  }
0x1c: {  	s26 =	simm.s32 $0x1B8E;
	s25 =	sld [smem:$0x3FFE];
	[sflag:s24] =	ssyncadd.s32 $0xFFFFFFFF  }
0x1d: {  	s27 =	simm.s32 $execute0_lowered;
	[smem:$0x3FD2] =	sst s26  }
0x1e: {  	s5 =	sshll.u32 s27, $0x1;
	_ =	strace $0x80000046;
	[dreg:$0x1] =	wrdreg $0xFFFFFFFF  }
0x1f: {  	s28 =	simm.s32 $_size_execute0_lowered;
	s3 =	sadd.s32 s3, s5;
	[dreg:$0x0] =	wrdreg $0x0  }
0x20: {  	s5 =	sshll.u32 s28, $0x1;
	[dreg:$0x2] =	wrdreg s3  }
0x21: {  	[dreg:$0x3] =	wrdreg s5  }
0x22: {  	[dreg:$0x4] =	wrdreg $0xC0  }
0x23: {  	_ =	task [dreg:s7], $0x5FFFF  }
0x24: {  	[dreg:$0x1] =	wrdreg $0xFFFFFFFF  }
0x25: {  	[dreg:$0x0] =	wrdreg $0x60  }
0x26: {  	[dreg:$0x2] =	wrdreg s2  }
0x27: {  	[dreg:$0x3] =	wrdreg s25  }
0x28: {  	[dreg:$0x4] =	wrdreg $0x9  }
0x29: {  	_ =	task.clear_ibuf [dreg:s7], $0x5FFFF;
	_ =	strace $0x90000046  }
0x2a: {  	s29 =	simm.s32 $0x9;
	_ =	strace $0x80000048  }
0x2b: {  	_ =	swait.ge [sflag:s29], $0x1  }
0x2c: {  	[sflag:s29] =	ssyncadd.s32 $0xFFFFFFFF  }
0x2d: {  	_ =	strace $0x90000048  }
0x2e: {  	_ =	sfence  }
0x2f: {  	s30 =	sld [smem:$0x0];
	_ =	sdelay $0x2  }
0x30: {  	s31 =	sshll.u32 s1, $0xD;
	s1 =	sshrl.u32 s1, $0x2  }
0x31: {  	s3 =	sand.u32 $0x4000, s31;
	s1 =	sadd.s32 s1, s30  }
0x32: {  	s0 =	sor.u32 s3, s0;
	s1 =	sshll.u32 s1, $0x11  }
0x33: {  	s0 =	sor.u32 s1, s0  }
0x34: {  	s0 =	sadd.s32 $0x8F2B, s0  }
0x35: {  	[sflag:s0] =	ssyncadd.remote.s32 $0x1  }
0x36: {  	_ =	sfence.sel $0xFFFF  }
0x37: {  	[dreg:$0x0] =	wrdreg $0xFFFFFFFF;
	(pc) =	sbr.abs _section_cstart, $3  }
0x38: {  	[dreg:$0x1] =	wrdreg $0xFFFFFFFF  }
0x39: {  	_ =	task.clear_ibuf [dreg:s7], $0x2FFFF;
	_ =	strace $0x9FFFFFFF  }
0x3a: {  	(tm) =	ssettm $0x7FFFFFFF  }
0x3b: {  	_ =	shalt  }
tec
execute0_lowered:
.L_overlay_start_1:
0x0: {  	(tag) =	ssettag $0x1  }
0x1: {  	s0 =	stileid.u32;
	s7 =	rddreg [dreg:$0x0]  }
0x2: {  	s1 =	srdreg.scid;
	s4 =	rddreg [dreg:$0x1]  }
0x3: {  	s30 =	simm.s32 $0x2;
	s10 =	simm.s32 $0x0;
	s14 =	simm.s32 $0x0  }
0x4: {  	s15 =	simm.s32 $0x0;
	s11 =	simm.s32 $0x0;
	s13 =	simm.s32 $0x0  }
0x5: {  	s2 =	sand.u32 $0x1, s1;
	s3 =	sshll.u32 s0, $0x7;
	s1 =	rddreg [dreg:$0x2]  }
0x6: {  	_ =	strace $0x80000047;
	s5 =	ssub.s32 $0xC300, s3;
	s6 =	ssub.s32 $0x2, s2  }
.Ltmp0:
0x7: {  	s5 =	sshrl.u32 s5, $0xB;
	s8 =	sshrl.u32 s6, $0x1;
	(pc) =	sbr.rel .LBB1_1-.Ltmp0, $4  }
0x8: {  	s4 =	sadd.s32 $0x1A00, s4;
	s9 =	sadd.s32 $0x1, s5;
	s6 =	ssub.s32 s6, s8  }
0x9: {  	s31 =	sshll.u32 s2, $0x4;
	s5 =	simm.s32 $0x1;
	s6 =	smul.u32 s9, s6  }
0xa: {  	s12 =	smov.u32 s3;
	s7 =	sadd.s32 s7, s31;
	[sflag:s5] =	ssyncpa.u1 $0x0  }
0xb: {  	s9 =	simm.s32 $0x0;
	[sflag:s30] =	ssyncpa.u1 $0x0;
	s8 =	sadd.s32 $0x1, s6  }
.LBB1_4:
0xc: {  	s21 =	simm.s32 $0x0  }
.LBB1_8:
0xd: {  	_ =	sdelay $0x3  }
0xe: {  	v6 =	vld [tilespmem:s18+$0xFFFFFFC0];
	[tilespmem:v0+s20+$0x30 ss:$0x1] =	vst.idx.msk @p0 $0xffff, v2  }
0xf: {  	v58 =	vld [tilespmem:s18+$0xFFFFFFD0];
	[tilespmem:v0+s20+$0x40 ss:$0x1] =	vst.idx.msk @p0 $0xffff, v3;
	s21 =	sadd.s32 @p0 $0x80, s21  }
0x10: {  	v59 =	vld [tilespmem:s18+$0xFFFFFFE0];
	[tilespmem:v0+s20+$0x50 ss:$0x1] =	vst.idx.msk @p0 $0xffff, v5;
	s19 =	smov.u32 @p0 s21  }
0x11: {  	v60 =	vld [tilespmem:s18+$0xFFFFFFF0];
	[tilespmem:v0+s20+$0x60 ss:$0x1] =	vst.idx.msk @p0 $0xffff, v4;
	s19 =	sand.u32 $0x3F80, s19  }
0x12: {  	v61 =	vld [tilespmem:s18+$0x0];
	[tilespmem:v0+s19+$0x70 ss:$0x1] =	vst.idx.msk $0xffff, v1  }
0x13: {  	v62 =	vld [tilespmem:s18+$0x10];
	[tilespmem:v0+s19+$0x0 ss:$0x1] =	vst.idx.msk $0xffff, v6  }
0x14: {  	v63 =	vld [tilespmem:s18+$0x20];
	[tilespmem:v0+s19+$0x10 ss:$0x1] =	vst.idx.msk $0xffff, v58  }
0x15: {  	[tilespmem:v0+s19+$0x20 ss:$0x1] =	vst.idx.msk $0xffff, v59  }
0x16: {  	[tilespmem:v0+s19+$0x30 ss:$0x1] =	vst.idx.msk $0xffff, v60  }
0x17: {  	[tilespmem:v0+s19+$0x40 ss:$0x1] =	vst.idx.msk $0xffff, v61  }
0x18: {  	[tilespmem:v0+s19+$0x50 ss:$0x1] =	vst.idx.msk $0xffff, v62  }
0x19: {  	[tilespmem:v0+s19+$0x60 ss:$0x1] =	vst.idx.msk $0xffff, v63  }
.LBB1_9:
0x1a: {  	s18 =	sand.u32 $0x1FFFFFF, s11  }
0x1b: {  	s19 =	smulhi.u32 $0x14F8B59, s18;
	_ =	sdelay $0x1  }
0x1c: {  	s19 =	sshrl.u32 s19, $0x8  }
0x1d: {  	s19 =	smul.u32 $0xC350, s19  }
0x1e: {  	s15 =	smul.u32 $0xC3500, s15  }
0x1f: {  	s18 =	ssub.s32 s18, s19  }
0x20: {  	s15 =	sadd.s32 s4, s15;
	s18 =	sshll.u32 s18, $0x4  }
0x21: {  	s15 =	sadd.s32 s18, s15  }
0x22: {  	[hbm4b:s15+s9] =	stream.linear.scatter [tilespmem:s17], [sflag:$0x2], s16, $0x38;
	[tilespmem:$0x10000] =	vst v63  }
.LBB1_10:
0x23: {  	p0 =	slt.u32 s13, $0x2  }
0x24: {  	p1 =	sgt.s32 @!p0 s14, $0xC2D0  }
0x25: {  	s15 =	smov.u32 s14;
	s16 =	sshra.s32 @!p0 s14, $0x1F;
	p1 =	por !p1, p0  }
0x26: {  	s14 =	sand.u32 @!p0 s16, s14;
	s15 =	simm.s32 @p1 $0xC2D0  }
0x27: {  	s14 =	ssub.s32 @!p0 s15, s14  }
0x28: {  	s14 =	sadd.s32 @!p0 $0xFFFF3D30, s14  }
0x29: {  	s15 =	sshll.u32 @!p0 s14, $0x7  }
0x2a: {  	p1 =	sgt.s32 @!p0 s14, $0x7F;
	s14 =	ssub.s32 @!p0 $0x4000, s15  }
0x2b: {  	s16 =	sadd.s32 $0x800, s12;
	p1 =	por !p1, p0;
	s14 =	sand.u32 @!p0 $0x3FFFFF80, s14  }
0x2c: {  	s14 =	simm.s32 @!p1 $0x0;
	p1 =	sgt.s32 s16, $0xC34F  }
0x2d: {  	s16 =	smov.u32 @p1 s3;
	p1 =	sne.s32 s13, s8  }
.Ltmp1:
0x2e: {  	_ = 	snop;
	(pc) =	sbr.rel @!p1 .LBB1_11-.Ltmp1, $4  }
0x2f: {  	s10 =	sadd.s32 $0x4000, s10;
	s15 =	simm.s32 @!p0 $0x2  }
0x30: {  	_ =	swait.ge @!p0 [sflag:s15], s14;
	s17 =	ssub.s32 @!p0 $0x0, s14;
	s14 =	smov.u32 s11  }
0x31: {  	s13 =	sadd.s32 $0x1, s13;
	s11 =	smov.u32 s12;
	[sflag:s15] =	ssyncset.done @!p0 $0x0  }
0x32: {  	s12 =	smov.u32 s16;
	[sflag:s15] =	ssyncadd.s32 @!p0 s17;
	s15 =	smov.u32 s2  }
.LBB1_1:
0x33: {  	p0 =	sge.u32 s13, s6  }
0x34: {  	p1 =	sgt.s32 @!p0 s12, $0xC2D0  }
0x35: {  	s16 =	smov.u32 s12;
	s17 =	sshra.s32 @!p0 s12, $0x1F;
	p1 =	por !p1, p0  }
0x36: {  	s17 =	sand.u32 @!p0 s17, s12;
	s16 =	simm.s32 @p1 $0xC2D0  }
0x37: {  	s16 =	ssub.s32 @!p0 s16, s17  }
0x38: {  	s31 =	sadd.s32 $0xFFFFFFFF, s13;
	s18 =	sxor.u32 @!p0 $0xFFFFFFFF, s13;
	s16 =	sadd.s32 @!p0 $0xFFFF3D30, s16  }
0x39: {  	s19 =	simm.s32 @!p0 $0x80;
	s20 =	simm.s32 @!p0 $0x100;
	s17 =	sshll.u32 @!p0 s16, $0x7  }
0x3a: {  	p1 =	sgt.s32 @!p0 s16, $0x7F;
	s16 =	ssub.s32 @!p0 $0x4000, s17;
	s17 =	sshll.u32 @!p0 s18, $0xE  }
0x3b: {  	p1 =	por !p1, p0;
	s18 =	sshll.u32 @!p0 s12, $0x5;
	s16 =	sand.u32 @!p0 $0x3FFFFF80, s16  }
0x3c: {  	s17 =	sand.u32 @!p0 $0x4000, s17;
	s18 =	sadd.s32 @!p0 s18, s7;
	s16 =	simm.s32 @!p1 $0x0  }
0x3d: {  	[tilespmem:s17], [sflag:$0x1] =	stream.strided.gather @!p0 [hbm4b:s18+s19], s16, s20, s19, $0x38;
	[tilespmem:$0x10000] =	vst v63  }
0x3e: {  	p0 =	sge.u32 s31, s6  }
.Ltmp2:
0x3f: {  	_ = 	snop;
	(pc) =	sbr.rel @p0 .LBB1_10-.Ltmp2, $1  }
0x40: {  	_ =	sdelay $0x3  }
0x41: {  	p0 =	sgt.s32 s11, $0xC2D0;
	s16 =	smov.u32 s11;
	s17 =	sshra.s32 s11, $0x1F  }
0x42: {  	s16 =	simm.s32 @!p0 $0xC2D0;
	s17 =	sand.u32 s17, s11  }
0x43: {  	s16 =	ssub.s32 s16, s17  }
0x44: {  	s16 =	sadd.s32 $0xFFFF3D30, s16  }
0x45: {  	s30 =	sshll.u32 s16, $0x7  }
0x46: {  	s17 =	ssub.s32 $0x4000, s30  }
0x47: {  	p0 =	sgt.s32 s16, $0x7F;
	s16 =	sand.u32 $0x3FFFFF80, s17;
	s17 =	sadd.s32 $0x80, s11  }
0x48: {  	s16 =	simm.s32 @p0 $0x0;
	p0 =	slt.s32 s17, $0xC350  }
0x49: {  	s17 =	simm.s32 @!p0 $0xC350  }
0x4a: {  	s20 =	ssub.s32 s17, s11  }
0x4b: {  	p0 =	slt.s32 s20, $0x1  }
.Ltmp3:
0x4c: {  	_ = 	snop;
	(pc) =	sbr.rel @p0 .LBB1_9-.Ltmp3, $4  }
0x4d: {  	_ = 	snop  }
0x4e: {  	s19 =	sshll.u32 s13, $0xE;
	_ =	swait.ge [sflag:s5], s16  }
0x4f: {  	s31 =	sand.u32 $0x4000, s19;
	s18 =	ssub.s32 $0x0, s16;
	[sflag:s5] =	ssyncset.done $0x0  }
0x50: {  	s17 =	sor.u32 $0x8000, s31;
	[sflag:s5] =	ssyncadd.s32 s18  }
0x51: {  	p1 =	sne.s32 s20, $0x1  }
.Ltmp4:
0x52: {  	v0 =	vmov s17;
	(pc) =	sbr.rel @!p1 .LBB1_4-.Ltmp4, $4  }
0x53: {  	_ = 	snop  }
0x54: {  	s18 =	sand.u32 $0x4000, s10  }
0x55: {  	s18 =	sor.u32 $0x40, s18  }
0x56: {  	s19 =	simm.s32 $0x0;
	s21 =	sadd.s32 $0xFFFFFFFF, s20;
	p0 =	por $0x0, $0x0;
	v1 =	vld [tilespmem:s18+$0x30]  }
0x57: {  	v4 =	vld [tilespmem:s18+$0xFFFFFFC0]  }
0x58: {  	v6 =	vld [tilespmem:s18+$0xFFFFFFD0]  }
0x59: {  	v7 =	vld [tilespmem:s18+$0xFFFFFFE0];
	p1 =	sne.s32 s21, $0x1  }
.Ltmp5:
0x5a: {  	v2 =	vld [tilespmem:s18+$0xFFFFFFF0];
	s20 =	sand.u32 $0x3F80, s19;
	(pc) =	sbr.rel @!p1 .LBB1_6-.Ltmp5, $4  }
0x5b: {  	v3 =	vld [tilespmem:s18+$0x0];
	[tilespmem:v0+s20+$0x70 ss:$0x1] =	vst.idx.msk $0xffff, v1  }
0x5c: {  	v5 =	vld [tilespmem:s18+$0x10];
	[tilespmem:v0+s20+$0x0 ss:$0x1] =	vst.idx.msk $0xffff, v4  }
0x5d: {  	v4 =	vld [tilespmem:s18+$0x20];
	[tilespmem:v0+s20+$0x10 ss:$0x1] =	vst.idx.msk $0xffff, v6;
	s18 =	sadd.s32 $0x80, s18  }
0x5e: {  	s22 =	sadd.s32 $0xFFFFFFFF, s21;
	p0 =	por $0x1, $0x1;
	s21 =	simm.s32 $0x0;
	[tilespmem:v0+s20+$0x20 ss:$0x1] =	vst.idx.msk $0xffff, v7;
	v1 =	vld [tilespmem:s18+$0x30]  }
.LBB1_7:
0x5f: {  	p1 =	sne.s32 s22, $0x1;
	v6 =	vld [tilespmem:s18+$0xFFFFFFC0];
	[tilespmem:v0+s20+$0x30 ss:$0x1] =	vst.idx.msk $0xffff, v2  }
0x60: {  	v7 =	vld [tilespmem:s18+$0xFFFFFFD0];
	[tilespmem:v0+s20+$0x40 ss:$0x1] =	vst.idx.msk $0xffff, v3  }
0x61: {  	s21 =	sadd.s32 $0x80, s21;
	v8 =	vld [tilespmem:s18+$0xFFFFFFE0];
	[tilespmem:v0+s20+$0x50 ss:$0x1] =	vst.idx.msk $0xffff, v5  }
.Ltmp6:
0x62: {  	v2 =	vld [tilespmem:s18+$0xFFFFFFF0];
	[tilespmem:v0+s20+$0x60 ss:$0x1] =	vst.idx.msk $0xffff, v4;
	s20 =	sand.u32 $0x3F80, s21;
	(pc) =	sbr.rel @p1 .LBB1_7-.Ltmp6, $4  }
0x63: {  	v3 =	vld [tilespmem:s18+$0x0];
	[tilespmem:v0+s20+$0x70 ss:$0x1] =	vst.idx.msk $0xffff, v1  }
0x64: {  	[tilespmem:v0+s20+$0x0 ss:$0x1] =	vst.idx.msk $0xffff, v6;
	v5 =	vld [tilespmem:s18+$0x10]  }
0x65: {  	[tilespmem:v0+s20+$0x10 ss:$0x1] =	vst.idx.msk $0xffff, v7;
	v4 =	vld [tilespmem:s18+$0x20];
	s18 =	sadd.s32 $0x80, s18  }
0x66: {  	s22 =	sadd.s32 $0xFFFFFFFF, s22;
	v1 =	vld [tilespmem:s18+$0x30];
	[tilespmem:v0+s20+$0x20 ss:$0x1] =	vst.idx.msk $0xffff, v8  }
.Ltmp7:
0x67: {  	_ = 	snop;
	(pc) =	sbr.rel .LBB1_8-.Ltmp7, $1  }
0x68: {  	_ =	sdelay $0x3  }
.LBB1_6:
.Ltmp8:
0x69: {  	(pc) =	sbr.rel .LBB1_8-.Ltmp8, $2  }
0x6a: {  	_ =	sdelay $0x2  }
0x6b: {  	s21 =	simm.s32 $0x0  }
.LBB1_11:
0x6c: {  	_ =	sfence.sel $0x180000  }
0x6d: {  	s2 =	simm.s32 $0x1;
	[bflag:$0x0] =	sbarrier.arrive $0xFFFF  }
0x6e: {  	s31 =	simm.s32 $0x2;
	[sflag:s2] =	ssyncpa.u1 $0x1  }
0x6f: {  	[sflag:s31] =	ssyncpa.u1 $0x1  }
0x70: {  	p0 =	sne.s32 s0, $0x0;
	_ =	strace $0x90000047  }
0x71: {  	s0 =	sadd.s32 @!p0 $0x100000, s1;
	[bflag:$0x2] =	sbarrier.arrive $0xFFFF  }
0x72: {  	[sflag:s0] =	ssyncadd.tile.s32 @!p0 $0x1;
	_ =	shalt  }
.Lfunc_end1:
_tile_overlayer_lowered:
.L_overlay_start_2:
0x73: {  	(tag) =	ssettag $0x2  }
0x74: {  	s0 =	rddreg [dreg:$0x0];
	s2 =	stileid.u32  }
0x75: {  	s1 =	rddreg [dreg:$0x1];
	p0 =	sne.s32 s2, $0x0  }
0x76: {  	s3 =	rddreg [dreg:$0x2];
	[bflag:$0x3] =	sbarrier.arrive $0xFFFF;
	s2 =	simm.s32 @!p0 $0x1C01  }
0x77: {  	[timem:s3], [sflag:s2] =	dma.local @!p0 [hbm:s0], s1  }
0x78: {  	s0 =	simm.s32 @!p0 $0x1  }
0x79: {  	_ =	swait.ge @!p0 [sflag:s0], s1  }
0x7a: {  	s1 =	ssub.s32 @!p0 $0x0, s1;
	[sflag:s0] =	ssyncset.done @!p0 $0x0  }
0x7b: {  	[sflag:s0] =	ssyncadd.s32 @!p0 s1  }
0x7c: {  	[bflag:$0x3] =	sbarrier.arrive $0xFFFF  }
0x7d: {  	_ =	shalt  }

</sc_bundles>
